<compile_context>
chip_gen: v7x
topology: tpu7x:2x2x1
jax: 0.10.2.dev20260603
libtpu: 0.0.44.dev20260713+nightly
codegen_flags: <defaults>
</compile_context>

<pallas_src>
import jax
import jax.numpy as jnp
from jax import lax
from jax.experimental import pallas as pl
from jax.experimental.pallas import tpu as pltpu
from jax.experimental.pallas import tpu_sc as plsc

B, D, E = 1024, 2048, 64
NC, NS, L = 2, 16, 16
NW = NC * NS
BPW = B // NW
DC = 512
NDC = D // DC
SUB = 128


def _sc_body(fp_hbm, baset_hbm, deltat_hbm, out_hbm,
             base_v, out_v, fp_v, fpf_v, deltat_v):
    wid = lax.axis_index("s") * NC + lax.axis_index("c")
    b0 = wid * BPW

    pltpu.sync_copy(deltat_hbm, deltat_v)

    for dc in range(NDC):
        pltpu.sync_copy(baset_hbm.at[:, pl.ds(dc * DC, DC)], base_v)

        def b_body(bi, _, dc=dc):
            b = b0 + bi
            pltpu.sync_copy(fp_hbm.at[b, pl.ds(dc * DC, DC)], fp_v)

            def conv_body(i, _):
                off = pl.multiple_of(i * L, L)
                fpf_v[pl.ds(off, L)] = fp_v[pl.ds(off, L)].astype(jnp.float32)
                return _

            lax.fori_loop(0, DC // L, conv_body, None)

            for sub in range(DC // SUB):
                fj = [fpf_v[pl.ds(sub * SUB + j * L, L)]
                      for j in range(SUB // L)]

                def e_body(e, _, sub=sub, fj=fj):
                    dv = deltat_v[e]
                    for j in range(SUB // L):
                        off = sub * SUB + j * L
                        out_v[e, pl.ds(off, L)] = (
                            base_v[e, pl.ds(off, L)] + fj[j] * dv)
                    return _

                lax.fori_loop(0, E, e_body, None)

            pltpu.sync_copy(out_v, out_hbm.at[b, :, pl.ds(dc * DC, DC)])
            return _

        lax.fori_loop(0, BPW, b_body, None)


def kernel(fp, pair_emb, bit_emb, val_emb):
    H = D // 2
    base = (jnp.repeat(pair_emb, 2, axis=0)
            + jnp.tile(bit_emb, (H, 1))
            + val_emb[0][None, :])
    baset = base.T
    deltat = jnp.broadcast_to((val_emb[1] - val_emb[0])[:, None], (E, L))

    mesh = plsc.VectorSubcoreMesh(core_axis_name="c", subcore_axis_name="s")
    outt = pl.kernel(
        _sc_body,
        out_type=jax.ShapeDtypeStruct((B, E, D), jnp.float32),
        mesh=mesh,
        scratch_types=[
            pltpu.VMEM((E, DC), jnp.float32),
            pltpu.VMEM((E, DC), jnp.float32),
            pltpu.VMEM((DC,), jnp.int32),
            pltpu.VMEM((DC,), jnp.float32),
            pltpu.VMEM((E, L), jnp.float32),
        ],
    )(fp, baset, deltat)
    return jnp.swapaxes(outt, 1, 2)

# --- scband reference (transcript-rebuilt; emitter-appended) ---
"""Pipeline reference for scband-fp-embedding-37306085933184 (READ-ONLY COPY).

The authoritative reference and input builder live on the scoring server;
editing this copy changes nothing except your own understanding.
"""

import jax, jax.numpy as jnp
import numpy as np

FP_DIM = 2048
N_EMBD = 64
BATCH = 1024


def setup_inputs(seed: int = 0) -> dict:
    key = jax.random.key(seed)
    k1, k2, k3, k4 = jax.random.split(key, 4)
    fp = jax.random.randint(k1, (BATCH, FP_DIM), 0, 2, dtype=jnp.int64 if jax.config.jax_enable_x64 else jnp.int32)
    pair_emb = jax.random.normal(k2, (FP_DIM // 2, N_EMBD), dtype=jnp.float32) * 0.02
    bit_emb = jax.random.normal(k3, (2, N_EMBD), dtype=jnp.float32) * 0.02
    val_emb = jax.random.normal(k4, (2, N_EMBD), dtype=jnp.float32) * 0.02
    return {"fp": fp, "pair_emb": pair_emb, "bit_emb": bit_emb, "val_emb": val_emb}


def reference(fp, pair_emb, bit_emb, val_emb):
    fp_dim = fp.shape[1]
    # embed = self.val_emb(fp.long())
    embed = jnp.take(val_emb, fp.astype(jnp.int32), axis=0)  # [B, fp_dim, n_embd]
    # pair positional term: arange(fp_dim//2).repeat_interleave(2)
    pair_idx = jnp.repeat(jnp.arange(fp_dim // 2), 2)  # [fp_dim]
    embed = embed + jnp.take(pair_emb, pair_idx, axis=0)[None, :, :]
    # bit positional term: arange(2).repeat(fp_dim//2)  (torch .repeat == tile)
    bit_idx = jnp.tile(jnp.arange(2), fp_dim // 2)  # [fp_dim]
    embed = embed + jnp.take(bit_emb, bit_idx, axis=0)[None, :, :]
    return embed


if False:  # reference __main__ guard neutralized (emitter)
    out = reference(**setup_inputs())
    print(out.shape, out.dtype)

if __name__ == "__main__":
    import jax
    _d = setup_inputs()
    print(jax.jit(kernel)(*tuple(_d.values())))

</pallas_src>

<mosaic_0001>
#map = affine_map<(d0, d1) -> (0, 0)>
#map1 = affine_map<(d0, d1) -> (0, 0, 0)>
module attributes {stable_mosaic.version = 14 : i64} {
  func.func @_sc_body(%arg0: i32, %arg1: i32, %arg2: memref<1024x2048xi32, #tpu.memory_space<hbm>>, %arg3: memref<64x2048xf32, #tpu.memory_space<hbm>>, %arg4: memref<64x16xf32, #tpu.memory_space<hbm>>, %arg5: memref<1024x64x2048xf32, #tpu.memory_space<hbm>>, %arg6: memref<64x512xf32, #tpu.memory_space<vmem>>, %arg7: memref<64x512xf32, #tpu.memory_space<vmem>>, %arg8: memref<512xi32, #tpu.memory_space<vmem>>, %arg9: memref<512xf32, #tpu.memory_space<vmem>>, %arg10: memref<64x16xf32, #tpu.memory_space<vmem>>) attributes {dimension_semantics = [#tpu.dimension_semantics<core_parallel>, #tpu.dimension_semantics<subcore_parallel>], iteration_bounds = array<i64: 2, 16>, scalar_prefetch = 0 : i64, scratch_operands = 5 : i64, tpu.core_type = #tpu.core_type<sc_vector_subcore>, window_params = [{transform_indices = #map}, {transform_indices = #map}, {transform_indices = #map}, {transform_indices = #map1}]} {
    %mul3A = arith.constant 2 : i32
    %mul3A_0 = arith.muli %arg1, %mul3A : i32
    %add3A = arith.addi %mul3A_0, %arg0 : i32
    %mul3A_1 = arith.constant 32 : i32
    %mul3A_2 = arith.muli %add3A, %mul3A_1 : i32
    "tpu.region"() ({
      %run_scoped3A = tpu.sem_alloc : memref<!tpu.dma_semaphore, #tpu.memory_space<semaphore_mem>>
      tpu.enqueue_dma source(%arg4 : memref<64x16xf32, #tpu.memory_space<hbm>>) target(%arg10 : memref<64x16xf32, #tpu.memory_space<vmem>>) target_semaphore(%run_scoped3A : memref<!tpu.dma_semaphore, #tpu.memory_space<semaphore_mem>>)
      tpu.wait_dma2 semaphore(%run_scoped3A : memref<!tpu.dma_semaphore, #tpu.memory_space<semaphore_mem>>) src(%arg4 : memref<64x16xf32, #tpu.memory_space<hbm>>) dst(%arg10 : memref<64x16xf32, #tpu.memory_space<vmem>>)
      tpu.yield
    }) : () -> ()
    "tpu.region"() ({
      %run_scoped3A = tpu.sem_alloc : memref<!tpu.dma_semaphore, #tpu.memory_space<semaphore_mem>>
      %dma_start3A = arith.constant 0 : i32
      %dma_start3A_22 = arith.constant 0 : i32
      %dma_start3A_23 = tpu.memref_slice %arg3[%dma_start3A, %dma_start3A_22] : memref<64x2048xf32, #tpu.memory_space<hbm>> -> memref<64x512xf32, #tpu.memory_space<hbm>>
      %dma_start3A_24 = arith.constant 0 : i32
      %dma_start3A_25 = arith.constant 0 : i32
      %dma_start3A_26 = tpu.memref_slice %arg3[%dma_start3A_24, %dma_start3A_25] : memref<64x2048xf32, #tpu.memory_space<hbm>> -> memref<64x512xf32, #tpu.memory_space<hbm>>
      tpu.enqueue_dma source(%dma_start3A_26 : memref<64x512xf32, #tpu.memory_space<hbm>>) target(%arg6 : memref<64x512xf32, #tpu.memory_space<vmem>>) target_semaphore(%run_scoped3A : memref<!tpu.dma_semaphore, #tpu.memory_space<semaphore_mem>>)
      %dma_wait3A = arith.constant 0 : i32
      %dma_wait3A_27 = arith.constant 0 : i32
      %dma_wait3A_28 = tpu.memref_slice %arg3[%dma_wait3A, %dma_wait3A_27] : memref<64x2048xf32, #tpu.memory_space<hbm>> -> memref<64x512xf32, #tpu.memory_space<hbm>>
      %dma_wait3A_29 = arith.constant 0 : i32
      %dma_wait3A_30 = arith.constant 0 : i32
      %dma_wait3A_31 = tpu.memref_slice %arg3[%dma_wait3A_29, %dma_wait3A_30] : memref<64x2048xf32, #tpu.memory_space<hbm>> -> memref<64x512xf32, #tpu.memory_space<hbm>>
      tpu.wait_dma2 semaphore(%run_scoped3A : memref<!tpu.dma_semaphore, #tpu.memory_space<semaphore_mem>>) src(%dma_wait3A_31 : memref<64x512xf32, #tpu.memory_space<hbm>>) dst(%arg6 : memref<64x512xf32, #tpu.memory_space<vmem>>)
      tpu.yield
    }) : () -> ()
    %scan3A = arith.constant 0 : i32
    %scan3A_3 = arith.constant 32 : i32
    %scan3A_4 = arith.addi %scan3A, %scan3A_3 : i32
    %scan3A_5 = arith.constant 1 : i32
    scf.for %scan3A_22 = %scan3A to %scan3A_4 step %scan3A_5  : i32 {
      %add3A_23 = arith.addi %mul3A_2, %scan3A_22 : i32
      "tpu.region"() ({
        %run_scoped3A = tpu.sem_alloc : memref<!tpu.dma_semaphore, #tpu.memory_space<semaphore_mem>>
        %dma_start3A = arith.constant 0 : i32
        %dma_start3A_144 = tpu.memref_slice %arg2[%add3A_23, %dma_start3A] : memref<1024x2048xi32, #tpu.memory_space<hbm>> -> memref<1x512xi32, #tpu.memory_space<hbm>>
        %dma_start3A_145 = tpu.memref_squeeze %dma_start3A_144 : memref<1x512xi32, #tpu.memory_space<hbm>> -> memref<512xi32, #tpu.memory_space<hbm>>
        %dma_start3A_146 = arith.constant 0 : i32
        %dma_start3A_147 = tpu.memref_slice %arg2[%add3A_23, %dma_start3A_146] : memref<1024x2048xi32, #tpu.memory_space<hbm>> -> memref<1x512xi32, #tpu.memory_space<hbm>>
        %dma_start3A_148 = tpu.memref_squeeze %dma_start3A_147 : memref<1x512xi32, #tpu.memory_space<hbm>> -> memref<512xi32, #tpu.memory_space<hbm>>
        tpu.enqueue_dma source(%dma_start3A_148 : memref<512xi32, #tpu.memory_space<hbm>>) target(%arg8 : memref<512xi32, #tpu.memory_space<vmem>>) target_semaphore(%run_scoped3A : memref<!tpu.dma_semaphore, #tpu.memory_space<semaphore_mem>>)
        %dma_wait3A = arith.constant 0 : i32
        %dma_wait3A_149 = tpu.memref_slice %arg2[%add3A_23, %dma_wait3A] : memref<1024x2048xi32, #tpu.memory_space<hbm>> -> memref<1x512xi32, #tpu.memory_space<hbm>>
        %dma_wait3A_150 = tpu.memref_squeeze %dma_wait3A_149 : memref<1x512xi32, #tpu.memory_space<hbm>> -> memref<512xi32, #tpu.memory_space<hbm>>
        %dma_wait3A_151 = arith.constant 0 : i32
        %dma_wait3A_152 = tpu.memref_slice %arg2[%add3A_23, %dma_wait3A_151] : memref<1024x2048xi32, #tpu.memory_space<hbm>> -> memref<1x512xi32, #tpu.memory_space<hbm>>
        %dma_wait3A_153 = tpu.memref_squeeze %dma_wait3A_152 : memref<1x512xi32, #tpu.memory_space<hbm>> -> memref<512xi32, #tpu.memory_space<hbm>>
        tpu.wait_dma2 semaphore(%run_scoped3A : memref<!tpu.dma_semaphore, #tpu.memory_space<semaphore_mem>>) src(%dma_wait3A_153 : memref<512xi32, #tpu.memory_space<hbm>>) dst(%arg8 : memref<512xi32, #tpu.memory_space<vmem>>)
        tpu.yield
      }) : () -> ()
      %scan3A_24 = arith.constant 0 : i32
      %scan3A_25 = arith.constant 32 : i32
      %scan3A_26 = arith.addi %scan3A_24, %scan3A_25 : i32
      %scan3A_27 = arith.constant 1 : i32
      scf.for %scan3A_144 = %scan3A_24 to %scan3A_26 step %scan3A_27  : i32 {
        %mul3A_145 = arith.constant 16 : i32
        %mul3A_146 = arith.muli %scan3A_144, %mul3A_145 : i32
        %multiple_of3A = tpu.assume_multiple %mul3A_146, 16 : i32
        %get3A_147 = arith.index_cast %multiple_of3A : i32 to index
        %get3A_148 = tpu.vector_load %arg8[%get3A_147] {strides = array<i32>} : memref<512xi32, #tpu.memory_space<vmem>>, vector<16xi32>,
        %get3A_149 = vector.shape_cast %get3A_148 : vector<16xi32> to vector<16xi32>
        %convert_element_type3A = arith.sitofp %get3A_149 : vector<16xi32> to vector<16xf32>
        %swap3A = arith.index_cast %multiple_of3A : i32 to index
        %swap3A_150 = tpu.vector_load %arg9[%swap3A] {strides = array<i32>} : memref<512xf32, #tpu.memory_space<vmem>>, vector<16xf32>,
        %swap3A_151 = vector.shape_cast %swap3A_150 : vector<16xf32> to vector<16xf32>
        %swap3A_152 = vector.shape_cast %convert_element_type3A : vector<16xf32> to vector<16xf32>
        tpu.vector_store %arg9[%swap3A], %swap3A_152 {strides = array<i32>} : memref<512xf32, #tpu.memory_space<vmem>>, vector<16xf32>,
      }
      %scan3A_28 = arith.constant 32 : i32
      %get3A = arith.constant 0 : index
      %get3A_29 = tpu.vector_load %arg9[%get3A] {strides = array<i32>} : memref<512xf32, #tpu.memory_space<vmem>>, vector<16xf32>,
      %get3A_30 = vector.shape_cast %get3A_29 : vector<16xf32> to vector<16xf32>
      %get3A_31 = arith.constant 16 : index
      %get3A_32 = tpu.vector_load %arg9[%get3A_31] {strides = array<i32>} : memref<512xf32, #tpu.memory_space<vmem>>, vector<16xf32>,
      %get3A_33 = vector.shape_cast %get3A_32 : vector<16xf32> to vector<16xf32>
      %get3A_34 = arith.constant 32 : index
      %get3A_35 = tpu.vector_load %arg9[%get3A_34] {strides = array<i32>} : memref<512xf32, #tpu.memory_space<vmem>>, vector<16xf32>,
      %get3A_36 = vector.shape_cast %get3A_35 : vector<16xf32> to vector<16xf32>
      %get3A_37 = arith.constant 48 : index
      %get3A_38 = tpu.vector_load %arg9[%get3A_37] {strides = array<i32>} : memref<512xf32, #tpu.memory_space<vmem>>, vector<16xf32>,
      %get3A_39 = vector.shape_cast %get3A_38 : vector<16xf32> to vector<16xf32>
      %get3A_40 = arith.constant 64 : index
      %get3A_41 = tpu.vector_load %arg9[%get3A_40] {strides = array<i32>} : memref<512xf32, #tpu.memory_space<vmem>>, vector<16xf32>,
      %get3A_42 = vector.shape_cast %get3A_41 : vector<16xf32> to vector<16xf32>
      %get3A_43 = arith.constant 80 : index
      %get3A_44 = tpu.vector_load %arg9[%get3A_43] {strides = array<i32>} : memref<512xf32, #tpu.memory_space<vmem>>, vector<16xf32>,
      %get3A_45 = vector.shape_cast %get3A_44 : vector<16xf32> to vector<16xf32>
      %get3A_46 = arith.constant 96 : index
      %get3A_47 = tpu.vector_load %arg9[%get3A_46] {strides = array<i32>} : memref<512xf32, #tpu.memory_space<vmem>>, vector<16xf32>,
      %get3A_48 = vector.shape_cast %get3A_47 : vector<16xf32> to vector<16xf32>
      %get3A_49 = arith.constant 112 : index
      %get3A_50 = tpu.vector_load %arg9[%get3A_49] {strides = array<i32>} : memref<512xf32, #tpu.memory_space<vmem>>, vector<16xf32>,
      %get3A_51 = vector.shape_cast %get3A_50 : vector<16xf32> to vector<16xf32>
      %scan3A_52 = arith.constant 0 : i32
      %scan3A_53 = arith.constant 64 : i32
      %scan3A_54 = arith.addi %scan3A_52, %scan3A_53 : i32
      %scan3A_55 = arith.constant 1 : i32
      scf.for %scan3A_144 = %scan3A_52 to %scan3A_54 step %scan3A_55  : i32 {
        %get3A_145 = arith.index_cast %scan3A_144 : i32 to index
        %get3A_146 = arith.constant 0 : index
        %get3A_147 = tpu.vector_load %arg10[%get3A_145, %get3A_146] {strides = array<i32>} : memref<64x16xf32, #tpu.memory_space<vmem>>, vector<1x16xf32>,
        %get3A_148 = vector.shape_cast %get3A_147 : vector<1x16xf32> to vector<16xf32>
        %get3A_149 = arith.index_cast %scan3A_144 : i32 to index
        %get3A_150 = arith.constant 0 : index
        %get3A_151 = tpu.vector_load %arg6[%get3A_149, %get3A_150] {strides = array<i32>} : memref<64x512xf32, #tpu.memory_space<vmem>>, vector<1x16xf32>,
        %get3A_152 = vector.shape_cast %get3A_151 : vector<1x16xf32> to vector<16xf32>
        %mul3A_153 = arith.mulf %get3A_30, %get3A_148 : vector<16xf32>
        %add3A_154 = arith.addf %get3A_152, %mul3A_153 : vector<16xf32>
        %swap3A = arith.index_cast %scan3A_144 : i32 to index
        %swap3A_155 = arith.constant 0 : index
        %swap3A_156 = tpu.vector_load %arg7[%swap3A, %swap3A_155] {strides = array<i32>} : memref<64x512xf32, #tpu.memory_space<vmem>>, vector<1x16xf32>,
        %swap3A_157 = vector.shape_cast %swap3A_156 : vector<1x16xf32> to vector<16xf32>
        %swap3A_158 = vector.shape_cast %add3A_154 : vector<16xf32> to vector<1x16xf32>
        tpu.vector_store %arg7[%swap3A, %swap3A_155], %swap3A_158 {strides = array<i32>} : memref<64x512xf32, #tpu.memory_space<vmem>>, vector<1x16xf32>,
        %get3A_159 = arith.index_cast %scan3A_144 : i32 to index
        %get3A_160 = arith.constant 16 : index
        %get3A_161 = tpu.vector_load %arg6[%get3A_159, %get3A_160] {strides = array<i32>} : memref<64x512xf32, #tpu.memory_space<vmem>>, vector<1x16xf32>,
        %get3A_162 = vector.shape_cast %get3A_161 : vector<1x16xf32> to vector<16xf32>
        %mul3A_163 = arith.mulf %get3A_33, %get3A_148 : vector<16xf32>
        %add3A_164 = arith.addf %get3A_162, %mul3A_163 : vector<16xf32>
        %swap3A_165 = arith.index_cast %scan3A_144 : i32 to index
        %swap3A_166 = arith.constant 16 : index
        %swap3A_167 = tpu.vector_load %arg7[%swap3A_165, %swap3A_166] {strides = array<i32>} : memref<64x512xf32, #tpu.memory_space<vmem>>, vector<1x16xf32>,
        %swap3A_168 = vector.shape_cast %swap3A_167 : vector<1x16xf32> to vector<16xf32>
        %swap3A_169 = vector.shape_cast %add3A_164 : vector<16xf32> to vector<1x16xf32>
        tpu.vector_store %arg7[%swap3A_165, %swap3A_166], %swap3A_169 {strides = array<i32>} : memref<64x512xf32, #tpu.memory_space<vmem>>, vector<1x16xf32>,
        %get3A_170 = arith.index_cast %scan3A_144 : i32 to index
        %get3A_171 = arith.constant 32 : index
        %get3A_172 = tpu.vector_load %arg6[%get3A_170, %get3A_171] {strides = array<i32>} : memref<64x512xf32, #tpu.memory_space<vmem>>, vector<1x16xf32>,
        %get3A_173 = vector.shape_cast %get3A_172 : vector<1x16xf32> to vector<16xf32>
        %mul3A_174 = arith.mulf %get3A_36, %get3A_148 : vector<16xf32>
        %add3A_175 = arith.addf %get3A_173, %mul3A_174 : vector<16xf32>
        %swap3A_176 = arith.index_cast %scan3A_144 : i32 to index
        %swap3A_177 = arith.constant 32 : index
        %swap3A_178 = tpu.vector_load %arg7[%swap3A_176, %swap3A_177] {strides = array<i32>} : memref<64x512xf32, #tpu.memory_space<vmem>>, vector<1x16xf32>,
        %swap3A_179 = vector.shape_cast %swap3A_178 : vector<1x16xf32> to vector<16xf32>
        %swap3A_180 = vector.shape_cast %add3A_175 : vector<16xf32> to vector<1x16xf32>
        tpu.vector_store %arg7[%swap3A_176, %swap3A_177], %swap3A_180 {strides = array<i32>} : memref<64x512xf32, #tpu.memory_space<vmem>>, vector<1x16xf32>,
        %get3A_181 = arith.index_cast %scan3A_144 : i32 to index
        %get3A_182 = arith.constant 48 : index
        %get3A_183 = tpu.vector_load %arg6[%get3A_181, %get3A_182] {strides = array<i32>} : memref<64x512xf32, #tpu.memory_space<vmem>>, vector<1x16xf32>,
        %get3A_184 = vector.shape_cast %get3A_183 : vector<1x16xf32> to vector<16xf32>
        %mul3A_185 = arith.mulf %get3A_39, %get3A_148 : vector<16xf32>
        %add3A_186 = arith.addf %get3A_184, %mul3A_185 : vector<16xf32>
        %swap3A_187 = arith.index_cast %scan3A_144 : i32 to index
        %swap3A_188 = arith.constant 48 : index
        %swap3A_189 = tpu.vector_load %arg7[%swap3A_187, %swap3A_188] {strides = array<i32>} : memref<64x512xf32, #tpu.memory_space<vmem>>, vector<1x16xf32>,
        %swap3A_190 = vector.shape_cast %swap3A_189 : vector<1x16xf32> to vector<16xf32>
        %swap3A_191 = vector.shape_cast %add3A_186 : vector<16xf32> to vector<1x16xf32>
        tpu.vector_store %arg7[%swap3A_187, %swap3A_188], %swap3A_191 {strides = array<i32>} : memref<64x512xf32, #tpu.memory_space<vmem>>, vector<1x16xf32>,
        %get3A_192 = arith.index_cast %scan3A_144 : i32 to index
        %get3A_193 = arith.constant 64 : index
        %get3A_194 = tpu.vector_load %arg6[%get3A_192, %get3A_193] {strides = array<i32>} : memref<64x512xf32, #tpu.memory_space<vmem>>, vector<1x16xf32>,
        %get3A_195 = vector.shape_cast %get3A_194 : vector<1x16xf32> to vector<16xf32>
        %mul3A_196 = arith.mulf %get3A_42, %get3A_148 : vector<16xf32>
        %add3A_197 = arith.addf %get3A_195, %mul3A_196 : vector<16xf32>
        %swap3A_198 = arith.index_cast %scan3A_144 : i32 to index
        %swap3A_199 = arith.constant 64 : index
        %swap3A_200 = tpu.vector_load %arg7[%swap3A_198, %swap3A_199] {strides = array<i32>} : memref<64x512xf32, #tpu.memory_space<vmem>>, vector<1x16xf32>,
        %swap3A_201 = vector.shape_cast %swap3A_200 : vector<1x16xf32> to vector<16xf32>
        %swap3A_202 = vector.shape_cast %add3A_197 : vector<16xf32> to vector<1x16xf32>
        tpu.vector_store %arg7[%swap3A_198, %swap3A_199], %swap3A_202 {strides = array<i32>} : memref<64x512xf32, #tpu.memory_space<vmem>>, vector<1x16xf32>,
        %get3A_203 = arith.index_cast %scan3A_144 : i32 to index
        %get3A_204 = arith.constant 80 : index
        %get3A_205 = tpu.vector_load %arg6[%get3A_203, %get3A_204] {strides = array<i32>} : memref<64x512xf32, #tpu.memory_space<vmem>>, vector<1x16xf32>,
        %get3A_206 = vector.shape_cast %get3A_205 : vector<1x16xf32> to vector<16xf32>
        %mul3A_207 = arith.mulf %get3A_45, %get3A_148 : vector<16xf32>
        %add3A_208 = arith.addf %get3A_206, %mul3A_207 : vector<16xf32>
        %swap3A_209 = arith.index_cast %scan3A_144 : i32 to index
        %swap3A_210 = arith.constant 80 : index
        %swap3A_211 = tpu.vector_load %arg7[%swap3A_209, %swap3A_210] {strides = array<i32>} : memref<64x512xf32, #tpu.memory_space<vmem>>, vector<1x16xf32>,
        %swap3A_212 = vector.shape_cast %swap3A_211 : vector<1x16xf32> to vector<16xf32>
        %swap3A_213 = vector.shape_cast %add3A_208 : vector<16xf32> to vector<1x16xf32>
        tpu.vector_store %arg7[%swap3A_209, %swap3A_210], %swap3A_213 {strides = array<i32>} : memref<64x512xf32, #tpu.memory_space<vmem>>, vector<1x16xf32>,
        %get3A_214 = arith.index_cast %scan3A_144 : i32 to index
        %get3A_215 = arith.constant 96 : index
        %get3A_216 = tpu.vector_load %arg6[%get3A_214, %get3A_215] {strides = array<i32>} : memref<64x512xf32, #tpu.memory_space<vmem>>, vector<1x16xf32>,
        %get3A_217 = vector.shape_cast %get3A_216 : vector<1x16xf32> to vector<16xf32>
        %mul3A_218 = arith.mulf %get3A_48, %get3A_148 : vector<16xf32>
        %add3A_219 = arith.addf %get3A_217, %mul3A_218 : vector<16xf32>
        %swap3A_220 = arith.index_cast %scan3A_144 : i32 to index
        %swap3A_221 = arith.constant 96 : index
        %swap3A_222 = tpu.vector_load %arg7[%swap3A_220, %swap3A_221] {strides = array<i32>} : memref<64x512xf32, #tpu.memory_space<vmem>>, vector<1x16xf32>,
        %swap3A_223 = vector.shape_cast %swap3A_222 : vector<1x16xf32> to vector<16xf32>
        %swap3A_224 = vector.shape_cast %add3A_219 : vector<16xf32> to vector<1x16xf32>
        tpu.vector_store %arg7[%swap3A_220, %swap3A_221], %swap3A_224 {strides = array<i32>} : memref<64x512xf32, #tpu.memory_space<vmem>>, vector<1x16xf32>,
        %get3A_225 = arith.index_cast %scan3A_144 : i32 to index
        %get3A_226 = arith.constant 112 : index
        %get3A_227 = tpu.vector_load %arg6[%get3A_225, %get3A_226] {strides = array<i32>} : memref<64x512xf32, #tpu.memory_space<vmem>>, vector<1x16xf32>,
        %get3A_228 = vector.shape_cast %get3A_227 : vector<1x16xf32> to vector<16xf32>
        %mul3A_229 = arith.mulf %get3A_51, %get3A_148 : vector<16xf32>
        %add3A_230 = arith.addf %get3A_228, %mul3A_229 : vector<16xf32>
        %swap3A_231 = arith.index_cast %scan3A_144 : i32 to index
        %swap3A_232 = arith.constant 112 : index
        %swap3A_233 = tpu.vector_load %arg7[%swap3A_231, %swap3A_232] {strides = array<i32>} : memref<64x512xf32, #tpu.memory_space<vmem>>, vector<1x16xf32>,
        %swap3A_234 = vector.shape_cast %swap3A_233 : vector<1x16xf32> to vector<16xf32>
        %swap3A_235 = vector.shape_cast %add3A_230 : vector<16xf32> to vector<1x16xf32>
        tpu.vector_store %arg7[%swap3A_231, %swap3A_232], %swap3A_235 {strides = array<i32>} : memref<64x512xf32, #tpu.memory_space<vmem>>, vector<1x16xf32>,
      }
      %scan3A_56 = arith.constant 64 : i32
      %get3A_57 = arith.constant 128 : index
      %get3A_58 = tpu.vector_load %arg9[%get3A_57] {strides = array<i32>} : memref<512xf32, #tpu.memory_space<vmem>>, vector<16xf32>,
      %get3A_59 = vector.shape_cast %get3A_58 : vector<16xf32> to vector<16xf32>
      %get3A_60 = arith.constant 144 : index
      %get3A_61 = tpu.vector_load %arg9[%get3A_60] {strides = array<i32>} : memref<512xf32, #tpu.memory_space<vmem>>, vector<16xf32>,
      %get3A_62 = vector.shape_cast %get3A_61 : vector<16xf32> to vector<16xf32>
      %get3A_63 = arith.constant 160 : index
      %get3A_64 = tpu.vector_load %arg9[%get3A_63] {strides = array<i32>} : memref<512xf32, #tpu.memory_space<vmem>>, vector<16xf32>,
      %get3A_65 = vector.shape_cast %get3A_64 : vector<16xf32> to vector<16xf32>
      %get3A_66 = arith.constant 176 : index
      %get3A_67 = tpu.vector_load %arg9[%get3A_66] {strides = array<i32>} : memref<512xf32, #tpu.memory_space<vmem>>, vector<16xf32>,
      %get3A_68 = vector.shape_cast %get3A_67 : vector<16xf32> to vector<16xf32>
      %get3A_69 = arith.constant 192 : index
      %get3A_70 = tpu.vector_load %arg9[%get3A_69] {strides = array<i32>} : memref<512xf32, #tpu.memory_space<vmem>>, vector<16xf32>,
      %get3A_71 = vector.shape_cast %get3A_70 : vector<16xf32> to vector<16xf32>
      %get3A_72 = arith.constant 208 : index
      %get3A_73 = tpu.vector_load %arg9[%get3A_72] {strides = array<i32>} : memref<512xf32, #tpu.memory_space<vmem>>, vector<16xf32>,
      %get3A_74 = vector.shape_cast %get3A_73 : vector<16xf32> to vector<16xf32>
      %get3A_75 = arith.constant 224 : index
      %get3A_76 = tpu.vector_load %arg9[%get3A_75] {strides = array<i32>} : memref<512xf32, #tpu.memory_space<vmem>>, vector<16xf32>,
      %get3A_77 = vector.shape_cast %get3A_76 : vector<16xf32> to vector<16xf32>
      %get3A_78 = arith.constant 240 : index
      %get3A_79 = tpu.vector_load %arg9[%get3A_78] {strides = array<i32>} : memref<512xf32, #tpu.memory_space<vmem>>, vector<16xf32>,
      %get3A_80 = vector.shape_cast %get3A_79 : vector<16xf32> to vector<16xf32>
      %scan3A_81 = arith.constant 0 : i32
      %scan3A_82 = arith.constant 64 : i32
      %scan3A_83 = arith.addi %scan3A_81, %scan3A_82 : i32
      %scan3A_84 = arith.constant 1 : i32
      scf.for %scan3A_144 = %scan3A_81 to %scan3A_83 step %scan3A_84  : i32 {
        %get3A_145 = arith.index_cast %scan3A_144 : i32 to index
        %get3A_146 = arith.constant 0 : index
        %get3A_147 = tpu.vector_load %arg10[%get3A_145, %get3A_146] {strides = array<i32>} : memref<64x16xf32, #tpu.memory_space<vmem>>, vector<1x16xf32>,
        %get3A_148 = vector.shape_cast %get3A_147 : vector<1x16xf32> to vector<16xf32>
        %get3A_149 = arith.index_cast %scan3A_144 : i32 to index
        %get3A_150 = arith.constant 128 : index
        %get3A_151 = tpu.vector_load %arg6[%get3A_149, %get3A_150] {strides = array<i32>} : memref<64x512xf32, #tpu.memory_space<vmem>>, vector<1x16xf32>,
        %get3A_152 = vector.shape_cast %get3A_151 : vector<1x16xf32> to vector<16xf32>
        %mul3A_153 = arith.mulf %get3A_59, %get3A_148 : vector<16xf32>
        %add3A_154 = arith.addf %get3A_152, %mul3A_153 : vector<16xf32>
        %swap3A = arith.index_cast %scan3A_144 : i32 to index
        %swap3A_155 = arith.constant 128 : index
        %swap3A_156 = tpu.vector_load %arg7[%swap3A, %swap3A_155] {strides = array<i32>} : memref<64x512xf32, #tpu.memory_space<vmem>>, vector<1x16xf32>,
        %swap3A_157 = vector.shape_cast %swap3A_156 : vector<1x16xf32> to vector<16xf32>
        %swap3A_158 = vector.shape_cast %add3A_154 : vector<16xf32> to vector<1x16xf32>
        tpu.vector_store %arg7[%swap3A, %swap3A_155], %swap3A_158 {strides = array<i32>} : memref<64x512xf32, #tpu.memory_space<vmem>>, vector<1x16xf32>,
        %get3A_159 = arith.index_cast %scan3A_144 : i32 to index
        %get3A_160 = arith.constant 144 : index
        %get3A_161 = tpu.vector_load %arg6[%get3A_159, %get3A_160] {strides = array<i32>} : memref<64x512xf32, #tpu.memory_space<vmem>>, vector<1x16xf32>,
        %get3A_162 = vector.shape_cast %get3A_161 : vector<1x16xf32> to vector<16xf32>
        %mul3A_163 = arith.mulf %get3A_62, %get3A_148 : vector<16xf32>
        %add3A_164 = arith.addf %get3A_162, %mul3A_163 : vector<16xf32>
        %swap3A_165 = arith.index_cast %scan3A_144 : i32 to index
        %swap3A_166 = arith.constant 144 : index
        %swap3A_167 = tpu.vector_load %arg7[%swap3A_165, %swap3A_166] {strides = array<i32>} : memref<64x512xf32, #tpu.memory_space<vmem>>, vector<1x16xf32>,
        %swap3A_168 = vector.shape_cast %swap3A_167 : vector<1x16xf32> to vector<16xf32>
        %swap3A_169 = vector.shape_cast %add3A_164 : vector<16xf32> to vector<1x16xf32>
        tpu.vector_store %arg7[%swap3A_165, %swap3A_166], %swap3A_169 {strides = array<i32>} : memref<64x512xf32, #tpu.memory_space<vmem>>, vector<1x16xf32>,
        %get3A_170 = arith.index_cast %scan3A_144 : i32 to index
        %get3A_171 = arith.constant 160 : index
        %get3A_172 = tpu.vector_load %arg6[%get3A_170, %get3A_171] {strides = array<i32>} : memref<64x512xf32, #tpu.memory_space<vmem>>, vector<1x16xf32>,
        %get3A_173 = vector.shape_cast %get3A_172 : vector<1x16xf32> to vector<16xf32>
        %mul3A_174 = arith.mulf %get3A_65, %get3A_148 : vector<16xf32>
        %add3A_175 = arith.addf %get3A_173, %mul3A_174 : vector<16xf32>
        %swap3A_176 = arith.index_cast %scan3A_144 : i32 to index
        %swap3A_177 = arith.constant 160 : index
        %swap3A_178 = tpu.vector_load %arg7[%swap3A_176, %swap3A_177] {strides = array<i32>} : memref<64x512xf32, #tpu.memory_space<vmem>>, vector<1x16xf32>,
        %swap3A_179 = vector.shape_cast %swap3A_178 : vector<1x16xf32> to vector<16xf32>
        %swap3A_180 = vector.shape_cast %add3A_175 : vector<16xf32> to vector<1x16xf32>
        tpu.vector_store %arg7[%swap3A_176, %swap3A_177], %swap3A_180 {strides = array<i32>} : memref<64x512xf32, #tpu.memory_space<vmem>>, vector<1x16xf32>,
        %get3A_181 = arith.index_cast %scan3A_144 : i32 to index
        %get3A_182 = arith.constant 176 : index
        %get3A_183 = tpu.vector_load %arg6[%get3A_181, %get3A_182] {strides = array<i32>} : memref<64x512xf32, #tpu.memory_space<vmem>>, vector<1x16xf32>,
        %get3A_184 = vector.shape_cast %get3A_183 : vector<1x16xf32> to vector<16xf32>
        %mul3A_185 = arith.mulf %get3A_68, %get3A_148 : vector<16xf32>
        %add3A_186 = arith.addf %get3A_184, %mul3A_185 : vector<16xf32>
        %swap3A_187 = arith.index_cast %scan3A_144 : i32 to index
        %swap3A_188 = arith.constant 176 : index
        %swap3A_189 = tpu.vector_load %arg7[%swap3A_187, %swap3A_188] {strides = array<i32>} : memref<64x512xf32, #tpu.memory_space<vmem>>, vector<1x16xf32>,
        %swap3A_190 = vector.shape_cast %swap3A_189 : vector<1x16xf32> to vector<16xf32>
        %swap3A_191 = vector.shape_cast %add3A_186 : vector<16xf32> to vector<1x16xf32>
        tpu.vector_store %arg7[%swap3A_187, %swap3A_188], %swap3A_191 {strides = array<i32>} : memref<64x512xf32, #tpu.memory_space<vmem>>, vector<1x16xf32>,
        %get3A_192 = arith.index_cast %scan3A_144 : i32 to index
        %get3A_193 = arith.constant 192 : index
        %get3A_194 = tpu.vector_load %arg6[%get3A_192, %get3A_193] {strides = array<i32>} : memref<64x512xf32, #tpu.memory_space<vmem>>, vector<1x16xf32>,
        %get3A_195 = vector.shape_cast %get3A_194 : vector<1x16xf32> to vector<16xf32>
        %mul3A_196 = arith.mulf %get3A_71, %get3A_148 : vector<16xf32>
        %add3A_197 = arith.addf %get3A_195, %mul3A_196 : vector<16xf32>
        %swap3A_198 = arith.index_cast %scan3A_144 : i32 to index
        %swap3A_199 = arith.constant 192 : index
        %swap3A_200 = tpu.vector_load %arg7[%swap3A_198, %swap3A_199] {strides = array<i32>} : memref<64x512xf32, #tpu.memory_space<vmem>>, vector<1x16xf32>,
        %swap3A_201 = vector.shape_cast %swap3A_200 : vector<1x16xf32> to vector<16xf32>
        %swap3A_202 = vector.shape_cast %add3A_197 : vector<16xf32> to vector<1x16xf32>
        tpu.vector_store %arg7[%swap3A_198, %swap3A_199], %swap3A_202 {strides = array<i32>} : memref<64x512xf32, #tpu.memory_space<vmem>>, vector<1x16xf32>,
        %get3A_203 = arith.index_cast %scan3A_144 : i32 to index
        %get3A_204 = arith.constant 208 : index
        %get3A_205 = tpu.vector_load %arg6[%get3A_203, %get3A_204] {strides = array<i32>} : memref<64x512xf32, #tpu.memory_space<vmem>>, vector<1x16xf32>,
        %get3A_206 = vector.shape_cast %get3A_205 : vector<1x16xf32> to vector<16xf32>
        %mul3A_207 = arith.mulf %get3A_74, %get3A_148 : vector<16xf32>
        %add3A_208 = arith.addf %get3A_206, %mul3A_207 : vector<16xf32>
        %swap3A_209 = arith.index_cast %scan3A_144 : i32 to index
        %swap3A_210 = arith.constant 208 : index
        %swap3A_211 = tpu.vector_load %arg7[%swap3A_209, %swap3A_210] {strides = array<i32>} : memref<64x512xf32, #tpu.memory_space<vmem>>, vector<1x16xf32>,
        %swap3A_212 = vector.shape_cast %swap3A_211 : vector<1x16xf32> to vector<16xf32>
        %swap3A_213 = vector.shape_cast %add3A_208 : vector<16xf32> to vector<1x16xf32>
        tpu.vector_store %arg7[%swap3A_209, %swap3A_210], %swap3A_213 {strides = array<i32>} : memref<64x512xf32, #tpu.memory_space<vmem>>, vector<1x16xf32>,
        %get3A_214 = arith.index_cast %scan3A_144 : i32 to index
        %get3A_215 = arith.constant 224 : index
        %get3A_216 = tpu.vector_load %arg6[%get3A_214, %get3A_215] {strides = array<i32>} : memref<64x512xf32, #tpu.memory_space<vmem>>, vector<1x16xf32>,
        %get3A_217 = vector.shape_cast %get3A_216 : vector<1x16xf32> to vector<16xf32>
        %mul3A_218 = arith.mulf %get3A_77, %get3A_148 : vector<16xf32>
        %add3A_219 = arith.addf %get3A_217, %mul3A_218 : vector<16xf32>
        %swap3A_220 = arith.index_cast %scan3A_144 : i32 to index
        %swap3A_221 = arith.constant 224 : index
        %swap3A_222 = tpu.vector_load %arg7[%swap3A_220, %swap3A_221] {strides = array<i32>} : memref<64x512xf32, #tpu.memory_space<vmem>>, vector<1x16xf32>,
        %swap3A_223 = vector.shape_cast %swap3A_222 : vector<1x16xf32> to vector<16xf32>
        %swap3A_224 = vector.shape_cast %add3A_219 : vector<16xf32> to vector<1x16xf32>
        tpu.vector_store %arg7[%swap3A_220, %swap3A_221], %swap3A_224 {strides = array<i32>} : memref<64x512xf32, #tpu.memory_space<vmem>>, vector<1x16xf32>,
        %get3A_225 = arith.index_cast %scan3A_144 : i32 to index
        %get3A_226 = arith.constant 240 : index
        %get3A_227 = tpu.vector_load %arg6[%get3A_225, %get3A_226] {strides = array<i32>} : memref<64x512xf32, #tpu.memory_space<vmem>>, vector<1x16xf32>,
        %get3A_228 = vector.shape_cast %get3A_227 : vector<1x16xf32> to vector<16xf32>
        %mul3A_229 = arith.mulf %get3A_80, %get3A_148 : vector<16xf32>
        %add3A_230 = arith.addf %get3A_228, %mul3A_229 : vector<16xf32>
        %swap3A_231 = arith.index_cast %scan3A_144 : i32 to index
        %swap3A_232 = arith.constant 240 : index
        %swap3A_233 = tpu.vector_load %arg7[%swap3A_231, %swap3A_232] {strides = array<i32>} : memref<64x512xf32, #tpu.memory_space<vmem>>, vector<1x16xf32>,
        %swap3A_234 = vector.shape_cast %swap3A_233 : vector<1x16xf32> to vector<16xf32>
        %swap3A_235 = vector.shape_cast %add3A_230 : vector<16xf32> to vector<1x16xf32>
        tpu.vector_store %arg7[%swap3A_231, %swap3A_232], %swap3A_235 {strides = array<i32>} : memref<64x512xf32, #tpu.memory_space<vmem>>, vector<1x16xf32>,
      }
      %scan3A_85 = arith.constant 64 : i32
      %get3A_86 = arith.constant 256 : index
      %get3A_87 = tpu.vector_load %arg9[%get3A_86] {strides = array<i32>} : memref<512xf32, #tpu.memory_space<vmem>>, vector<16xf32>,
      %get3A_88 = vector.shape_cast %get3A_87 : vector<16xf32> to vector<16xf32>
      %get3A_89 = arith.constant 272 : index
      %get3A_90 = tpu.vector_load %arg9[%get3A_89] {strides = array<i32>} : memref<512xf32, #tpu.memory_space<vmem>>, vector<16xf32>,
      %get3A_91 = vector.shape_cast %get3A_90 : vector<16xf32> to vector<16xf32>
      %get3A_92 = arith.constant 288 : index
      %get3A_93 = tpu.vector_load %arg9[%get3A_92] {strides = array<i32>} : memref<512xf32, #tpu.memory_space<vmem>>, vector<16xf32>,
      %get3A_94 = vector.shape_cast %get3A_93 : vector<16xf32> to vector<16xf32>
      %get3A_95 = arith.constant 304 : index
      %get3A_96 = tpu.vector_load %arg9[%get3A_95] {strides = array<i32>} : memref<512xf32, #tpu.memory_space<vmem>>, vector<16xf32>,
      %get3A_97 = vector.shape_cast %get3A_96 : vector<16xf32> to vector<16xf32>
      %get3A_98 = arith.constant 320 : index
      %get3A_99 = tpu.vector_load %arg9[%get3A_98] {strides = array<i32>} : memref<512xf32, #tpu.memory_space<vmem>>, vector<16xf32>,
      %get3A_100 = vector.shape_cast %get3A_99 : vector<16xf32> to vector<16xf32>
      %get3A_101 = arith.constant 336 : index
      %get3A_102 = tpu.vector_load %arg9[%get3A_101] {strides = array<i32>} : memref<512xf32, #tpu.memory_space<vmem>>, vector<16xf32>,
      %get3A_103 = vector.shape_cast %get3A_102 : vector<16xf32> to vector<16xf32>
      %get3A_104 = arith.constant 352 : index
      %get3A_105 = tpu.vector_load %arg9[%get3A_104] {strides = array<i32>} : memref<512xf32, #tpu.memory_space<vmem>>, vector<16xf32>,
      %get3A_106 = vector.shape_cast %get3A_105 : vector<16xf32> to vector<16xf32>
      %get3A_107 = arith.constant 368 : index
      %get3A_108 = tpu.vector_load %arg9[%get3A_107] {strides = array<i32>} : memref<512xf32, #tpu.memory_space<vmem>>, vector<16xf32>,
      %get3A_109 = vector.shape_cast %get3A_108 : vector<16xf32> to vector<16xf32>
      %scan3A_110 = arith.constant 0 : i32
      %scan3A_111 = arith.constant 64 : i32
      %scan3A_112 = arith.addi %scan3A_110, %scan3A_111 : i32
      %scan3A_113 = arith.constant 1 : i32
      scf.for %scan3A_144 = %scan3A_110 to %scan3A_112 step %scan3A_113  : i32 {
        %get3A_145 = arith.index_cast %scan3A_144 : i32 to index
        %get3A_146 = arith.constant 0 : index
        %get3A_147 = tpu.vector_load %arg10[%get3A_145, %get3A_146] {strides = array<i32>} : memref<64x16xf32, #tpu.memory_space<vmem>>, vector<1x16xf32>,
        %get3A_148 = vector.shape_cast %get3A_147 : vector<1x16xf32> to vector<16xf32>
        %get3A_149 = arith.index_cast %scan3A_144 : i32 to index
        %get3A_150 = arith.constant 256 : index
        %get3A_151 = tpu.vector_load %arg6[%get3A_149, %get3A_150] {strides = array<i32>} : memref<64x512xf32, #tpu.memory_space<vmem>>, vector<1x16xf32>,
        %get3A_152 = vector.shape_cast %get3A_151 : vector<1x16xf32> to vector<16xf32>
        %mul3A_153 = arith.mulf %get3A_88, %get3A_148 : vector<16xf32>
        %add3A_154 = arith.addf %get3A_152, %mul3A_153 : vector<16xf32>
        %swap3A = arith.index_cast %scan3A_144 : i32 to index
        %swap3A_155 = arith.constant 256 : index
        %swap3A_156 = tpu.vector_load %arg7[%swap3A, %swap3A_155] {strides = array<i32>} : memref<64x512xf32, #tpu.memory_space<vmem>>, vector<1x16xf32>,
        %swap3A_157 = vector.shape_cast %swap3A_156 : vector<1x16xf32> to vector<16xf32>
        %swap3A_158 = vector.shape_cast %add3A_154 : vector<16xf32> to vector<1x16xf32>
        tpu.vector_store %arg7[%swap3A, %swap3A_155], %swap3A_158 {strides = array<i32>} : memref<64x512xf32, #tpu.memory_space<vmem>>, vector<1x16xf32>,
        %get3A_159 = arith.index_cast %scan3A_144 : i32 to index
        %get3A_160 = arith.constant 272 : index
        %get3A_161 = tpu.vector_load %arg6[%get3A_159, %get3A_160] {strides = array<i32>} : memref<64x512xf32, #tpu.memory_space<vmem>>, vector<1x16xf32>,
        %get3A_162 = vector.shape_cast %get3A_161 : vector<1x16xf32> to vector<16xf32>
        %mul3A_163 = arith.mulf %get3A_91, %get3A_148 : vector<16xf32>
        %add3A_164 = arith.addf %get3A_162, %mul3A_163 : vector<16xf32>
        %swap3A_165 = arith.index_cast %scan3A_144 : i32 to index
        %swap3A_166 = arith.constant 272 : index
        %swap3A_167 = tpu.vector_load %arg7[%swap3A_165, %swap3A_166] {strides = array<i32>} : memref<64x512xf32, #tpu.memory_space<vmem>>, vector<1x16xf32>,
        %swap3A_168 = vector.shape_cast %swap3A_167 : vector<1x16xf32> to vector<16xf32>
        %swap3A_169 = vector.shape_cast %add3A_164 : vector<16xf32> to vector<1x16xf32>
        tpu.vector_store %arg7[%swap3A_165, %swap3A_166], %swap3A_169 {strides = array<i32>} : memref<64x512xf32, #tpu.memory_space<vmem>>, vector<1x16xf32>,
        %get3A_170 = arith.index_cast %scan3A_144 : i32 to index
        %get3A_171 = arith.constant 288 : index
        %get3A_172 = tpu.vector_load %arg6[%get3A_170, %get3A_171] {strides = array<i32>} : memref<64x512xf32, #tpu.memory_space<vmem>>, vector<1x16xf32>,
        %get3A_173 = vector.shape_cast %get3A_172 : vector<1x16xf32> to vector<16xf32>
        %mul3A_174 = arith.mulf %get3A_94, %get3A_148 : vector<16xf32>
        %add3A_175 = arith.addf %get3A_173, %mul3A_174 : vector<16xf32>
        %swap3A_176 = arith.index_cast %scan3A_144 : i32 to index
        %swap3A_177 = arith.constant 288 : index
        %swap3A_178 = tpu.vector_load %arg7[%swap3A_176, %swap3A_177] {strides = array<i32>} : memref<64x512xf32, #tpu.memory_space<vmem>>, vector<1x16xf32>,
        %swap3A_179 = vector.shape_cast %swap3A_178 : vector<1x16xf32> to vector<16xf32>
        %swap3A_180 = vector.shape_cast %add3A_175 : vector<16xf32> to vector<1x16xf32>
        tpu.vector_store %arg7[%swap3A_176, %swap3A_177], %swap3A_180 {strides = array<i32>} : memref<64x512xf32, #tpu.memory_space<vmem>>, vector<1x16xf32>,
        %get3A_181 = arith.index_cast %scan3A_144 : i32 to index
        %get3A_182 = arith.constant 304 : index
        %get3A_183 = tpu.vector_load %arg6[%get3A_181, %get3A_182] {strides = array<i32>} : memref<64x512xf32, #tpu.memory_space<vmem>>, vector<1x16xf32>,
        %get3A_184 = vector.shape_cast %get3A_183 : vector<1x16xf32> to vector<16xf32>
        %mul3A_185 = arith.mulf %get3A_97, %get3A_148 : vector<16xf32>
        %add3A_186 = arith.addf %get3A_184, %mul3A_185 : vector<16xf32>
        %swap3A_187 = arith.index_cast %scan3A_144 : i32 to index
        %swap3A_188 = arith.constant 304 : index
        %swap3A_189 = tpu.vector_load %arg7[%swap3A_187, %swap3A_188] {strides = array<i32>} : memref<64x512xf32, #tpu.memory_space<vmem>>, vector<1x16xf32>,
        %swap3A_190 = vector.shape_cast %swap3A_189 : vector<1x16xf32> to vector<16xf32>
        %swap3A_191 = vector.shape_cast %add3A_186 : vector<16xf32> to vector<1x16xf32>
        tpu.vector_store %arg7[%swap3A_187, %swap3A_188], %swap3A_191 {strides = array<i32>} : memref<64x512xf32, #tpu.memory_space<vmem>>, vector<1x16xf32>,
        %get3A_192 = arith.index_cast %scan3A_144 : i32 to index
        %get3A_193 = arith.constant 320 : index
        %get3A_194 = tpu.vector_load %arg6[%get3A_192, %get3A_193] {strides = array<i32>} : memref<64x512xf32, #tpu.memory_space<vmem>>, vector<1x16xf32>,
        %get3A_195 = vector.shape_cast %get3A_194 : vector<1x16xf32> to vector<16xf32>
        %mul3A_196 = arith.mulf %get3A_100, %get3A_148 : vector<16xf32>
        %add3A_197 = arith.addf %get3A_195, %mul3A_196 : vector<16xf32>
        %swap3A_198 = arith.index_cast %scan3A_144 : i32 to index
        %swap3A_199 = arith.constant 320 : index
        %swap3A_200 = tpu.vector_load %arg7[%swap3A_198, %swap3A_199] {strides = array<i32>} : memref<64x512xf32, #tpu.memory_space<vmem>>, vector<1x16xf32>,
        %swap3A_201 = vector.shape_cast %swap3A_200 : vector<1x16xf32> to vector<16xf32>
        %swap3A_202 = vector.shape_cast %add3A_197 : vector<16xf32> to vector<1x16xf32>
        tpu.vector_store %arg7[%swap3A_198, %swap3A_199], %swap3A_202 {strides = array<i32>} : memref<64x512xf32, #tpu.memory_space<vmem>>, vector<1x16xf32>,
        %get3A_203 = arith.index_cast %scan3A_144 : i32 to index
        %get3A_204 = arith.constant 336 : index
        %get3A_205 = tpu.vector_load %arg6[%get3A_203, %get3A_204] {strides = array<i32>} : memref<64x512xf32, #tpu.memory_space<vmem>>, vector<1x16xf32>,
        %get3A_206 = vector.shape_cast %get3A_205 : vector<1x16xf32> to vector<16xf32>
        %mul3A_207 = arith.mulf %get3A_103, %get3A_148 : vector<16xf32>
        %add3A_208 = arith.addf %get3A_206, %mul3A_207 : vector<16xf32>
        %swap3A_209 = arith.index_cast %scan3A_144 : i32 to index
        %swap3A_210 = arith.constant 336 : index
        %swap3A_211 = tpu.vector_load %arg7[%swap3A_209, %swap3A_210] {strides = array<i32>} : memref<64x512xf32, #tpu.memory_space<vmem>>, vector<1x16xf32>,
        %swap3A_212 = vector.shape_cast %swap3A_211 : vector<1x16xf32> to vector<16xf32>
        %swap3A_213 = vector.shape_cast %add3A_208 : vector<16xf32> to vector<1x16xf32>
        tpu.vector_store %arg7[%swap3A_209, %swap3A_210], %swap3A_213 {strides = array<i32>} : memref<64x512xf32, #tpu.memory_space<vmem>>, vector<1x16xf32>,
        %get3A_214 = arith.index_cast %scan3A_144 : i32 to index
        %get3A_215 = arith.constant 352 : index
        %get3A_216 = tpu.vector_load %arg6[%get3A_214, %get3A_215] {strides = array<i32>} : memref<64x512xf32, #tpu.memory_space<vmem>>, vector<1x16xf32>,
        %get3A_217 = vector.shape_cast %get3A_216 : vector<1x16xf32> to vector<16xf32>
        %mul3A_218 = arith.mulf %get3A_106, %get3A_148 : vector<16xf32>
        %add3A_219 = arith.addf %get3A_217, %mul3A_218 : vector<16xf32>
        %swap3A_220 = arith.index_cast %scan3A_144 : i32 to index
        %swap3A_221 = arith.constant 352 : index
        %swap3A_222 = tpu.vector_load %arg7[%swap3A_220, %swap3A_221] {strides = array<i32>} : memref<64x512xf32, #tpu.memory_space<vmem>>, vector<1x16xf32>,
        %swap3A_223 = vector.shape_cast %swap3A_222 : vector<1x16xf32> to vector<16xf32>
        %swap3A_224 = vector.shape_cast %add3A_219 : vector<16xf32> to vector<1x16xf32>
        tpu.vector_store %arg7[%swap3A_220, %swap3A_221], %swap3A_224 {strides = array<i32>} : memref<64x512xf32, #tpu.memory_space<vmem>>, vector<1x16xf32>,
        %get3A_225 = arith.index_cast %scan3A_144 : i32 to index
        %get3A_226 = arith.constant 368 : index
        %get3A_227 = tpu.vector_load %arg6[%get3A_225, %get3A_226] {strides = array<i32>} : memref<64x512xf32, #tpu.memory_space<vmem>>, vector<1x16xf32>,
        %get3A_228 = vector.shape_cast %get3A_227 : vector<1x16xf32> to vector<16xf32>
        %mul3A_229 = arith.mulf %get3A_109, %get3A_148 : vector<16xf32>
        %add3A_230 = arith.addf %get3A_228, %mul3A_229 : vector<16xf32>
        %swap3A_231 = arith.index_cast %scan3A_144 : i32 to index
        %swap3A_232 = arith.constant 368 : index
        %swap3A_233 = tpu.vector_load %arg7[%swap3A_231, %swap3A_232] {strides = array<i32>} : memref<64x512xf32, #tpu.memory_space<vmem>>, vector<1x16xf32>,
        %swap3A_234 = vector.shape_cast %swap3A_233 : vector<1x16xf32> to vector<16xf32>
        %swap3A_235 = vector.shape_cast %add3A_230 : vector<16xf32> to vector<1x16xf32>
        tpu.vector_store %arg7[%swap3A_231, %swap3A_232], %swap3A_235 {strides = array<i32>} : memref<64x512xf32, #tpu.memory_space<vmem>>, vector<1x16xf32>,
      }
      %scan3A_114 = arith.constant 64 : i32
      %get3A_115 = arith.constant 384 : index
      %get3A_116 = tpu.vector_load %arg9[%get3A_115] {strides = array<i32>} : memref<512xf32, #tpu.memory_space<vmem>>, vector<16xf32>,
      %get3A_117 = vector.shape_cast %get3A_116 : vector<16xf32> to vector<16xf32>
      %get3A_118 = arith.constant 400 : index
      %get3A_119 = tpu.vector_load %arg9[%get3A_118] {strides = array<i32>} : memref<512xf32, #tpu.memory_space<vmem>>, vector<16xf32>,
      %get3A_120 = vector.shape_cast %get3A_119 : vector<16xf32> to vector<16xf32>
      %get3A_121 = arith.constant 416 : index
      %get3A_122 = tpu.vector_load %arg9[%get3A_121] {strides = array<i32>} : memref<512xf32, #tpu.memory_space<vmem>>, vector<16xf32>,
      %get3A_123 = vector.shape_cast %get3A_122 : vector<16xf32> to vector<16xf32>
      %get3A_124 = arith.constant 432 : index
      %get3A_125 = tpu.vector_load %arg9[%get3A_124] {strides = array<i32>} : memref<512xf32, #tpu.memory_space<vmem>>, vector<16xf32>,
      %get3A_126 = vector.shape_cast %get3A_125 : vector<16xf32> to vector<16xf32>
      %get3A_127 = arith.constant 448 : index
      %get3A_128 = tpu.vector_load %arg9[%get3A_127] {strides = array<i32>} : memref<512xf32, #tpu.memory_space<vmem>>, vector<16xf32>,
      %get3A_129 = vector.shape_cast %get3A_128 : vector<16xf32> to vector<16xf32>
      %get3A_130 = arith.constant 464 : index
      %get3A_131 = tpu.vector_load %arg9[%get3A_130] {strides = array<i32>} : memref<512xf32, #tpu.memory_space<vmem>>, vector<16xf32>,
      %get3A_132 = vector.shape_cast %get3A_131 : vector<16xf32> to vector<16xf32>
      %get3A_133 = arith.constant 480 : index
      %get3A_134 = tpu.vector_load %arg9[%get3A_133] {strides = array<i32>} : memref<512xf32, #tpu.memory_space<vmem>>, vector<16xf32>,
      %get3A_135 = vector.shape_cast %get3A_134 : vector<16xf32> to vector<16xf32>
      %get3A_136 = arith.constant 496 : index
      %get3A_137 = tpu.vector_load %arg9[%get3A_136] {strides = array<i32>} : memref<512xf32, #tpu.memory_space<vmem>>, vector<16xf32>,
      %get3A_138 = vector.shape_cast %get3A_137 : vector<16xf32> to vector<16xf32>
      %scan3A_139 = arith.constant 0 : i32
      %scan3A_140 = arith.constant 64 : i32
      %scan3A_141 = arith.addi %scan3A_139, %scan3A_140 : i32
      %scan3A_142 = arith.constant 1 : i32
      scf.for %scan3A_144 = %scan3A_139 to %scan3A_141 step %scan3A_142  : i32 {
        %get3A_145 = arith.index_cast %scan3A_144 : i32 to index
        %get3A_146 = arith.constant 0 : index
        %get3A_147 = tpu.vector_load %arg10[%get3A_145, %get3A_146] {strides = array<i32>} : memref<64x16xf32, #tpu.memory_space<vmem>>, vector<1x16xf32>,
        %get3A_148 = vector.shape_cast %get3A_147 : vector<1x16xf32> to vector<16xf32>
        %get3A_149 = arith.index_cast %scan3A_144 : i32 to index
        %get3A_150 = arith.constant 384 : index
        %get3A_151 = tpu.vector_load %arg6[%get3A_149, %get3A_150] {strides = array<i32>} : memref<64x512xf32, #tpu.memory_space<vmem>>, vector<1x16xf32>,
        %get3A_152 = vector.shape_cast %get3A_151 : vector<1x16xf32> to vector<16xf32>
        %mul3A_153 = arith.mulf %get3A_117, %get3A_148 : vector<16xf32>
        %add3A_154 = arith.addf %get3A_152, %mul3A_153 : vector<16xf32>
        %swap3A = arith.index_cast %scan3A_144 : i32 to index
        %swap3A_155 = arith.constant 384 : index
        %swap3A_156 = tpu.vector_load %arg7[%swap3A, %swap3A_155] {strides = array<i32>} : memref<64x512xf32, #tpu.memory_space<vmem>>, vector<1x16xf32>,
        %swap3A_157 = vector.shape_cast %swap3A_156 : vector<1x16xf32> to vector<16xf32>
        %swap3A_158 = vector.shape_cast %add3A_154 : vector<16xf32> to vector<1x16xf32>
        tpu.vector_store %arg7[%swap3A, %swap3A_155], %swap3A_158 {strides = array<i32>} : memref<64x512xf32, #tpu.memory_space<vmem>>, vector<1x16xf32>,
        %get3A_159 = arith.index_cast %scan3A_144 : i32 to index
        %get3A_160 = arith.constant 400 : index
        %get3A_161 = tpu.vector_load %arg6[%get3A_159, %get3A_160] {strides = array<i32>} : memref<64x512xf32, #tpu.memory_space<vmem>>, vector<1x16xf32>,
        %get3A_162 = vector.shape_cast %get3A_161 : vector<1x16xf32> to vector<16xf32>
        %mul3A_163 = arith.mulf %get3A_120, %get3A_148 : vector<16xf32>
        %add3A_164 = arith.addf %get3A_162, %mul3A_163 : vector<16xf32>
        %swap3A_165 = arith.index_cast %scan3A_144 : i32 to index
        %swap3A_166 = arith.constant 400 : index
        %swap3A_167 = tpu.vector_load %arg7[%swap3A_165, %swap3A_166] {strides = array<i32>} : memref<64x512xf32, #tpu.memory_space<vmem>>, vector<1x16xf32>,
        %swap3A_168 = vector.shape_cast %swap3A_167 : vector<1x16xf32> to vector<16xf32>
        %swap3A_169 = vector.shape_cast %add3A_164 : vector<16xf32> to vector<1x16xf32>
        tpu.vector_store %arg7[%swap3A_165, %swap3A_166], %swap3A_169 {strides = array<i32>} : memref<64x512xf32, #tpu.memory_space<vmem>>, vector<1x16xf32>,
        %get3A_170 = arith.index_cast %scan3A_144 : i32 to index
        %get3A_171 = arith.constant 416 : index
        %get3A_172 = tpu.vector_load %arg6[%get3A_170, %get3A_171] {strides = array<i32>} : memref<64x512xf32, #tpu.memory_space<vmem>>, vector<1x16xf32>,
        %get3A_173 = vector.shape_cast %get3A_172 : vector<1x16xf32> to vector<16xf32>
        %mul3A_174 = arith.mulf %get3A_123, %get3A_148 : vector<16xf32>
        %add3A_175 = arith.addf %get3A_173, %mul3A_174 : vector<16xf32>
        %swap3A_176 = arith.index_cast %scan3A_144 : i32 to index
        %swap3A_177 = arith.constant 416 : index
        %swap3A_178 = tpu.vector_load %arg7[%swap3A_176, %swap3A_177] {strides = array<i32>} : memref<64x512xf32, #tpu.memory_space<vmem>>, vector<1x16xf32>,
        %swap3A_179 = vector.shape_cast %swap3A_178 : vector<1x16xf32> to vector<16xf32>
        %swap3A_180 = vector.shape_cast %add3A_175 : vector<16xf32> to vector<1x16xf32>
        tpu.vector_store %arg7[%swap3A_176, %swap3A_177], %swap3A_180 {strides = array<i32>} : memref<64x512xf32, #tpu.memory_space<vmem>>, vector<1x16xf32>,
        %get3A_181 = arith.index_cast %scan3A_144 : i32 to index
        %get3A_182 = arith.constant 432 : index
        %get3A_183 = tpu.vector_load %arg6[%get3A_181, %get3A_182] {strides = array<i32>} : memref<64x512xf32, #tpu.memory_space<vmem>>, vector<1x16xf32>,
        %get3A_184 = vector.shape_cast %get3A_183 : vector<1x16xf32> to vector<16xf32>
        %mul3A_185 = arith.mulf %get3A_126, %get3A_148 : vector<16xf32>
        %add3A_186 = arith.addf %get3A_184, %mul3A_185 : vector<16xf32>
        %swap3A_187 = arith.index_cast %scan3A_144 : i32 to index
        %swap3A_188 = arith.constant 432 : index
        %swap3A_189 = tpu.vector_load %arg7[%swap3A_187, %swap3A_188] {strides = array<i32>} : memref<64x512xf32, #tpu.memory_space<vmem>>, vector<1x16xf32>,
        %swap3A_190 = vector.shape_cast %swap3A_189 : vector<1x16xf32> to vector<16xf32>
        %swap3A_191 = vector.shape_cast %add3A_186 : vector<16xf32> to vector<1x16xf32>
        tpu.vector_store %arg7[%swap3A_187, %swap3A_188], %swap3A_191 {strides = array<i32>} : memref<64x512xf32, #tpu.memory_space<vmem>>, vector<1x16xf32>,
        %get3A_192 = arith.index_cast %scan3A_144 : i32 to index
        %get3A_193 = arith.constant 448 : index
        %get3A_194 = tpu.vector_load %arg6[%get3A_192, %get3A_193] {strides = array<i32>} : memref<64x512xf32, #tpu.memory_space<vmem>>, vector<1x16xf32>,
        %get3A_195 = vector.shape_cast %get3A_194 : vector<1x16xf32> to vector<16xf32>
        %mul3A_196 = arith.mulf %get3A_129, %get3A_148 : vector<16xf32>
        %add3A_197 = arith.addf %get3A_195, %mul3A_196 : vector<16xf32>
        %swap3A_198 = arith.index_cast %scan3A_144 : i32 to index
        %swap3A_199 = arith.constant 448 : index
        %swap3A_200 = tpu.vector_load %arg7[%swap3A_198, %swap3A_199] {strides = array<i32>} : memref<64x512xf32, #tpu.memory_space<vmem>>, vector<1x16xf32>,
        %swap3A_201 = vector.shape_cast %swap3A_200 : vector<1x16xf32> to vector<16xf32>
        %swap3A_202 = vector.shape_cast %add3A_197 : vector<16xf32> to vector<1x16xf32>
        tpu.vector_store %arg7[%swap3A_198, %swap3A_199], %swap3A_202 {strides = array<i32>} : memref<64x512xf32, #tpu.memory_space<vmem>>, vector<1x16xf32>,
        %get3A_203 = arith.index_cast %scan3A_144 : i32 to index
        %get3A_204 = arith.constant 464 : index
        %get3A_205 = tpu.vector_load %arg6[%get3A_203, %get3A_204] {strides = array<i32>} : memref<64x512xf32, #tpu.memory_space<vmem>>, vector<1x16xf32>,
        %get3A_206 = vector.shape_cast %get3A_205 : vector<1x16xf32> to vector<16xf32>
        %mul3A_207 = arith.mulf %get3A_132, %get3A_148 : vector<16xf32>
        %add3A_208 = arith.addf %get3A_206, %mul3A_207 : vector<16xf32>
        %swap3A_209 = arith.index_cast %scan3A_144 : i32 to index
        %swap3A_210 = arith.constant 464 : index
        %swap3A_211 = tpu.vector_load %arg7[%swap3A_209, %swap3A_210] {strides = array<i32>} : memref<64x512xf32, #tpu.memory_space<vmem>>, vector<1x16xf32>,
        %swap3A_212 = vector.shape_cast %swap3A_211 : vector<1x16xf32> to vector<16xf32>
        %swap3A_213 = vector.shape_cast %add3A_208 : vector<16xf32> to vector<1x16xf32>
        tpu.vector_store %arg7[%swap3A_209, %swap3A_210], %swap3A_213 {strides = array<i32>} : memref<64x512xf32, #tpu.memory_space<vmem>>, vector<1x16xf32>,
        %get3A_214 = arith.index_cast %scan3A_144 : i32 to index
        %get3A_215 = arith.constant 480 : index
        %get3A_216 = tpu.vector_load %arg6[%get3A_214, %get3A_215] {strides = array<i32>} : memref<64x512xf32, #tpu.memory_space<vmem>>, vector<1x16xf32>,
        %get3A_217 = vector.shape_cast %get3A_216 : vector<1x16xf32> to vector<16xf32>
        %mul3A_218 = arith.mulf %get3A_135, %get3A_148 : vector<16xf32>
        %add3A_219 = arith.addf %get3A_217, %mul3A_218 : vector<16xf32>
        %swap3A_220 = arith.index_cast %scan3A_144 : i32 to index
        %swap3A_221 = arith.constant 480 : index
        %swap3A_222 = tpu.vector_load %arg7[%swap3A_220, %swap3A_221] {strides = array<i32>} : memref<64x512xf32, #tpu.memory_space<vmem>>, vector<1x16xf32>,
        %swap3A_223 = vector.shape_cast %swap3A_222 : vector<1x16xf32> to vector<16xf32>
        %swap3A_224 = vector.shape_cast %add3A_219 : vector<16xf32> to vector<1x16xf32>
        tpu.vector_store %arg7[%swap3A_220, %swap3A_221], %swap3A_224 {strides = array<i32>} : memref<64x512xf32, #tpu.memory_space<vmem>>, vector<1x16xf32>,
        %get3A_225 = arith.index_cast %scan3A_144 : i32 to index
        %get3A_226 = arith.constant 496 : index
        %get3A_227 = tpu.vector_load %arg6[%get3A_225, %get3A_226] {strides = array<i32>} : memref<64x512xf32, #tpu.memory_space<vmem>>, vector<1x16xf32>,
        %get3A_228 = vector.shape_cast %get3A_227 : vector<1x16xf32> to vector<16xf32>
        %mul3A_229 = arith.mulf %get3A_138, %get3A_148 : vector<16xf32>
        %add3A_230 = arith.addf %get3A_228, %mul3A_229 : vector<16xf32>
        %swap3A_231 = arith.index_cast %scan3A_144 : i32 to index
        %swap3A_232 = arith.constant 496 : index
        %swap3A_233 = tpu.vector_load %arg7[%swap3A_231, %swap3A_232] {strides = array<i32>} : memref<64x512xf32, #tpu.memory_space<vmem>>, vector<1x16xf32>,
        %swap3A_234 = vector.shape_cast %swap3A_233 : vector<1x16xf32> to vector<16xf32>
        %swap3A_235 = vector.shape_cast %add3A_230 : vector<16xf32> to vector<1x16xf32>
        tpu.vector_store %arg7[%swap3A_231, %swap3A_232], %swap3A_235 {strides = array<i32>} : memref<64x512xf32, #tpu.memory_space<vmem>>, vector<1x16xf32>,
      }
      %scan3A_143 = arith.constant 64 : i32
      "tpu.region"() ({
        %run_scoped3A = tpu.sem_alloc : memref<!tpu.dma_semaphore, #tpu.memory_space<semaphore_mem>>
        %dma_start3A = arith.constant 0 : i32
        %dma_start3A_144 = arith.constant 0 : i32
        %dma_start3A_145 = tpu.memref_slice %arg5[%add3A_23, %dma_start3A, %dma_start3A_144] : memref<1024x64x2048xf32, #tpu.memory_space<hbm>> -> memref<1x64x512xf32, #tpu.memory_space<hbm>>
        %dma_start3A_146 = tpu.memref_squeeze %dma_start3A_145 : memref<1x64x512xf32, #tpu.memory_space<hbm>> -> memref<64x512xf32, #tpu.memory_space<hbm>>
        %dma_start3A_147 = arith.constant 0 : i32
        %dma_start3A_148 = arith.constant 0 : i32
        %dma_start3A_149 = tpu.memref_slice %arg5[%add3A_23, %dma_start3A_147, %dma_start3A_148] : memref<1024x64x2048xf32, #tpu.memory_space<hbm>> -> memref<1x64x512xf32, #tpu.memory_space<hbm>>
        %dma_start3A_150 = tpu.memref_squeeze %dma_start3A_149 : memref<1x64x512xf32, #tpu.memory_space<hbm>> -> memref<64x512xf32, #tpu.memory_space<hbm>>
        tpu.enqueue_dma source(%arg7 : memref<64x512xf32, #tpu.memory_space<vmem>>) target(%dma_start3A_150 : memref<64x512xf32, #tpu.memory_space<hbm>>) target_semaphore(%run_scoped3A : memref<!tpu.dma_semaphore, #tpu.memory_space<semaphore_mem>>)
        %dma_wait3A = arith.constant 0 : i32
        %dma_wait3A_151 = arith.constant 0 : i32
        %dma_wait3A_152 = tpu.memref_slice %arg5[%add3A_23, %dma_wait3A, %dma_wait3A_151] : memref<1024x64x2048xf32, #tpu.memory_space<hbm>> -> memref<1x64x512xf32, #tpu.memory_space<hbm>>
        %dma_wait3A_153 = tpu.memref_squeeze %dma_wait3A_152 : memref<1x64x512xf32, #tpu.memory_space<hbm>> -> memref<64x512xf32, #tpu.memory_space<hbm>>
        %dma_wait3A_154 = arith.constant 0 : i32
        %dma_wait3A_155 = arith.constant 0 : i32
        %dma_wait3A_156 = tpu.memref_slice %arg5[%add3A_23, %dma_wait3A_154, %dma_wait3A_155] : memref<1024x64x2048xf32, #tpu.memory_space<hbm>> -> memref<1x64x512xf32, #tpu.memory_space<hbm>>
        %dma_wait3A_157 = tpu.memref_squeeze %dma_wait3A_156 : memref<1x64x512xf32, #tpu.memory_space<hbm>> -> memref<64x512xf32, #tpu.memory_space<hbm>>
        tpu.wait_dma2 semaphore(%run_scoped3A : memref<!tpu.dma_semaphore, #tpu.memory_space<semaphore_mem>>) src(%arg7 : memref<64x512xf32, #tpu.memory_space<vmem>>) dst(%dma_wait3A_157 : memref<64x512xf32, #tpu.memory_space<hbm>>)
        tpu.yield
      }) : () -> ()
    }
    %scan3A_6 = arith.constant 32 : i32
    "tpu.region"() ({
      %run_scoped3A = tpu.sem_alloc : memref<!tpu.dma_semaphore, #tpu.memory_space<semaphore_mem>>
      %dma_start3A = arith.constant 0 : i32
      %dma_start3A_22 = arith.constant 512 : i32
      %dma_start3A_23 = tpu.memref_slice %arg3[%dma_start3A, %dma_start3A_22] : memref<64x2048xf32, #tpu.memory_space<hbm>> -> memref<64x512xf32, #tpu.memory_space<hbm>>
      %dma_start3A_24 = arith.constant 0 : i32
      %dma_start3A_25 = arith.constant 512 : i32
      %dma_start3A_26 = tpu.memref_slice %arg3[%dma_start3A_24, %dma_start3A_25] : memref<64x2048xf32, #tpu.memory_space<hbm>> -> memref<64x512xf32, #tpu.memory_space<hbm>>
      tpu.enqueue_dma source(%dma_start3A_26 : memref<64x512xf32, #tpu.memory_space<hbm>>) target(%arg6 : memref<64x512xf32, #tpu.memory_space<vmem>>) target_semaphore(%run_scoped3A : memref<!tpu.dma_semaphore, #tpu.memory_space<semaphore_mem>>)
      %dma_wait3A = arith.constant 0 : i32
      %dma_wait3A_27 = arith.constant 512 : i32
      %dma_wait3A_28 = tpu.memref_slice %arg3[%dma_wait3A, %dma_wait3A_27] : memref<64x2048xf32, #tpu.memory_space<hbm>> -> memref<64x512xf32, #tpu.memory_space<hbm>>
      %dma_wait3A_29 = arith.constant 0 : i32
      %dma_wait3A_30 = arith.constant 512 : i32
      %dma_wait3A_31 = tpu.memref_slice %arg3[%dma_wait3A_29, %dma_wait3A_30] : memref<64x2048xf32, #tpu.memory_space<hbm>> -> memref<64x512xf32, #tpu.memory_space<hbm>>
      tpu.wait_dma2 semaphore(%run_scoped3A : memref<!tpu.dma_semaphore, #tpu.memory_space<semaphore_mem>>) src(%dma_wait3A_31 : memref<64x512xf32, #tpu.memory_space<hbm>>) dst(%arg6 : memref<64x512xf32, #tpu.memory_space<vmem>>)
      tpu.yield
    }) : () -> ()
    %scan3A_7 = arith.constant 0 : i32
    %scan3A_8 = arith.constant 32 : i32
    %scan3A_9 = arith.addi %scan3A_7, %scan3A_8 : i32
    %scan3A_10 = arith.constant 1 : i32
    scf.for %scan3A_22 = %scan3A_7 to %scan3A_9 step %scan3A_10  : i32 {
      %add3A_23 = arith.addi %mul3A_2, %scan3A_22 : i32
      "tpu.region"() ({
        %run_scoped3A = tpu.sem_alloc : memref<!tpu.dma_semaphore, #tpu.memory_space<semaphore_mem>>
        %dma_start3A = arith.constant 512 : i32
        %dma_start3A_144 = tpu.memref_slice %arg2[%add3A_23, %dma_start3A] : memref<1024x2048xi32, #tpu.memory_space<hbm>> -> memref<1x512xi32, #tpu.memory_space<hbm>>
        %dma_start3A_145 = tpu.memref_squeeze %dma_start3A_144 : memref<1x512xi32, #tpu.memory_space<hbm>> -> memref<512xi32, #tpu.memory_space<hbm>>
        %dma_start3A_146 = arith.constant 512 : i32
        %dma_start3A_147 = tpu.memref_slice %arg2[%add3A_23, %dma_start3A_146] : memref<1024x2048xi32, #tpu.memory_space<hbm>> -> memref<1x512xi32, #tpu.memory_space<hbm>>
        %dma_start3A_148 = tpu.memref_squeeze %dma_start3A_147 : memref<1x512xi32, #tpu.memory_space<hbm>> -> memref<512xi32, #tpu.memory_space<hbm>>
        tpu.enqueue_dma source(%dma_start3A_148 : memref<512xi32, #tpu.memory_space<hbm>>) target(%arg8 : memref<512xi32, #tpu.memory_space<vmem>>) target_semaphore(%run_scoped3A : memref<!tpu.dma_semaphore, #tpu.memory_space<semaphore_mem>>)
        %dma_wait3A = arith.constant 512 : i32
        %dma_wait3A_149 = tpu.memref_slice %arg2[%add3A_23, %dma_wait3A] : memref<1024x2048xi32, #tpu.memory_space<hbm>> -> memref<1x512xi32, #tpu.memory_space<hbm>>
        %dma_wait3A_150 = tpu.memref_squeeze %dma_wait3A_149 : memref<1x512xi32, #tpu.memory_space<hbm>> -> memref<512xi32, #tpu.memory_space<hbm>>
        %dma_wait3A_151 = arith.constant 512 : i32
        %dma_wait3A_152 = tpu.memref_slice %arg2[%add3A_23, %dma_wait3A_151] : memref<1024x2048xi32, #tpu.memory_space<hbm>> -> memref<1x512xi32, #tpu.memory_space<hbm>>
        %dma_wait3A_153 = tpu.memref_squeeze %dma_wait3A_152 : memref<1x512xi32, #tpu.memory_space<hbm>> -> memref<512xi32, #tpu.memory_space<hbm>>
        tpu.wait_dma2 semaphore(%run_scoped3A : memref<!tpu.dma_semaphore, #tpu.memory_space<semaphore_mem>>) src(%dma_wait3A_153 : memref<512xi32, #tpu.memory_space<hbm>>) dst(%arg8 : memref<512xi32, #tpu.memory_space<vmem>>)
        tpu.yield
      }) : () -> ()
      %scan3A_24 = arith.constant 0 : i32
      %scan3A_25 = arith.constant 32 : i32
      %scan3A_26 = arith.addi %scan3A_24, %scan3A_25 : i32
      %scan3A_27 = arith.constant 1 : i32
      scf.for %scan3A_144 = %scan3A_24 to %scan3A_26 step %scan3A_27  : i32 {
        %mul3A_145 = arith.constant 16 : i32
        %mul3A_146 = arith.muli %scan3A_144, %mul3A_145 : i32
        %multiple_of3A = tpu.assume_multiple %mul3A_146, 16 : i32
        %get3A_147 = arith.index_cast %multiple_of3A : i32 to index
        %get3A_148 = tpu.vector_load %arg8[%get3A_147] {strides = array<i32>} : memref<512xi32, #tpu.memory_space<vmem>>, vector<16xi32>,
        %get3A_149 = vector.shape_cast %get3A_148 : vector<16xi32> to vector<16xi32>
        %convert_element_type3A = arith.sitofp %get3A_149 : vector<16xi32> to vector<16xf32>
        %swap3A = arith.index_cast %multiple_of3A : i32 to index
        %swap3A_150 = tpu.vector_load %arg9[%swap3A] {strides = array<i32>} : memref<512xf32, #tpu.memory_space<vmem>>, vector<16xf32>,
        %swap3A_151 = vector.shape_cast %swap3A_150 : vector<16xf32> to vector<16xf32>
        %swap3A_152 = vector.shape_cast %convert_element_type3A : vector<16xf32> to vector<16xf32>
        tpu.vector_store %arg9[%swap3A], %swap3A_152 {strides = array<i32>} : memref<512xf32, #tpu.memory_space<vmem>>, vector<16xf32>,
      }
      %scan3A_28 = arith.constant 32 : i32
      %get3A = arith.constant 0 : index
      %get3A_29 = tpu.vector_load %arg9[%get3A] {strides = array<i32>} : memref<512xf32, #tpu.memory_space<vmem>>, vector<16xf32>,
      %get3A_30 = vector.shape_cast %get3A_29 : vector<16xf32> to vector<16xf32>
      %get3A_31 = arith.constant 16 : index
      %get3A_32 = tpu.vector_load %arg9[%get3A_31] {strides = array<i32>} : memref<512xf32, #tpu.memory_space<vmem>>, vector<16xf32>,
      %get3A_33 = vector.shape_cast %get3A_32 : vector<16xf32> to vector<16xf32>
      %get3A_34 = arith.constant 32 : index
      %get3A_35 = tpu.vector_load %arg9[%get3A_34] {strides = array<i32>} : memref<512xf32, #tpu.memory_space<vmem>>, vector<16xf32>,
      %get3A_36 = vector.shape_cast %get3A_35 : vector<16xf32> to vector<16xf32>
      %get3A_37 = arith.constant 48 : index
      %get3A_38 = tpu.vector_load %arg9[%get3A_37] {strides = array<i32>} : memref<512xf32, #tpu.memory_space<vmem>>, vector<16xf32>,
      %get3A_39 = vector.shape_cast %get3A_38 : vector<16xf32> to vector<16xf32>
      %get3A_40 = arith.constant 64 : index
      %get3A_41 = tpu.vector_load %arg9[%get3A_40] {strides = array<i32>} : memref<512xf32, #tpu.memory_space<vmem>>, vector<16xf32>,
      %get3A_42 = vector.shape_cast %get3A_41 : vector<16xf32> to vector<16xf32>
      %get3A_43 = arith.constant 80 : index
      %get3A_44 = tpu.vector_load %arg9[%get3A_43] {strides = array<i32>} : memref<512xf32, #tpu.memory_space<vmem>>, vector<16xf32>,
      %get3A_45 = vector.shape_cast %get3A_44 : vector<16xf32> to vector<16xf32>
      %get3A_46 = arith.constant 96 : index
      %get3A_47 = tpu.vector_load %arg9[%get3A_46] {strides = array<i32>} : memref<512xf32, #tpu.memory_space<vmem>>, vector<16xf32>,
      %get3A_48 = vector.shape_cast %get3A_47 : vector<16xf32> to vector<16xf32>
      %get3A_49 = arith.constant 112 : index
      %get3A_50 = tpu.vector_load %arg9[%get3A_49] {strides = array<i32>} : memref<512xf32, #tpu.memory_space<vmem>>, vector<16xf32>,
      %get3A_51 = vector.shape_cast %get3A_50 : vector<16xf32> to vector<16xf32>
      %scan3A_52 = arith.constant 0 : i32
      %scan3A_53 = arith.constant 64 : i32
      %scan3A_54 = arith.addi %scan3A_52, %scan3A_53 : i32
      %scan3A_55 = arith.constant 1 : i32
      scf.for %scan3A_144 = %scan3A_52 to %scan3A_54 step %scan3A_55  : i32 {
        %get3A_145 = arith.index_cast %scan3A_144 : i32 to index
        %get3A_146 = arith.constant 0 : index
        %get3A_147 = tpu.vector_load %arg10[%get3A_145, %get3A_146] {strides = array<i32>} : memref<64x16xf32, #tpu.memory_space<vmem>>, vector<1x16xf32>,
        %get3A_148 = vector.shape_cast %get3A_147 : vector<1x16xf32> to vector<16xf32>
        %get3A_149 = arith.index_cast %scan3A_144 : i32 to index
        %get3A_150 = arith.constant 0 : index
        %get3A_151 = tpu.vector_load %arg6[%get3A_149, %get3A_150] {strides = array<i32>} : memref<64x512xf32, #tpu.memory_space<vmem>>, vector<1x16xf32>,
        %get3A_152 = vector.shape_cast %get3A_151 : vector<1x16xf32> to vector<16xf32>
        %mul3A_153 = arith.mulf %get3A_30, %get3A_148 : vector<16xf32>
        %add3A_154 = arith.addf %get3A_152, %mul3A_153 : vector<16xf32>
        %swap3A = arith.index_cast %scan3A_144 : i32 to index
        %swap3A_155 = arith.constant 0 : index
        %swap3A_156 = tpu.vector_load %arg7[%swap3A, %swap3A_155] {strides = array<i32>} : memref<64x512xf32, #tpu.memory_space<vmem>>, vector<1x16xf32>,
        %swap3A_157 = vector.shape_cast %swap3A_156 : vector<1x16xf32> to vector<16xf32>
        %swap3A_158 = vector.shape_cast %add3A_154 : vector<16xf32> to vector<1x16xf32>
        tpu.vector_store %arg7[%swap3A, %swap3A_155], %swap3A_158 {strides = array<i32>} : memref<64x512xf32, #tpu.memory_space<vmem>>, vector<1x16xf32>,
        %get3A_159 = arith.index_cast %scan3A_144 : i32 to index
        %get3A_160 = arith.constant 16 : index
        %get3A_161 = tpu.vector_load %arg6[%get3A_159, %get3A_160] {strides = array<i32>} : memref<64x512xf32, #tpu.memory_space<vmem>>, vector<1x16xf32>,
        %get3A_162 = vector.shape_cast %get3A_161 : vector<1x16xf32> to vector<16xf32>
        %mul3A_163 = arith.mulf %get3A_33, %get3A_148 : vector<16xf32>
        %add3A_164 = arith.addf %get3A_162, %mul3A_163 : vector<16xf32>
        %swap3A_165 = arith.index_cast %scan3A_144 : i32 to index
        %swap3A_166 = arith.constant 16 : index
        %swap3A_167 = tpu.vector_load %arg7[%swap3A_165, %swap3A_166] {strides = array<i32>} : memref<64x512xf32, #tpu.memory_space<vmem>>, vector<1x16xf32>,
        %swap3A_168 = vector.shape_cast %swap3A_167 : vector<1x16xf32> to vector<16xf32>
        %swap3A_169 = vector.shape_cast %add3A_164 : vector<16xf32> to vector<1x16xf32>
        tpu.vector_store %arg7[%swap3A_165, %swap3A_166], %swap3A_169 {strides = array<i32>} : memref<64x512xf32, #tpu.memory_space<vmem>>, vector<1x16xf32>,
        %get3A_170 = arith.index_cast %scan3A_144 : i32 to index
        %get3A_171 = arith.constant 32 : index
        %get3A_172 = tpu.vector_load %arg6[%get3A_170, %get3A_171] {strides = array<i32>} : memref<64x512xf32, #tpu.memory_space<vmem>>, vector<1x16xf32>,
        %get3A_173 = vector.shape_cast %get3A_172 : vector<1x16xf32> to vector<16xf32>
        %mul3A_174 = arith.mulf %get3A_36, %get3A_148 : vector<16xf32>
        %add3A_175 = arith.addf %get3A_173, %mul3A_174 : vector<16xf32>
        %swap3A_176 = arith.index_cast %scan3A_144 : i32 to index
        %swap3A_177 = arith.constant 32 : index
        %swap3A_178 = tpu.vector_load %arg7[%swap3A_176, %swap3A_177] {strides = array<i32>} : memref<64x512xf32, #tpu.memory_space<vmem>>, vector<1x16xf32>,
        %swap3A_179 = vector.shape_cast %swap3A_178 : vector<1x16xf32> to vector<16xf32>
        %swap3A_180 = vector.shape_cast %add3A_175 : vector<16xf32> to vector<1x16xf32>
        tpu.vector_store %arg7[%swap3A_176, %swap3A_177], %swap3A_180 {strides = array<i32>} : memref<64x512xf32, #tpu.memory_space<vmem>>, vector<1x16xf32>,
        %get3A_181 = arith.index_cast %scan3A_144 : i32 to index
        %get3A_182 = arith.constant 48 : index
        %get3A_183 = tpu.vector_load %arg6[%get3A_181, %get3A_182] {strides = array<i32>} : memref<64x512xf32, #tpu.memory_space<vmem>>, vector<1x16xf32>,
        %get3A_184 = vector.shape_cast %get3A_183 : vector<1x16xf32> to vector<16xf32>
        %mul3A_185 = arith.mulf %get3A_39, %get3A_148 : vector<16xf32>
        %add3A_186 = arith.addf %get3A_184, %mul3A_185 : vector<16xf32>
        %swap3A_187 = arith.index_cast %scan3A_144 : i32 to index
        %swap3A_188 = arith.constant 48 : index
        %swap3A_189 = tpu.vector_load %arg7[%swap3A_187, %swap3A_188] {strides = array<i32>} : memref<64x512xf32, #tpu.memory_space<vmem>>, vector<1x16xf32>,
        %swap3A_190 = vector.shape_cast %swap3A_189 : vector<1x16xf32> to vector<16xf32>
        %swap3A_191 = vector.shape_cast %add3A_186 : vector<16xf32> to vector<1x16xf32>
        tpu.vector_store %arg7[%swap3A_187, %swap3A_188], %swap3A_191 {strides = array<i32>} : memref<64x512xf32, #tpu.memory_space<vmem>>, vector<1x16xf32>,
        %get3A_192 = arith.index_cast %scan3A_144 : i32 to index
        %get3A_193 = arith.constant 64 : index
        %get3A_194 = tpu.vector_load %arg6[%get3A_192, %get3A_193] {strides = array<i32>} : memref<64x512xf32, #tpu.memory_space<vmem>>, vector<1x16xf32>,
        %get3A_195 = vector.shape_cast %get3A_194 : vector<1x16xf32> to vector<16xf32>
        %mul3A_196 = arith.mulf %get3A_42, %get3A_148 : vector<16xf32>
        %add3A_197 = arith.addf %get3A_195, %mul3A_196 : vector<16xf32>
        %swap3A_198 = arith.index_cast %scan3A_144 : i32 to index
        %swap3A_199 = arith.constant 64 : index
        %swap3A_200 = tpu.vector_load %arg7[%swap3A_198, %swap3A_199] {strides = array<i32>} : memref<64x512xf32, #tpu.memory_space<vmem>>, vector<1x16xf32>,
        %swap3A_201 = vector.shape_cast %swap3A_200 : vector<1x16xf32> to vector<16xf32>
        %swap3A_202 = vector.shape_cast %add3A_197 : vector<16xf32> to vector<1x16xf32>
        tpu.vector_store %arg7[%swap3A_198, %swap3A_199], %swap3A_202 {strides = array<i32>} : memref<64x512xf32, #tpu.memory_space<vmem>>, vector<1x16xf32>,
        %get3A_203 = arith.index_cast %scan3A_144 : i32 to index
        %get3A_204 = arith.constant 80 : index
        %get3A_205 = tpu.vector_load %arg6[%get3A_203, %get3A_204] {strides = array<i32>} : memref<64x512xf32, #tpu.memory_space<vmem>>, vector<1x16xf32>,
        %get3A_206 = vector.shape_cast %get3A_205 : vector<1x16xf32> to vector<16xf32>
        %mul3A_207 = arith.mulf %get3A_45, %get3A_148 : vector<16xf32>
        %add3A_208 = arith.addf %get3A_206, %mul3A_207 : vector<16xf32>
        %swap3A_209 = arith.index_cast %scan3A_144 : i32 to index
        %swap3A_210 = arith.constant 80 : index
        %swap3A_211 = tpu.vector_load %arg7[%swap3A_209, %swap3A_210] {strides = array<i32>} : memref<64x512xf32, #tpu.memory_space<vmem>>, vector<1x16xf32>,
        %swap3A_212 = vector.shape_cast %swap3A_211 : vector<1x16xf32> to vector<16xf32>
        %swap3A_213 = vector.shape_cast %add3A_208 : vector<16xf32> to vector<1x16xf32>
        tpu.vector_store %arg7[%swap3A_209, %swap3A_210], %swap3A_213 {strides = array<i32>} : memref<64x512xf32, #tpu.memory_space<vmem>>, vector<1x16xf32>,
        %get3A_214 = arith.index_cast %scan3A_144 : i32 to index
        %get3A_215 = arith.constant 96 : index
        %get3A_216 = tpu.vector_load %arg6[%get3A_214, %get3A_215] {strides = array<i32>} : memref<64x512xf32, #tpu.memory_space<vmem>>, vector<1x16xf32>,
        %get3A_217 = vector.shape_cast %get3A_216 : vector<1x16xf32> to vector<16xf32>
        %mul3A_218 = arith.mulf %get3A_48, %get3A_148 : vector<16xf32>
        %add3A_219 = arith.addf %get3A_217, %mul3A_218 : vector<16xf32>
        %swap3A_220 = arith.index_cast %scan3A_144 : i32 to index
        %swap3A_221 = arith.constant 96 : index
        %swap3A_222 = tpu.vector_load %arg7[%swap3A_220, %swap3A_221] {strides = array<i32>} : memref<64x512xf32, #tpu.memory_space<vmem>>, vector<1x16xf32>,
        %swap3A_223 = vector.shape_cast %swap3A_222 : vector<1x16xf32> to vector<16xf32>
        %swap3A_224 = vector.shape_cast %add3A_219 : vector<16xf32> to vector<1x16xf32>
        tpu.vector_store %arg7[%swap3A_220, %swap3A_221], %swap3A_224 {strides = array<i32>} : memref<64x512xf32, #tpu.memory_space<vmem>>, vector<1x16xf32>,
        %get3A_225 = arith.index_cast %scan3A_144 : i32 to index
        %get3A_226 = arith.constant 112 : index
        %get3A_227 = tpu.vector_load %arg6[%get3A_225, %get3A_226] {strides = array<i32>} : memref<64x512xf32, #tpu.memory_space<vmem>>, vector<1x16xf32>,
        %get3A_228 = vector.shape_cast %get3A_227 : vector<1x16xf32> to vector<16xf32>
        %mul3A_229 = arith.mulf %get3A_51, %get3A_148 : vector<16xf32>
        %add3A_230 = arith.addf %get3A_228, %mul3A_229 : vector<16xf32>
        %swap3A_231 = arith.index_cast %scan3A_144 : i32 to index
        %swap3A_232 = arith.constant 112 : index
        %swap3A_233 = tpu.vector_load %arg7[%swap3A_231, %swap3A_232] {strides = array<i32>} : memref<64x512xf32, #tpu.memory_space<vmem>>, vector<1x16xf32>,
        %swap3A_234 = vector.shape_cast %swap3A_233 : vector<1x16xf32> to vector<16xf32>
        %swap3A_235 = vector.shape_cast %add3A_230 : vector<16xf32> to vector<1x16xf32>
        tpu.vector_store %arg7[%swap3A_231, %swap3A_232], %swap3A_235 {strides = array<i32>} : memref<64x512xf32, #tpu.memory_space<vmem>>, vector<1x16xf32>,
      }
      %scan3A_56 = arith.constant 64 : i32
      %get3A_57 = arith.constant 128 : index
      %get3A_58 = tpu.vector_load %arg9[%get3A_57] {strides = array<i32>} : memref<512xf32, #tpu.memory_space<vmem>>, vector<16xf32>,
      %get3A_59 = vector.shape_cast %get3A_58 : vector<16xf32> to vector<16xf32>
      %get3A_60 = arith.constant 144 : index
      %get3A_61 = tpu.vector_load %arg9[%get3A_60] {strides = array<i32>} : memref<512xf32, #tpu.memory_space<vmem>>, vector<16xf32>,
      %get3A_62 = vector.shape_cast %get3A_61 : vector<16xf32> to vector<16xf32>
      %get3A_63 = arith.constant 160 : index
      %get3A_64 = tpu.vector_load %arg9[%get3A_63] {strides = array<i32>} : memref<512xf32, #tpu.memory_space<vmem>>, vector<16xf32>,
      %get3A_65 = vector.shape_cast %get3A_64 : vector<16xf32> to vector<16xf32>
      %get3A_66 = arith.constant 176 : index
      %get3A_67 = tpu.vector_load %arg9[%get3A_66] {strides = array<i32>} : memref<512xf32, #tpu.memory_space<vmem>>, vector<16xf32>,
      %get3A_68 = vector.shape_cast %get3A_67 : vector<16xf32> to vector<16xf32>
      %get3A_69 = arith.constant 192 : index
      %get3A_70 = tpu.vector_load %arg9[%get3A_69] {strides = array<i32>} : memref<512xf32, #tpu.memory_space<vmem>>, vector<16xf32>,
      %get3A_71 = vector.shape_cast %get3A_70 : vector<16xf32> to vector<16xf32>
      %get3A_72 = arith.constant 208 : index
      %get3A_73 = tpu.vector_load %arg9[%get3A_72] {strides = array<i32>} : memref<512xf32, #tpu.memory_space<vmem>>, vector<16xf32>,
      %get3A_74 = vector.shape_cast %get3A_73 : vector<16xf32> to vector<16xf32>
      %get3A_75 = arith.constant 224 : index
      %get3A_76 = tpu.vector_load %arg9[%get3A_75] {strides = array<i32>} : memref<512xf32, #tpu.memory_space<vmem>>, vector<16xf32>,
      %get3A_77 = vector.shape_cast %get3A_76 : vector<16xf32> to vector<16xf32>
      %get3A_78 = arith.constant 240 : index
      %get3A_79 = tpu.vector_load %arg9[%get3A_78] {strides = array<i32>} : memref<512xf32, #tpu.memory_space<vmem>>, vector<16xf32>,
      %get3A_80 = vector.shape_cast %get3A_79 : vector<16xf32> to vector<16xf32>
      %scan3A_81 = arith.constant 0 : i32
      %scan3A_82 = arith.constant 64 : i32
      %scan3A_83 = arith.addi %scan3A_81, %scan3A_82 : i32
      %scan3A_84 = arith.constant 1 : i32
      scf.for %scan3A_144 = %scan3A_81 to %scan3A_83 step %scan3A_84  : i32 {
        %get3A_145 = arith.index_cast %scan3A_144 : i32 to index
        %get3A_146 = arith.constant 0 : index
        %get3A_147 = tpu.vector_load %arg10[%get3A_145, %get3A_146] {strides = array<i32>} : memref<64x16xf32, #tpu.memory_space<vmem>>, vector<1x16xf32>,
        %get3A_148 = vector.shape_cast %get3A_147 : vector<1x16xf32> to vector<16xf32>
        %get3A_149 = arith.index_cast %scan3A_144 : i32 to index
        %get3A_150 = arith.constant 128 : index
        %get3A_151 = tpu.vector_load %arg6[%get3A_149, %get3A_150] {strides = array<i32>} : memref<64x512xf32, #tpu.memory_space<vmem>>, vector<1x16xf32>,
        %get3A_152 = vector.shape_cast %get3A_151 : vector<1x16xf32> to vector<16xf32>
        %mul3A_153 = arith.mulf %get3A_59, %get3A_148 : vector<16xf32>
        %add3A_154 = arith.addf %get3A_152, %mul3A_153 : vector<16xf32>
        %swap3A = arith.index_cast %scan3A_144 : i32 to index
        %swap3A_155 = arith.constant 128 : index
        %swap3A_156 = tpu.vector_load %arg7[%swap3A, %swap3A_155] {strides = array<i32>} : memref<64x512xf32, #tpu.memory_space<vmem>>, vector<1x16xf32>,
        %swap3A_157 = vector.shape_cast %swap3A_156 : vector<1x16xf32> to vector<16xf32>
        %swap3A_158 = vector.shape_cast %add3A_154 : vector<16xf32> to vector<1x16xf32>
        tpu.vector_store %arg7[%swap3A, %swap3A_155], %swap3A_158 {strides = array<i32>} : memref<64x512xf32, #tpu.memory_space<vmem>>, vector<1x16xf32>,
        %get3A_159 = arith.index_cast %scan3A_144 : i32 to index
        %get3A_160 = arith.constant 144 : index
        %get3A_161 = tpu.vector_load %arg6[%get3A_159, %get3A_160] {strides = array<i32>} : memref<64x512xf32, #tpu.memory_space<vmem>>, vector<1x16xf32>,
        %get3A_162 = vector.shape_cast %get3A_161 : vector<1x16xf32> to vector<16xf32>
        %mul3A_163 = arith.mulf %get3A_62, %get3A_148 : vector<16xf32>
        %add3A_164 = arith.addf %get3A_162, %mul3A_163 : vector<16xf32>
        %swap3A_165 = arith.index_cast %scan3A_144 : i32 to index
        %swap3A_166 = arith.constant 144 : index
        %swap3A_167 = tpu.vector_load %arg7[%swap3A_165, %swap3A_166] {strides = array<i32>} : memref<64x512xf32, #tpu.memory_space<vmem>>, vector<1x16xf32>,
        %swap3A_168 = vector.shape_cast %swap3A_167 : vector<1x16xf32> to vector<16xf32>
        %swap3A_169 = vector.shape_cast %add3A_164 : vector<16xf32> to vector<1x16xf32>
        tpu.vector_store %arg7[%swap3A_165, %swap3A_166], %swap3A_169 {strides = array<i32>} : memref<64x512xf32, #tpu.memory_space<vmem>>, vector<1x16xf32>,
        %get3A_170 = arith.index_cast %scan3A_144 : i32 to index
        %get3A_171 = arith.constant 160 : index
        %get3A_172 = tpu.vector_load %arg6[%get3A_170, %get3A_171] {strides = array<i32>} : memref<64x512xf32, #tpu.memory_space<vmem>>, vector<1x16xf32>,
        %get3A_173 = vector.shape_cast %get3A_172 : vector<1x16xf32> to vector<16xf32>
        %mul3A_174 = arith.mulf %get3A_65, %get3A_148 : vector<16xf32>
        %add3A_175 = arith.addf %get3A_173, %mul3A_174 : vector<16xf32>
        %swap3A_176 = arith.index_cast %scan3A_144 : i32 to index
        %swap3A_177 = arith.constant 160 : index
        %swap3A_178 = tpu.vector_load %arg7[%swap3A_176, %swap3A_177] {strides = array<i32>} : memref<64x512xf32, #tpu.memory_space<vmem>>, vector<1x16xf32>,
        %swap3A_179 = vector.shape_cast %swap3A_178 : vector<1x16xf32> to vector<16xf32>
        %swap3A_180 = vector.shape_cast %add3A_175 : vector<16xf32> to vector<1x16xf32>
        tpu.vector_store %arg7[%swap3A_176, %swap3A_177], %swap3A_180 {strides = array<i32>} : memref<64x512xf32, #tpu.memory_space<vmem>>, vector<1x16xf32>,
        %get3A_181 = arith.index_cast %scan3A_144 : i32 to index
        %get3A_182 = arith.constant 176 : index
        %get3A_183 = tpu.vector_load %arg6[%get3A_181, %get3A_182] {strides = array<i32>} : memref<64x512xf32, #tpu.memory_space<vmem>>, vector<1x16xf32>,
        %get3A_184 = vector.shape_cast %get3A_183 : vector<1x16xf32> to vector<16xf32>
        %mul3A_185 = arith.mulf %get3A_68, %get3A_148 : vector<16xf32>
        %add3A_186 = arith.addf %get3A_184, %mul3A_185 : vector<16xf32>
        %swap3A_187 = arith.index_cast %scan3A_144 : i32 to index
        %swap3A_188 = arith.constant 176 : index
        %swap3A_189 = tpu.vector_load %arg7[%swap3A_187, %swap3A_188] {strides = array<i32>} : memref<64x512xf32, #tpu.memory_space<vmem>>, vector<1x16xf32>,
        %swap3A_190 = vector.shape_cast %swap3A_189 : vector<1x16xf32> to vector<16xf32>
        %swap3A_191 = vector.shape_cast %add3A_186 : vector<16xf32> to vector<1x16xf32>
        tpu.vector_store %arg7[%swap3A_187, %swap3A_188], %swap3A_191 {strides = array<i32>} : memref<64x512xf32, #tpu.memory_space<vmem>>, vector<1x16xf32>,
        %get3A_192 = arith.index_cast %scan3A_144 : i32 to index
        %get3A_193 = arith.constant 192 : index
        %get3A_194 = tpu.vector_load %arg6[%get3A_192, %get3A_193] {strides = array<i32>} : memref<64x512xf32, #tpu.memory_space<vmem>>, vector<1x16xf32>,
        %get3A_195 = vector.shape_cast %get3A_194 : vector<1x16xf32> to vector<16xf32>
        %mul3A_196 = arith.mulf %get3A_71, %get3A_148 : vector<16xf32>
        %add3A_197 = arith.addf %get3A_195, %mul3A_196 : vector<16xf32>
        %swap3A_198 = arith.index_cast %scan3A_144 : i32 to index
        %swap3A_199 = arith.constant 192 : index
        %swap3A_200 = tpu.vector_load %arg7[%swap3A_198, %swap3A_199] {strides = array<i32>} : memref<64x512xf32, #tpu.memory_space<vmem>>, vector<1x16xf32>,
        %swap3A_201 = vector.shape_cast %swap3A_200 : vector<1x16xf32> to vector<16xf32>
        %swap3A_202 = vector.shape_cast %add3A_197 : vector<16xf32> to vector<1x16xf32>
        tpu.vector_store %arg7[%swap3A_198, %swap3A_199], %swap3A_202 {strides = array<i32>} : memref<64x512xf32, #tpu.memory_space<vmem>>, vector<1x16xf32>,
        %get3A_203 = arith.index_cast %scan3A_144 : i32 to index
        %get3A_204 = arith.constant 208 : index
        %get3A_205 = tpu.vector_load %arg6[%get3A_203, %get3A_204] {strides = array<i32>} : memref<64x512xf32, #tpu.memory_space<vmem>>, vector<1x16xf32>,
        %get3A_206 = vector.shape_cast %get3A_205 : vector<1x16xf32> to vector<16xf32>
        %mul3A_207 = arith.mulf %get3A_74, %get3A_148 : vector<16xf32>
        %add3A_208 = arith.addf %get3A_206, %mul3A_207 : vector<16xf32>
        %swap3A_209 = arith.index_cast %scan3A_144 : i32 to index
        %swap3A_210 = arith.constant 208 : index
        %swap3A_211 = tpu.vector_load %arg7[%swap3A_209, %swap3A_210] {strides = array<i32>} : memref<64x512xf32, #tpu.memory_space<vmem>>, vector<1x16xf32>,
        %swap3A_212 = vector.shape_cast %swap3A_211 : vector<1x16xf32> to vector<16xf32>
        %swap3A_213 = vector.shape_cast %add3A_208 : vector<16xf32> to vector<1x16xf32>
        tpu.vector_store %arg7[%swap3A_209, %swap3A_210], %swap3A_213 {strides = array<i32>} : memref<64x512xf32, #tpu.memory_space<vmem>>, vector<1x16xf32>,
        %get3A_214 = arith.index_cast %scan3A_144 : i32 to index
        %get3A_215 = arith.constant 224 : index
        %get3A_216 = tpu.vector_load %arg6[%get3A_214, %get3A_215] {strides = array<i32>} : memref<64x512xf32, #tpu.memory_space<vmem>>, vector<1x16xf32>,
        %get3A_217 = vector.shape_cast %get3A_216 : vector<1x16xf32> to vector<16xf32>
        %mul3A_218 = arith.mulf %get3A_77, %get3A_148 : vector<16xf32>
        %add3A_219 = arith.addf %get3A_217, %mul3A_218 : vector<16xf32>
        %swap3A_220 = arith.index_cast %scan3A_144 : i32 to index
        %swap3A_221 = arith.constant 224 : index
        %swap3A_222 = tpu.vector_load %arg7[%swap3A_220, %swap3A_221] {strides = array<i32>} : memref<64x512xf32, #tpu.memory_space<vmem>>, vector<1x16xf32>,
        %swap3A_223 = vector.shape_cast %swap3A_222 : vector<1x16xf32> to vector<16xf32>
        %swap3A_224 = vector.shape_cast %add3A_219 : vector<16xf32> to vector<1x16xf32>
        tpu.vector_store %arg7[%swap3A_220, %swap3A_221], %swap3A_224 {strides = array<i32>} : memref<64x512xf32, #tpu.memory_space<vmem>>, vector<1x16xf32>,
        %get3A_225 = arith.index_cast %scan3A_144 : i32 to index
        %get3A_226 = arith.constant 240 : index
        %get3A_227 = tpu.vector_load %arg6[%get3A_225, %get3A_226] {strides = array<i32>} : memref<64x512xf32, #tpu.memory_space<vmem>>, vector<1x16xf32>,
        %get3A_228 = vector.shape_cast %get3A_227 : vector<1x16xf32> to vector<16xf32>
        %mul3A_229 = arith.mulf %get3A_80, %get3A_148 : vector<16xf32>
        %add3A_230 = arith.addf %get3A_228, %mul3A_229 : vector<16xf32>
        %swap3A_231 = arith.index_cast %scan3A_144 : i32 to index
        %swap3A_232 = arith.constant 240 : index
        %swap3A_233 = tpu.vector_load %arg7[%swap3A_231, %swap3A_232] {strides = array<i32>} : memref<64x512xf32, #tpu.memory_space<vmem>>, vector<1x16xf32>,
        %swap3A_234 = vector.shape_cast %swap3A_233 : vector<1x16xf32> to vector<16xf32>
        %swap3A_235 = vector.shape_cast %add3A_230 : vector<16xf32> to vector<1x16xf32>
        tpu.vector_store %arg7[%swap3A_231, %swap3A_232], %swap3A_235 {strides = array<i32>} : memref<64x512xf32, #tpu.memory_space<vmem>>, vector<1x16xf32>,
      }
      %scan3A_85 = arith.constant 64 : i32
      %get3A_86 = arith.constant 256 : index
      %get3A_87 = tpu.vector_load %arg9[%get3A_86] {strides = array<i32>} : memref<512xf32, #tpu.memory_space<vmem>>, vector<16xf32>,
      %get3A_88 = vector.shape_cast %get3A_87 : vector<16xf32> to vector<16xf32>
      %get3A_89 = arith.constant 272 : index
      %get3A_90 = tpu.vector_load %arg9[%get3A_89] {strides = array<i32>} : memref<512xf32, #tpu.memory_space<vmem>>, vector<16xf32>,
      %get3A_91 = vector.shape_cast %get3A_90 : vector<16xf32> to vector<16xf32>
      %get3A_92 = arith.constant 288 : index
      %get3A_93 = tpu.vector_load %arg9[%get3A_92] {strides = array<i32>} : memref<512xf32, #tpu.memory_space<vmem>>, vector<16xf32>,
      %get3A_94 = vector.shape_cast %get3A_93 : vector<16xf32> to vector<16xf32>
      %get3A_95 = arith.constant 304 : index
      %get3A_96 = tpu.vector_load %arg9[%get3A_95] {strides = array<i32>} : memref<512xf32, #tpu.memory_space<vmem>>, vector<16xf32>,
      %get3A_97 = vector.shape_cast %get3A_96 : vector<16xf32> to vector<16xf32>
      %get3A_98 = arith.constant 320 : index
      %get3A_99 = tpu.vector_load %arg9[%get3A_98] {strides = array<i32>} : memref<512xf32, #tpu.memory_space<vmem>>, vector<16xf32>,
      %get3A_100 = vector.shape_cast %get3A_99 : vector<16xf32> to vector<16xf32>
      %get3A_101 = arith.constant 336 : index
      %get3A_102 = tpu.vector_load %arg9[%get3A_101] {strides = array<i32>} : memref<512xf32, #tpu.memory_space<vmem>>, vector<16xf32>,
      %get3A_103 = vector.shape_cast %get3A_102 : vector<16xf32> to vector<16xf32>
      %get3A_104 = arith.constant 352 : index
      %get3A_105 = tpu.vector_load %arg9[%get3A_104] {strides = array<i32>} : memref<512xf32, #tpu.memory_space<vmem>>, vector<16xf32>,
      %get3A_106 = vector.shape_cast %get3A_105 : vector<16xf32> to vector<16xf32>
      %get3A_107 = arith.constant 368 : index
      %get3A_108 = tpu.vector_load %arg9[%get3A_107] {strides = array<i32>} : memref<512xf32, #tpu.memory_space<vmem>>, vector<16xf32>,
      %get3A_109 = vector.shape_cast %get3A_108 : vector<16xf32> to vector<16xf32>
      %scan3A_110 = arith.constant 0 : i32
      %scan3A_111 = arith.constant 64 : i32
      %scan3A_112 = arith.addi %scan3A_110, %scan3A_111 : i32
      %scan3A_113 = arith.constant 1 : i32
      scf.for %scan3A_144 = %scan3A_110 to %scan3A_112 step %scan3A_113  : i32 {
        %get3A_145 = arith.index_cast %scan3A_144 : i32 to index
        %get3A_146 = arith.constant 0 : index
        %get3A_147 = tpu.vector_load %arg10[%get3A_145, %get3A_146] {strides = array<i32>} : memref<64x16xf32, #tpu.memory_space<vmem>>, vector<1x16xf32>,
        %get3A_148 = vector.shape_cast %get3A_147 : vector<1x16xf32> to vector<16xf32>
        %get3A_149 = arith.index_cast %scan3A_144 : i32 to index
        %get3A_150 = arith.constant 256 : index
        %get3A_151 = tpu.vector_load %arg6[%get3A_149, %get3A_150] {strides = array<i32>} : memref<64x512xf32, #tpu.memory_space<vmem>>, vector<1x16xf32>,
        %get3A_152 = vector.shape_cast %get3A_151 : vector<1x16xf32> to vector<16xf32>
        %mul3A_153 = arith.mulf %get3A_88, %get3A_148 : vector<16xf32>
        %add3A_154 = arith.addf %get3A_152, %mul3A_153 : vector<16xf32>
        %swap3A = arith.index_cast %scan3A_144 : i32 to index
        %swap3A_155 = arith.constant 256 : index
        %swap3A_156 = tpu.vector_load %arg7[%swap3A, %swap3A_155] {strides = array<i32>} : memref<64x512xf32, #tpu.memory_space<vmem>>, vector<1x16xf32>,
        %swap3A_157 = vector.shape_cast %swap3A_156 : vector<1x16xf32> to vector<16xf32>
        %swap3A_158 = vector.shape_cast %add3A_154 : vector<16xf32> to vector<1x16xf32>
        tpu.vector_store %arg7[%swap3A, %swap3A_155], %swap3A_158 {strides = array<i32>} : memref<64x512xf32, #tpu.memory_space<vmem>>, vector<1x16xf32>,
        %get3A_159 = arith.index_cast %scan3A_144 : i32 to index
        %get3A_160 = arith.constant 272 : index
        %get3A_161 = tpu.vector_load %arg6[%get3A_159, %get3A_160] {strides = array<i32>} : memref<64x512xf32, #tpu.memory_space<vmem>>, vector<1x16xf32>,
        %get3A_162 = vector.shape_cast %get3A_161 : vector<1x16xf32> to vector<16xf32>
        %mul3A_163 = arith.mulf %get3A_91, %get3A_148 : vector<16xf32>
        %add3A_164 = arith.addf %get3A_162, %mul3A_163 : vector<16xf32>
        %swap3A_165 = arith.index_cast %scan3A_144 : i32 to index
        %swap3A_166 = arith.constant 272 : index
        %swap3A_167 = tpu.vector_load %arg7[%swap3A_165, %swap3A_166] {strides = array<i32>} : memref<64x512xf32, #tpu.memory_space<vmem>>, vector<1x16xf32>,
        %swap3A_168 = vector.shape_cast %swap3A_167 : vector<1x16xf32> to vector<16xf32>
        %swap3A_169 = vector.shape_cast %add3A_164 : vector<16xf32> to vector<1x16xf32>
        tpu.vector_store %arg7[%swap3A_165, %swap3A_166], %swap3A_169 {strides = array<i32>} : memref<64x512xf32, #tpu.memory_space<vmem>>, vector<1x16xf32>,
        %get3A_170 = arith.index_cast %scan3A_144 : i32 to index
        %get3A_171 = arith.constant 288 : index
        %get3A_172 = tpu.vector_load %arg6[%get3A_170, %get3A_171] {strides = array<i32>} : memref<64x512xf32, #tpu.memory_space<vmem>>, vector<1x16xf32>,
        %get3A_173 = vector.shape_cast %get3A_172 : vector<1x16xf32> to vector<16xf32>
        %mul3A_174 = arith.mulf %get3A_94, %get3A_148 : vector<16xf32>
        %add3A_175 = arith.addf %get3A_173, %mul3A_174 : vector<16xf32>
        %swap3A_176 = arith.index_cast %scan3A_144 : i32 to index
        %swap3A_177 = arith.constant 288 : index
        %swap3A_178 = tpu.vector_load %arg7[%swap3A_176, %swap3A_177] {strides = array<i32>} : memref<64x512xf32, #tpu.memory_space<vmem>>, vector<1x16xf32>,
        %swap3A_179 = vector.shape_cast %swap3A_178 : vector<1x16xf32> to vector<16xf32>
        %swap3A_180 = vector.shape_cast %add3A_175 : vector<16xf32> to vector<1x16xf32>
        tpu.vector_store %arg7[%swap3A_176, %swap3A_177], %swap3A_180 {strides = array<i32>} : memref<64x512xf32, #tpu.memory_space<vmem>>, vector<1x16xf32>,
        %get3A_181 = arith.index_cast %scan3A_144 : i32 to index
        %get3A_182 = arith.constant 304 : index
        %get3A_183 = tpu.vector_load %arg6[%get3A_181, %get3A_182] {strides = array<i32>} : memref<64x512xf32, #tpu.memory_space<vmem>>, vector<1x16xf32>,
        %get3A_184 = vector.shape_cast %get3A_183 : vector<1x16xf32> to vector<16xf32>
        %mul3A_185 = arith.mulf %get3A_97, %get3A_148 : vector<16xf32>
        %add3A_186 = arith.addf %get3A_184, %mul3A_185 : vector<16xf32>
        %swap3A_187 = arith.index_cast %scan3A_144 : i32 to index
        %swap3A_188 = arith.constant 304 : index
        %swap3A_189 = tpu.vector_load %arg7[%swap3A_187, %swap3A_188] {strides = array<i32>} : memref<64x512xf32, #tpu.memory_space<vmem>>, vector<1x16xf32>,
        %swap3A_190 = vector.shape_cast %swap3A_189 : vector<1x16xf32> to vector<16xf32>
        %swap3A_191 = vector.shape_cast %add3A_186 : vector<16xf32> to vector<1x16xf32>
        tpu.vector_store %arg7[%swap3A_187, %swap3A_188], %swap3A_191 {strides = array<i32>} : memref<64x512xf32, #tpu.memory_space<vmem>>, vector<1x16xf32>,
        %get3A_192 = arith.index_cast %scan3A_144 : i32 to index
        %get3A_193 = arith.constant 320 : index
        %get3A_194 = tpu.vector_load %arg6[%get3A_192, %get3A_193] {strides = array<i32>} : memref<64x512xf32, #tpu.memory_space<vmem>>, vector<1x16xf32>,
        %get3A_195 = vector.shape_cast %get3A_194 : vector<1x16xf32> to vector<16xf32>
        %mul3A_196 = arith.mulf %get3A_100, %get3A_148 : vector<16xf32>
        %add3A_197 = arith.addf %get3A_195, %mul3A_196 : vector<16xf32>
        %swap3A_198 = arith.index_cast %scan3A_144 : i32 to index
        %swap3A_199 = arith.constant 320 : index
        %swap3A_200 = tpu.vector_load %arg7[%swap3A_198, %swap3A_199] {strides = array<i32>} : memref<64x512xf32, #tpu.memory_space<vmem>>, vector<1x16xf32>,
        %swap3A_201 = vector.shape_cast %swap3A_200 : vector<1x16xf32> to vector<16xf32>
        %swap3A_202 = vector.shape_cast %add3A_197 : vector<16xf32> to vector<1x16xf32>
        tpu.vector_store %arg7[%swap3A_198, %swap3A_199], %swap3A_202 {strides = array<i32>} : memref<64x512xf32, #tpu.memory_space<vmem>>, vector<1x16xf32>,
        %get3A_203 = arith.index_cast %scan3A_144 : i32 to index
        %get3A_204 = arith.constant 336 : index
        %get3A_205 = tpu.vector_load %arg6[%get3A_203, %get3A_204] {strides = array<i32>} : memref<64x512xf32, #tpu.memory_space<vmem>>, vector<1x16xf32>,
        %get3A_206 = vector.shape_cast %get3A_205 : vector<1x16xf32> to vector<16xf32>
        %mul3A_207 = arith.mulf %get3A_103, %get3A_148 : vector<16xf32>
        %add3A_208 = arith.addf %get3A_206, %mul3A_207 : vector<16xf32>
        %swap3A_209 = arith.index_cast %scan3A_144 : i32 to index
        %swap3A_210 = arith.constant 336 : index
        %swap3A_211 = tpu.vector_load %arg7[%swap3A_209, %swap3A_210] {strides = array<i32>} : memref<64x512xf32, #tpu.memory_space<vmem>>, vector<1x16xf32>,
        %swap3A_212 = vector.shape_cast %swap3A_211 : vector<1x16xf32> to vector<16xf32>
        %swap3A_213 = vector.shape_cast %add3A_208 : vector<16xf32> to vector<1x16xf32>
        tpu.vector_store %arg7[%swap3A_209, %swap3A_210], %swap3A_213 {strides = array<i32>} : memref<64x512xf32, #tpu.memory_space<vmem>>, vector<1x16xf32>,
        %get3A_214 = arith.index_cast %scan3A_144 : i32 to index
        %get3A_215 = arith.constant 352 : index
        %get3A_216 = tpu.vector_load %arg6[%get3A_214, %get3A_215] {strides = array<i32>} : memref<64x512xf32, #tpu.memory_space<vmem>>, vector<1x16xf32>,
        %get3A_217 = vector.shape_cast %get3A_216 : vector<1x16xf32> to vector<16xf32>
        %mul3A_218 = arith.mulf %get3A_106, %get3A_148 : vector<16xf32>
        %add3A_219 = arith.addf %get3A_217, %mul3A_218 : vector<16xf32>
        %swap3A_220 = arith.index_cast %scan3A_144 : i32 to index
        %swap3A_221 = arith.constant 352 : index
        %swap3A_222 = tpu.vector_load %arg7[%swap3A_220, %swap3A_221] {strides = array<i32>} : memref<64x512xf32, #tpu.memory_space<vmem>>, vector<1x16xf32>,
        %swap3A_223 = vector.shape_cast %swap3A_222 : vector<1x16xf32> to vector<16xf32>
        %swap3A_224 = vector.shape_cast %add3A_219 : vector<16xf32> to vector<1x16xf32>
        tpu.vector_store %arg7[%swap3A_220, %swap3A_221], %swap3A_224 {strides = array<i32>} : memref<64x512xf32, #tpu.memory_space<vmem>>, vector<1x16xf32>,
        %get3A_225 = arith.index_cast %scan3A_144 : i32 to index
        %get3A_226 = arith.constant 368 : index
        %get3A_227 = tpu.vector_load %arg6[%get3A_225, %get3A_226] {strides = array<i32>} : memref<64x512xf32, #tpu.memory_space<vmem>>, vector<1x16xf32>,
        %get3A_228 = vector.shape_cast %get3A_227 : vector<1x16xf32> to vector<16xf32>
        %mul3A_229 = arith.mulf %get3A_109, %get3A_148 : vector<16xf32>
        %add3A_230 = arith.addf %get3A_228, %mul3A_229 : vector<16xf32>
        %swap3A_231 = arith.index_cast %scan3A_144 : i32 to index
        %swap3A_232 = arith.constant 368 : index
        %swap3A_233 = tpu.vector_load %arg7[%swap3A_231, %swap3A_232] {strides = array<i32>} : memref<64x512xf32, #tpu.memory_space<vmem>>, vector<1x16xf32>,
        %swap3A_234 = vector.shape_cast %swap3A_233 : vector<1x16xf32> to vector<16xf32>
        %swap3A_235 = vector.shape_cast %add3A_230 : vector<16xf32> to vector<1x16xf32>
        tpu.vector_store %arg7[%swap3A_231, %swap3A_232], %swap3A_235 {strides = array<i32>} : memref<64x512xf32, #tpu.memory_space<vmem>>, vector<1x16xf32>,
      }
      %scan3A_114 = arith.constant 64 : i32
      %get3A_115 = arith.constant 384 : index
      %get3A_116 = tpu.vector_load %arg9[%get3A_115] {strides = array<i32>} : memref<512xf32, #tpu.memory_space<vmem>>, vector<16xf32>,
      %get3A_117 = vector.shape_cast %get3A_116 : vector<16xf32> to vector<16xf32>
      %get3A_118 = arith.constant 400 : index
      %get3A_119 = tpu.vector_load %arg9[%get3A_118] {strides = array<i32>} : memref<512xf32, #tpu.memory_space<vmem>>, vector<16xf32>,
      %get3A_120 = vector.shape_cast %get3A_119 : vector<16xf32> to vector<16xf32>
      %get3A_121 = arith.constant 416 : index
      %get3A_122 = tpu.vector_load %arg9[%get3A_121] {strides = array<i32>} : memref<512xf32, #tpu.memory_space<vmem>>, vector<16xf32>,
      %get3A_123 = vector.shape_cast %get3A_122 : vector<16xf32> to vector<16xf32>
      %get3A_124 = arith.constant 432 : index
      %get3A_125 = tpu.vector_load %arg9[%get3A_124] {strides = array<i32>} : memref<512xf32, #tpu.memory_space<vmem>>, vector<16xf32>,
      %get3A_126 = vector.shape_cast %get3A_125 : vector<16xf32> to vector<16xf32>
      %get3A_127 = arith.constant 448 : index
      %get3A_128 = tpu.vector_load %arg9[%get3A_127] {strides = array<i32>} : memref<512xf32, #tpu.memory_space<vmem>>, vector<16xf32>,
      %get3A_129 = vector.shape_cast %get3A_128 : vector<16xf32> to vector<16xf32>
      %get3A_130 = arith.constant 464 : index
      %get3A_131 = tpu.vector_load %arg9[%get3A_130] {strides = array<i32>} : memref<512xf32, #tpu.memory_space<vmem>>, vector<16xf32>,
      %get3A_132 = vector.shape_cast %get3A_131 : vector<16xf32> to vector<16xf32>
      %get3A_133 = arith.constant 480 : index
      %get3A_134 = tpu.vector_load %arg9[%get3A_133] {strides = array<i32>} : memref<512xf32, #tpu.memory_space<vmem>>, vector<16xf32>,
      %get3A_135 = vector.shape_cast %get3A_134 : vector<16xf32> to vector<16xf32>
      %get3A_136 = arith.constant 496 : index
      %get3A_137 = tpu.vector_load %arg9[%get3A_136] {strides = array<i32>} : memref<512xf32, #tpu.memory_space<vmem>>, vector<16xf32>,
      %get3A_138 = vector.shape_cast %get3A_137 : vector<16xf32> to vector<16xf32>
      %scan3A_139 = arith.constant 0 : i32
      %scan3A_140 = arith.constant 64 : i32
      %scan3A_141 = arith.addi %scan3A_139, %scan3A_140 : i32
      %scan3A_142 = arith.constant 1 : i32
      scf.for %scan3A_144 = %scan3A_139 to %scan3A_141 step %scan3A_142  : i32 {
        %get3A_145 = arith.index_cast %scan3A_144 : i32 to index
        %get3A_146 = arith.constant 0 : index
        %get3A_147 = tpu.vector_load %arg10[%get3A_145, %get3A_146] {strides = array<i32>} : memref<64x16xf32, #tpu.memory_space<vmem>>, vector<1x16xf32>,
        %get3A_148 = vector.shape_cast %get3A_147 : vector<1x16xf32> to vector<16xf32>
        %get3A_149 = arith.index_cast %scan3A_144 : i32 to index
        %get3A_150 = arith.constant 384 : index
        %get3A_151 = tpu.vector_load %arg6[%get3A_149, %get3A_150] {strides = array<i32>} : memref<64x512xf32, #tpu.memory_space<vmem>>, vector<1x16xf32>,
        %get3A_152 = vector.shape_cast %get3A_151 : vector<1x16xf32> to vector<16xf32>
        %mul3A_153 = arith.mulf %get3A_117, %get3A_148 : vector<16xf32>
        %add3A_154 = arith.addf %get3A_152, %mul3A_153 : vector<16xf32>
        %swap3A = arith.index_cast %scan3A_144 : i32 to index
        %swap3A_155 = arith.constant 384 : index
        %swap3A_156 = tpu.vector_load %arg7[%swap3A, %swap3A_155] {strides = array<i32>} : memref<64x512xf32, #tpu.memory_space<vmem>>, vector<1x16xf32>,
        %swap3A_157 = vector.shape_cast %swap3A_156 : vector<1x16xf32> to vector<16xf32>
        %swap3A_158 = vector.shape_cast %add3A_154 : vector<16xf32> to vector<1x16xf32>
        tpu.vector_store %arg7[%swap3A, %swap3A_155], %swap3A_158 {strides = array<i32>} : memref<64x512xf32, #tpu.memory_space<vmem>>, vector<1x16xf32>,
        %get3A_159 = arith.index_cast %scan3A_144 : i32 to index
        %get3A_160 = arith.constant 400 : index
        %get3A_161 = tpu.vector_load %arg6[%get3A_159, %get3A_160] {strides = array<i32>} : memref<64x512xf32, #tpu.memory_space<vmem>>, vector<1x16xf32>,
        %get3A_162 = vector.shape_cast %get3A_161 : vector<1x16xf32> to vector<16xf32>
        %mul3A_163 = arith.mulf %get3A_120, %get3A_148 : vector<16xf32>
        %add3A_164 = arith.addf %get3A_162, %mul3A_163 : vector<16xf32>
        %swap3A_165 = arith.index_cast %scan3A_144 : i32 to index
        %swap3A_166 = arith.constant 400 : index
        %swap3A_167 = tpu.vector_load %arg7[%swap3A_165, %swap3A_166] {strides = array<i32>} : memref<64x512xf32, #tpu.memory_space<vmem>>, vector<1x16xf32>,
        %swap3A_168 = vector.shape_cast %swap3A_167 : vector<1x16xf32> to vector<16xf32>
        %swap3A_169 = vector.shape_cast %add3A_164 : vector<16xf32> to vector<1x16xf32>
        tpu.vector_store %arg7[%swap3A_165, %swap3A_166], %swap3A_169 {strides = array<i32>} : memref<64x512xf32, #tpu.memory_space<vmem>>, vector<1x16xf32>,
        %get3A_170 = arith.index_cast %scan3A_144 : i32 to index
        %get3A_171 = arith.constant 416 : index
        %get3A_172 = tpu.vector_load %arg6[%get3A_170, %get3A_171] {strides = array<i32>} : memref<64x512xf32, #tpu.memory_space<vmem>>, vector<1x16xf32>,
        %get3A_173 = vector.shape_cast %get3A_172 : vector<1x16xf32> to vector<16xf32>
        %mul3A_174 = arith.mulf %get3A_123, %get3A_148 : vector<16xf32>
        %add3A_175 = arith.addf %get3A_173, %mul3A_174 : vector<16xf32>
        %swap3A_176 = arith.index_cast %scan3A_144 : i32 to index
        %swap3A_177 = arith.constant 416 : index
        %swap3A_178 = tpu.vector_load %arg7[%swap3A_176, %swap3A_177] {strides = array<i32>} : memref<64x512xf32, #tpu.memory_space<vmem>>, vector<1x16xf32>,
        %swap3A_179 = vector.shape_cast %swap3A_178 : vector<1x16xf32> to vector<16xf32>
        %swap3A_180 = vector.shape_cast %add3A_175 : vector<16xf32> to vector<1x16xf32>
        tpu.vector_store %arg7[%swap3A_176, %swap3A_177], %swap3A_180 {strides = array<i32>} : memref<64x512xf32, #tpu.memory_space<vmem>>, vector<1x16xf32>,
        %get3A_181 = arith.index_cast %scan3A_144 : i32 to index
        %get3A_182 = arith.constant 432 : index
        %get3A_183 = tpu.vector_load %arg6[%get3A_181, %get3A_182] {strides = array<i32>} : memref<64x512xf32, #tpu.memory_space<vmem>>, vector<1x16xf32>,
        %get3A_184 = vector.shape_cast %get3A_183 : vector<1x16xf32> to vector<16xf32>
        %mul3A_185 = arith.mulf %get3A_126, %get3A_148 : vector<16xf32>
        %add3A_186 = arith.addf %get3A_184, %mul3A_185 : vector<16xf32>
        %swap3A_187 = arith.index_cast %scan3A_144 : i32 to index
        %swap3A_188 = arith.constant 432 : index
        %swap3A_189 = tpu.vector_load %arg7[%swap3A_187, %swap3A_188] {strides = array<i32>} : memref<64x512xf32, #tpu.memory_space<vmem>>, vector<1x16xf32>,
        %swap3A_190 = vector.shape_cast %swap3A_189 : vector<1x16xf32> to vector<16xf32>
        %swap3A_191 = vector.shape_cast %add3A_186 : vector<16xf32> to vector<1x16xf32>
        tpu.vector_store %arg7[%swap3A_187, %swap3A_188], %swap3A_191 {strides = array<i32>} : memref<64x512xf32, #tpu.memory_space<vmem>>, vector<1x16xf32>,
        %get3A_192 = arith.index_cast %scan3A_144 : i32 to index
        %get3A_193 = arith.constant 448 : index
        %get3A_194 = tpu.vector_load %arg6[%get3A_192, %get3A_193] {strides = array<i32>} : memref<64x512xf32, #tpu.memory_space<vmem>>, vector<1x16xf32>,
        %get3A_195 = vector.shape_cast %get3A_194 : vector<1x16xf32> to vector<16xf32>
        %mul3A_196 = arith.mulf %get3A_129, %get3A_148 : vector<16xf32>
        %add3A_197 = arith.addf %get3A_195, %mul3A_196 : vector<16xf32>
        %swap3A_198 = arith.index_cast %scan3A_144 : i32 to index
        %swap3A_199 = arith.constant 448 : index
        %swap3A_200 = tpu.vector_load %arg7[%swap3A_198, %swap3A_199] {strides = array<i32>} : memref<64x512xf32, #tpu.memory_space<vmem>>, vector<1x16xf32>,
        %swap3A_201 = vector.shape_cast %swap3A_200 : vector<1x16xf32> to vector<16xf32>
        %swap3A_202 = vector.shape_cast %add3A_197 : vector<16xf32> to vector<1x16xf32>
        tpu.vector_store %arg7[%swap3A_198, %swap3A_199], %swap3A_202 {strides = array<i32>} : memref<64x512xf32, #tpu.memory_space<vmem>>, vector<1x16xf32>,
        %get3A_203 = arith.index_cast %scan3A_144 : i32 to index
        %get3A_204 = arith.constant 464 : index
        %get3A_205 = tpu.vector_load %arg6[%get3A_203, %get3A_204] {strides = array<i32>} : memref<64x512xf32, #tpu.memory_space<vmem>>, vector<1x16xf32>,
        %get3A_206 = vector.shape_cast %get3A_205 : vector<1x16xf32> to vector<16xf32>
        %mul3A_207 = arith.mulf %get3A_132, %get3A_148 : vector<16xf32>
        %add3A_208 = arith.addf %get3A_206, %mul3A_207 : vector<16xf32>
        %swap3A_209 = arith.index_cast %scan3A_144 : i32 to index
        %swap3A_210 = arith.constant 464 : index
        %swap3A_211 = tpu.vector_load %arg7[%swap3A_209, %swap3A_210] {strides = array<i32>} : memref<64x512xf32, #tpu.memory_space<vmem>>, vector<1x16xf32>,
        %swap3A_212 = vector.shape_cast %swap3A_211 : vector<1x16xf32> to vector<16xf32>
        %swap3A_213 = vector.shape_cast %add3A_208 : vector<16xf32> to vector<1x16xf32>
        tpu.vector_store %arg7[%swap3A_209, %swap3A_210], %swap3A_213 {strides = array<i32>} : memref<64x512xf32, #tpu.memory_space<vmem>>, vector<1x16xf32>,
        %get3A_214 = arith.index_cast %scan3A_144 : i32 to index
        %get3A_215 = arith.constant 480 : index
        %get3A_216 = tpu.vector_load %arg6[%get3A_214, %get3A_215] {strides = array<i32>} : memref<64x512xf32, #tpu.memory_space<vmem>>, vector<1x16xf32>,
        %get3A_217 = vector.shape_cast %get3A_216 : vector<1x16xf32> to vector<16xf32>
        %mul3A_218 = arith.mulf %get3A_135, %get3A_148 : vector<16xf32>
        %add3A_219 = arith.addf %get3A_217, %mul3A_218 : vector<16xf32>
        %swap3A_220 = arith.index_cast %scan3A_144 : i32 to index
        %swap3A_221 = arith.constant 480 : index
        %swap3A_222 = tpu.vector_load %arg7[%swap3A_220, %swap3A_221] {strides = array<i32>} : memref<64x512xf32, #tpu.memory_space<vmem>>, vector<1x16xf32>,
        %swap3A_223 = vector.shape_cast %swap3A_222 : vector<1x16xf32> to vector<16xf32>
        %swap3A_224 = vector.shape_cast %add3A_219 : vector<16xf32> to vector<1x16xf32>
        tpu.vector_store %arg7[%swap3A_220, %swap3A_221], %swap3A_224 {strides = array<i32>} : memref<64x512xf32, #tpu.memory_space<vmem>>, vector<1x16xf32>,
        %get3A_225 = arith.index_cast %scan3A_144 : i32 to index
        %get3A_226 = arith.constant 496 : index
        %get3A_227 = tpu.vector_load %arg6[%get3A_225, %get3A_226] {strides = array<i32>} : memref<64x512xf32, #tpu.memory_space<vmem>>, vector<1x16xf32>,
        %get3A_228 = vector.shape_cast %get3A_227 : vector<1x16xf32> to vector<16xf32>
        %mul3A_229 = arith.mulf %get3A_138, %get3A_148 : vector<16xf32>
        %add3A_230 = arith.addf %get3A_228, %mul3A_229 : vector<16xf32>
        %swap3A_231 = arith.index_cast %scan3A_144 : i32 to index
        %swap3A_232 = arith.constant 496 : index
        %swap3A_233 = tpu.vector_load %arg7[%swap3A_231, %swap3A_232] {strides = array<i32>} : memref<64x512xf32, #tpu.memory_space<vmem>>, vector<1x16xf32>,
        %swap3A_234 = vector.shape_cast %swap3A_233 : vector<1x16xf32> to vector<16xf32>
        %swap3A_235 = vector.shape_cast %add3A_230 : vector<16xf32> to vector<1x16xf32>
        tpu.vector_store %arg7[%swap3A_231, %swap3A_232], %swap3A_235 {strides = array<i32>} : memref<64x512xf32, #tpu.memory_space<vmem>>, vector<1x16xf32>,
      }
      %scan3A_143 = arith.constant 64 : i32
      "tpu.region"() ({
        %run_scoped3A = tpu.sem_alloc : memref<!tpu.dma_semaphore, #tpu.memory_space<semaphore_mem>>
        %dma_start3A = arith.constant 0 : i32
        %dma_start3A_144 = arith.constant 512 : i32
        %dma_start3A_145 = tpu.memref_slice %arg5[%add3A_23, %dma_start3A, %dma_start3A_144] : memref<1024x64x2048xf32, #tpu.memory_space<hbm>> -> memref<1x64x512xf32, #tpu.memory_space<hbm>>
        %dma_start3A_146 = tpu.memref_squeeze %dma_start3A_145 : memref<1x64x512xf32, #tpu.memory_space<hbm>> -> memref<64x512xf32, #tpu.memory_space<hbm>>
        %dma_start3A_147 = arith.constant 0 : i32
        %dma_start3A_148 = arith.constant 512 : i32
        %dma_start3A_149 = tpu.memref_slice %arg5[%add3A_23, %dma_start3A_147, %dma_start3A_148] : memref<1024x64x2048xf32, #tpu.memory_space<hbm>> -> memref<1x64x512xf32, #tpu.memory_space<hbm>>
        %dma_start3A_150 = tpu.memref_squeeze %dma_start3A_149 : memref<1x64x512xf32, #tpu.memory_space<hbm>> -> memref<64x512xf32, #tpu.memory_space<hbm>>
        tpu.enqueue_dma source(%arg7 : memref<64x512xf32, #tpu.memory_space<vmem>>) target(%dma_start3A_150 : memref<64x512xf32, #tpu.memory_space<hbm>>) target_semaphore(%run_scoped3A : memref<!tpu.dma_semaphore, #tpu.memory_space<semaphore_mem>>)
        %dma_wait3A = arith.constant 0 : i32
        %dma_wait3A_151 = arith.constant 512 : i32
        %dma_wait3A_152 = tpu.memref_slice %arg5[%add3A_23, %dma_wait3A, %dma_wait3A_151] : memref<1024x64x2048xf32, #tpu.memory_space<hbm>> -> memref<1x64x512xf32, #tpu.memory_space<hbm>>
        %dma_wait3A_153 = tpu.memref_squeeze %dma_wait3A_152 : memref<1x64x512xf32, #tpu.memory_space<hbm>> -> memref<64x512xf32, #tpu.memory_space<hbm>>
        %dma_wait3A_154 = arith.constant 0 : i32
        %dma_wait3A_155 = arith.constant 512 : i32
        %dma_wait3A_156 = tpu.memref_slice %arg5[%add3A_23, %dma_wait3A_154, %dma_wait3A_155] : memref<1024x64x2048xf32, #tpu.memory_space<hbm>> -> memref<1x64x512xf32, #tpu.memory_space<hbm>>
        %dma_wait3A_157 = tpu.memref_squeeze %dma_wait3A_156 : memref<1x64x512xf32, #tpu.memory_space<hbm>> -> memref<64x512xf32, #tpu.memory_space<hbm>>
        tpu.wait_dma2 semaphore(%run_scoped3A : memref<!tpu.dma_semaphore, #tpu.memory_space<semaphore_mem>>) src(%arg7 : memref<64x512xf32, #tpu.memory_space<vmem>>) dst(%dma_wait3A_157 : memref<64x512xf32, #tpu.memory_space<hbm>>)
        tpu.yield
      }) : () -> ()
    }
    %scan3A_11 = arith.constant 32 : i32
    "tpu.region"() ({
      %run_scoped3A = tpu.sem_alloc : memref<!tpu.dma_semaphore, #tpu.memory_space<semaphore_mem>>
      %dma_start3A = arith.constant 0 : i32
      %dma_start3A_22 = arith.constant 1024 : i32
      %dma_start3A_23 = tpu.memref_slice %arg3[%dma_start3A, %dma_start3A_22] : memref<64x2048xf32, #tpu.memory_space<hbm>> -> memref<64x512xf32, #tpu.memory_space<hbm>>
      %dma_start3A_24 = arith.constant 0 : i32
      %dma_start3A_25 = arith.constant 1024 : i32
      %dma_start3A_26 = tpu.memref_slice %arg3[%dma_start3A_24, %dma_start3A_25] : memref<64x2048xf32, #tpu.memory_space<hbm>> -> memref<64x512xf32, #tpu.memory_space<hbm>>
      tpu.enqueue_dma source(%dma_start3A_26 : memref<64x512xf32, #tpu.memory_space<hbm>>) target(%arg6 : memref<64x512xf32, #tpu.memory_space<vmem>>) target_semaphore(%run_scoped3A : memref<!tpu.dma_semaphore, #tpu.memory_space<semaphore_mem>>)
      %dma_wait3A = arith.constant 0 : i32
      %dma_wait3A_27 = arith.constant 1024 : i32
      %dma_wait3A_28 = tpu.memref_slice %arg3[%dma_wait3A, %dma_wait3A_27] : memref<64x2048xf32, #tpu.memory_space<hbm>> -> memref<64x512xf32, #tpu.memory_space<hbm>>
      %dma_wait3A_29 = arith.constant 0 : i32
      %dma_wait3A_30 = arith.constant 1024 : i32
      %dma_wait3A_31 = tpu.memref_slice %arg3[%dma_wait3A_29, %dma_wait3A_30] : memref<64x2048xf32, #tpu.memory_space<hbm>> -> memref<64x512xf32, #tpu.memory_space<hbm>>
      tpu.wait_dma2 semaphore(%run_scoped3A : memref<!tpu.dma_semaphore, #tpu.memory_space<semaphore_mem>>) src(%dma_wait3A_31 : memref<64x512xf32, #tpu.memory_space<hbm>>) dst(%arg6 : memref<64x512xf32, #tpu.memory_space<vmem>>)
      tpu.yield
    }) : () -> ()
    %scan3A_12 = arith.constant 0 : i32
    %scan3A_13 = arith.constant 32 : i32
    %scan3A_14 = arith.addi %scan3A_12, %scan3A_13 : i32
    %scan3A_15 = arith.constant 1 : i32
    scf.for %scan3A_22 = %scan3A_12 to %scan3A_14 step %scan3A_15  : i32 {
      %add3A_23 = arith.addi %mul3A_2, %scan3A_22 : i32
      "tpu.region"() ({
        %run_scoped3A = tpu.sem_alloc : memref<!tpu.dma_semaphore, #tpu.memory_space<semaphore_mem>>
        %dma_start3A = arith.constant 1024 : i32
        %dma_start3A_144 = tpu.memref_slice %arg2[%add3A_23, %dma_start3A] : memref<1024x2048xi32, #tpu.memory_space<hbm>> -> memref<1x512xi32, #tpu.memory_space<hbm>>
        %dma_start3A_145 = tpu.memref_squeeze %dma_start3A_144 : memref<1x512xi32, #tpu.memory_space<hbm>> -> memref<512xi32, #tpu.memory_space<hbm>>
        %dma_start3A_146 = arith.constant 1024 : i32
        %dma_start3A_147 = tpu.memref_slice %arg2[%add3A_23, %dma_start3A_146] : memref<1024x2048xi32, #tpu.memory_space<hbm>> -> memref<1x512xi32, #tpu.memory_space<hbm>>
        %dma_start3A_148 = tpu.memref_squeeze %dma_start3A_147 : memref<1x512xi32, #tpu.memory_space<hbm>> -> memref<512xi32, #tpu.memory_space<hbm>>
        tpu.enqueue_dma source(%dma_start3A_148 : memref<512xi32, #tpu.memory_space<hbm>>) target(%arg8 : memref<512xi32, #tpu.memory_space<vmem>>) target_semaphore(%run_scoped3A : memref<!tpu.dma_semaphore, #tpu.memory_space<semaphore_mem>>)
        %dma_wait3A = arith.constant 1024 : i32
        %dma_wait3A_149 = tpu.memref_slice %arg2[%add3A_23, %dma_wait3A] : memref<1024x2048xi32, #tpu.memory_space<hbm>> -> memref<1x512xi32, #tpu.memory_space<hbm>>
        %dma_wait3A_150 = tpu.memref_squeeze %dma_wait3A_149 : memref<1x512xi32, #tpu.memory_space<hbm>> -> memref<512xi32, #tpu.memory_space<hbm>>
        %dma_wait3A_151 = arith.constant 1024 : i32
        %dma_wait3A_152 = tpu.memref_slice %arg2[%add3A_23, %dma_wait3A_151] : memref<1024x2048xi32, #tpu.memory_space<hbm>> -> memref<1x512xi32, #tpu.memory_space<hbm>>
        %dma_wait3A_153 = tpu.memref_squeeze %dma_wait3A_152 : memref<1x512xi32, #tpu.memory_space<hbm>> -> memref<512xi32, #tpu.memory_space<hbm>>
        tpu.wait_dma2 semaphore(%run_scoped3A : memref<!tpu.dma_semaphore, #tpu.memory_space<semaphore_mem>>) src(%dma_wait3A_153 : memref<512xi32, #tpu.memory_space<hbm>>) dst(%arg8 : memref<512xi32, #tpu.memory_space<vmem>>)
        tpu.yield
      }) : () -> ()
      %scan3A_24 = arith.constant 0 : i32
      %scan3A_25 = arith.constant 32 : i32
      %scan3A_26 = arith.addi %scan3A_24, %scan3A_25 : i32
      %scan3A_27 = arith.constant 1 : i32
      scf.for %scan3A_144 = %scan3A_24 to %scan3A_26 step %scan3A_27  : i32 {
        %mul3A_145 = arith.constant 16 : i32
        %mul3A_146 = arith.muli %scan3A_144, %mul3A_145 : i32
        %multiple_of3A = tpu.assume_multiple %mul3A_146, 16 : i32
        %get3A_147 = arith.index_cast %multiple_of3A : i32 to index
        %get3A_148 = tpu.vector_load %arg8[%get3A_147] {strides = array<i32>} : memref<512xi32, #tpu.memory_space<vmem>>, vector<16xi32>,
        %get3A_149 = vector.shape_cast %get3A_148 : vector<16xi32> to vector<16xi32>
        %convert_element_type3A = arith.sitofp %get3A_149 : vector<16xi32> to vector<16xf32>
        %swap3A = arith.index_cast %multiple_of3A : i32 to index
        %swap3A_150 = tpu.vector_load %arg9[%swap3A] {strides = array<i32>} : memref<512xf32, #tpu.memory_space<vmem>>, vector<16xf32>,
        %swap3A_151 = vector.shape_cast %swap3A_150 : vector<16xf32> to vector<16xf32>
        %swap3A_152 = vector.shape_cast %convert_element_type3A : vector<16xf32> to vector<16xf32>
        tpu.vector_store %arg9[%swap3A], %swap3A_152 {strides = array<i32>} : memref<512xf32, #tpu.memory_space<vmem>>, vector<16xf32>,
      }
      %scan3A_28 = arith.constant 32 : i32
      %get3A = arith.constant 0 : index
      %get3A_29 = tpu.vector_load %arg9[%get3A] {strides = array<i32>} : memref<512xf32, #tpu.memory_space<vmem>>, vector<16xf32>,
      %get3A_30 = vector.shape_cast %get3A_29 : vector<16xf32> to vector<16xf32>
      %get3A_31 = arith.constant 16 : index
      %get3A_32 = tpu.vector_load %arg9[%get3A_31] {strides = array<i32>} : memref<512xf32, #tpu.memory_space<vmem>>, vector<16xf32>,
      %get3A_33 = vector.shape_cast %get3A_32 : vector<16xf32> to vector<16xf32>
      %get3A_34 = arith.constant 32 : index
      %get3A_35 = tpu.vector_load %arg9[%get3A_34] {strides = array<i32>} : memref<512xf32, #tpu.memory_space<vmem>>, vector<16xf32>,
      %get3A_36 = vector.shape_cast %get3A_35 : vector<16xf32> to vector<16xf32>
      %get3A_37 = arith.constant 48 : index
      %get3A_38 = tpu.vector_load %arg9[%get3A_37] {strides = array<i32>} : memref<512xf32, #tpu.memory_space<vmem>>, vector<16xf32>,
      %get3A_39 = vector.shape_cast %get3A_38 : vector<16xf32> to vector<16xf32>
      %get3A_40 = arith.constant 64 : index
      %get3A_41 = tpu.vector_load %arg9[%get3A_40] {strides = array<i32>} : memref<512xf32, #tpu.memory_space<vmem>>, vector<16xf32>,
      %get3A_42 = vector.shape_cast %get3A_41 : vector<16xf32> to vector<16xf32>
      %get3A_43 = arith.constant 80 : index
      %get3A_44 = tpu.vector_load %arg9[%get3A_43] {strides = array<i32>} : memref<512xf32, #tpu.memory_space<vmem>>, vector<16xf32>,
      %get3A_45 = vector.shape_cast %get3A_44 : vector<16xf32> to vector<16xf32>
      %get3A_46 = arith.constant 96 : index
      %get3A_47 = tpu.vector_load %arg9[%get3A_46] {strides = array<i32>} : memref<512xf32, #tpu.memory_space<vmem>>, vector<16xf32>,
      %get3A_48 = vector.shape_cast %get3A_47 : vector<16xf32> to vector<16xf32>
      %get3A_49 = arith.constant 112 : index
      %get3A_50 = tpu.vector_load %arg9[%get3A_49] {strides = array<i32>} : memref<512xf32, #tpu.memory_space<vmem>>, vector<16xf32>,
      %get3A_51 = vector.shape_cast %get3A_50 : vector<16xf32> to vector<16xf32>
      %scan3A_52 = arith.constant 0 : i32
      %scan3A_53 = arith.constant 64 : i32
      %scan3A_54 = arith.addi %scan3A_52, %scan3A_53 : i32
      %scan3A_55 = arith.constant 1 : i32
      scf.for %scan3A_144 = %scan3A_52 to %scan3A_54 step %scan3A_55  : i32 {
        %get3A_145 = arith.index_cast %scan3A_144 : i32 to index
        %get3A_146 = arith.constant 0 : index
        %get3A_147 = tpu.vector_load %arg10[%get3A_145, %get3A_146] {strides = array<i32>} : memref<64x16xf32, #tpu.memory_space<vmem>>, vector<1x16xf32>,
        %get3A_148 = vector.shape_cast %get3A_147 : vector<1x16xf32> to vector<16xf32>
        %get3A_149 = arith.index_cast %scan3A_144 : i32 to index
        %get3A_150 = arith.constant 0 : index
        %get3A_151 = tpu.vector_load %arg6[%get3A_149, %get3A_150] {strides = array<i32>} : memref<64x512xf32, #tpu.memory_space<vmem>>, vector<1x16xf32>,
        %get3A_152 = vector.shape_cast %get3A_151 : vector<1x16xf32> to vector<16xf32>
        %mul3A_153 = arith.mulf %get3A_30, %get3A_148 : vector<16xf32>
        %add3A_154 = arith.addf %get3A_152, %mul3A_153 : vector<16xf32>
        %swap3A = arith.index_cast %scan3A_144 : i32 to index
        %swap3A_155 = arith.constant 0 : index
        %swap3A_156 = tpu.vector_load %arg7[%swap3A, %swap3A_155] {strides = array<i32>} : memref<64x512xf32, #tpu.memory_space<vmem>>, vector<1x16xf32>,
        %swap3A_157 = vector.shape_cast %swap3A_156 : vector<1x16xf32> to vector<16xf32>
        %swap3A_158 = vector.shape_cast %add3A_154 : vector<16xf32> to vector<1x16xf32>
        tpu.vector_store %arg7[%swap3A, %swap3A_155], %swap3A_158 {strides = array<i32>} : memref<64x512xf32, #tpu.memory_space<vmem>>, vector<1x16xf32>,
        %get3A_159 = arith.index_cast %scan3A_144 : i32 to index
        %get3A_160 = arith.constant 16 : index
        %get3A_161 = tpu.vector_load %arg6[%get3A_159, %get3A_160] {strides = array<i32>} : memref<64x512xf32, #tpu.memory_space<vmem>>, vector<1x16xf32>,
        %get3A_162 = vector.shape_cast %get3A_161 : vector<1x16xf32> to vector<16xf32>
        %mul3A_163 = arith.mulf %get3A_33, %get3A_148 : vector<16xf32>
        %add3A_164 = arith.addf %get3A_162, %mul3A_163 : vector<16xf32>
        %swap3A_165 = arith.index_cast %scan3A_144 : i32 to index
        %swap3A_166 = arith.constant 16 : index
        %swap3A_167 = tpu.vector_load %arg7[%swap3A_165, %swap3A_166] {strides = array<i32>} : memref<64x512xf32, #tpu.memory_space<vmem>>, vector<1x16xf32>,
        %swap3A_168 = vector.shape_cast %swap3A_167 : vector<1x16xf32> to vector<16xf32>
        %swap3A_169 = vector.shape_cast %add3A_164 : vector<16xf32> to vector<1x16xf32>
        tpu.vector_store %arg7[%swap3A_165, %swap3A_166], %swap3A_169 {strides = array<i32>} : memref<64x512xf32, #tpu.memory_space<vmem>>, vector<1x16xf32>,
        %get3A_170 = arith.index_cast %scan3A_144 : i32 to index
        %get3A_171 = arith.constant 32 : index
        %get3A_172 = tpu.vector_load %arg6[%get3A_170, %get3A_171] {strides = array<i32>} : memref<64x512xf32, #tpu.memory_space<vmem>>, vector<1x16xf32>,
        %get3A_173 = vector.shape_cast %get3A_172 : vector<1x16xf32> to vector<16xf32>
        %mul3A_174 = arith.mulf %get3A_36, %get3A_148 : vector<16xf32>
        %add3A_175 = arith.addf %get3A_173, %mul3A_174 : vector<16xf32>
        %swap3A_176 = arith.index_cast %scan3A_144 : i32 to index
        %swap3A_177 = arith.constant 32 : index
        %swap3A_178 = tpu.vector_load %arg7[%swap3A_176, %swap3A_177] {strides = array<i32>} : memref<64x512xf32, #tpu.memory_space<vmem>>, vector<1x16xf32>,
        %swap3A_179 = vector.shape_cast %swap3A_178 : vector<1x16xf32> to vector<16xf32>
        %swap3A_180 = vector.shape_cast %add3A_175 : vector<16xf32> to vector<1x16xf32>
        tpu.vector_store %arg7[%swap3A_176, %swap3A_177], %swap3A_180 {strides = array<i32>} : memref<64x512xf32, #tpu.memory_space<vmem>>, vector<1x16xf32>,
        %get3A_181 = arith.index_cast %scan3A_144 : i32 to index
        %get3A_182 = arith.constant 48 : index
        %get3A_183 = tpu.vector_load %arg6[%get3A_181, %get3A_182] {strides = array<i32>} : memref<64x512xf32, #tpu.memory_space<vmem>>, vector<1x16xf32>,
        %get3A_184 = vector.shape_cast %get3A_183 : vector<1x16xf32> to vector<16xf32>
        %mul3A_185 = arith.mulf %get3A_39, %get3A_148 : vector<16xf32>
        %add3A_186 = arith.addf %get3A_184, %mul3A_185 : vector<16xf32>
        %swap3A_187 = arith.index_cast %scan3A_144 : i32 to index
        %swap3A_188 = arith.constant 48 : index
        %swap3A_189 = tpu.vector_load %arg7[%swap3A_187, %swap3A_188] {strides = array<i32>} : memref<64x512xf32, #tpu.memory_space<vmem>>, vector<1x16xf32>,
        %swap3A_190 = vector.shape_cast %swap3A_189 : vector<1x16xf32> to vector<16xf32>
        %swap3A_191 = vector.shape_cast %add3A_186 : vector<16xf32> to vector<1x16xf32>
        tpu.vector_store %arg7[%swap3A_187, %swap3A_188], %swap3A_191 {strides = array<i32>} : memref<64x512xf32, #tpu.memory_space<vmem>>, vector<1x16xf32>,
        %get3A_192 = arith.index_cast %scan3A_144 : i32 to index
        %get3A_193 = arith.constant 64 : index
        %get3A_194 = tpu.vector_load %arg6[%get3A_192, %get3A_193] {strides = array<i32>} : memref<64x512xf32, #tpu.memory_space<vmem>>, vector<1x16xf32>,
        %get3A_195 = vector.shape_cast %get3A_194 : vector<1x16xf32> to vector<16xf32>
        %mul3A_196 = arith.mulf %get3A_42, %get3A_148 : vector<16xf32>
        %add3A_197 = arith.addf %get3A_195, %mul3A_196 : vector<16xf32>
        %swap3A_198 = arith.index_cast %scan3A_144 : i32 to index
        %swap3A_199 = arith.constant 64 : index
        %swap3A_200 = tpu.vector_load %arg7[%swap3A_198, %swap3A_199] {strides = array<i32>} : memref<64x512xf32, #tpu.memory_space<vmem>>, vector<1x16xf32>,
        %swap3A_201 = vector.shape_cast %swap3A_200 : vector<1x16xf32> to vector<16xf32>
        %swap3A_202 = vector.shape_cast %add3A_197 : vector<16xf32> to vector<1x16xf32>
        tpu.vector_store %arg7[%swap3A_198, %swap3A_199], %swap3A_202 {strides = array<i32>} : memref<64x512xf32, #tpu.memory_space<vmem>>, vector<1x16xf32>,
        %get3A_203 = arith.index_cast %scan3A_144 : i32 to index
        %get3A_204 = arith.constant 80 : index
        %get3A_205 = tpu.vector_load %arg6[%get3A_203, %get3A_204] {strides = array<i32>} : memref<64x512xf32, #tpu.memory_space<vmem>>, vector<1x16xf32>,
        %get3A_206 = vector.shape_cast %get3A_205 : vector<1x16xf32> to vector<16xf32>
        %mul3A_207 = arith.mulf %get3A_45, %get3A_148 : vector<16xf32>
        %add3A_208 = arith.addf %get3A_206, %mul3A_207 : vector<16xf32>
        %swap3A_209 = arith.index_cast %scan3A_144 : i32 to index
        %swap3A_210 = arith.constant 80 : index
        %swap3A_211 = tpu.vector_load %arg7[%swap3A_209, %swap3A_210] {strides = array<i32>} : memref<64x512xf32, #tpu.memory_space<vmem>>, vector<1x16xf32>,
        %swap3A_212 = vector.shape_cast %swap3A_211 : vector<1x16xf32> to vector<16xf32>
        %swap3A_213 = vector.shape_cast %add3A_208 : vector<16xf32> to vector<1x16xf32>
        tpu.vector_store %arg7[%swap3A_209, %swap3A_210], %swap3A_213 {strides = array<i32>} : memref<64x512xf32, #tpu.memory_space<vmem>>, vector<1x16xf32>,
        %get3A_214 = arith.index_cast %scan3A_144 : i32 to index
        %get3A_215 = arith.constant 96 : index
        %get3A_216 = tpu.vector_load %arg6[%get3A_214, %get3A_215] {strides = array<i32>} : memref<64x512xf32, #tpu.memory_space<vmem>>, vector<1x16xf32>,
        %get3A_217 = vector.shape_cast %get3A_216 : vector<1x16xf32> to vector<16xf32>
        %mul3A_218 = arith.mulf %get3A_48, %get3A_148 : vector<16xf32>
        %add3A_219 = arith.addf %get3A_217, %mul3A_218 : vector<16xf32>
        %swap3A_220 = arith.index_cast %scan3A_144 : i32 to index
        %swap3A_221 = arith.constant 96 : index
        %swap3A_222 = tpu.vector_load %arg7[%swap3A_220, %swap3A_221] {strides = array<i32>} : memref<64x512xf32, #tpu.memory_space<vmem>>, vector<1x16xf32>,
        %swap3A_223 = vector.shape_cast %swap3A_222 : vector<1x16xf32> to vector<16xf32>
        %swap3A_224 = vector.shape_cast %add3A_219 : vector<16xf32> to vector<1x16xf32>
        tpu.vector_store %arg7[%swap3A_220, %swap3A_221], %swap3A_224 {strides = array<i32>} : memref<64x512xf32, #tpu.memory_space<vmem>>, vector<1x16xf32>,
        %get3A_225 = arith.index_cast %scan3A_144 : i32 to index
        %get3A_226 = arith.constant 112 : index
        %get3A_227 = tpu.vector_load %arg6[%get3A_225, %get3A_226] {strides = array<i32>} : memref<64x512xf32, #tpu.memory_space<vmem>>, vector<1x16xf32>,
        %get3A_228 = vector.shape_cast %get3A_227 : vector<1x16xf32> to vector<16xf32>
        %mul3A_229 = arith.mulf %get3A_51, %get3A_148 : vector<16xf32>
        %add3A_230 = arith.addf %get3A_228, %mul3A_229 : vector<16xf32>
        %swap3A_231 = arith.index_cast %scan3A_144 : i32 to index
        %swap3A_232 = arith.constant 112 : index
        %swap3A_233 = tpu.vector_load %arg7[%swap3A_231, %swap3A_232] {strides = array<i32>} : memref<64x512xf32, #tpu.memory_space<vmem>>, vector<1x16xf32>,
        %swap3A_234 = vector.shape_cast %swap3A_233 : vector<1x16xf32> to vector<16xf32>
        %swap3A_235 = vector.shape_cast %add3A_230 : vector<16xf32> to vector<1x16xf32>
        tpu.vector_store %arg7[%swap3A_231, %swap3A_232], %swap3A_235 {strides = array<i32>} : memref<64x512xf32, #tpu.memory_space<vmem>>, vector<1x16xf32>,
      }
      %scan3A_56 = arith.constant 64 : i32
      %get3A_57 = arith.constant 128 : index
      %get3A_58 = tpu.vector_load %arg9[%get3A_57] {strides = array<i32>} : memref<512xf32, #tpu.memory_space<vmem>>, vector<16xf32>,
      %get3A_59 = vector.shape_cast %get3A_58 : vector<16xf32> to vector<16xf32>
      %get3A_60 = arith.constant 144 : index
      %get3A_61 = tpu.vector_load %arg9[%get3A_60] {strides = array<i32>} : memref<512xf32, #tpu.memory_space<vmem>>, vector<16xf32>,
      %get3A_62 = vector.shape_cast %get3A_61 : vector<16xf32> to vector<16xf32>
      %get3A_63 = arith.constant 160 : index
      %get3A_64 = tpu.vector_load %arg9[%get3A_63] {strides = array<i32>} : memref<512xf32, #tpu.memory_space<vmem>>, vector<16xf32>,
      %get3A_65 = vector.shape_cast %get3A_64 : vector<16xf32> to vector<16xf32>
      %get3A_66 = arith.constant 176 : index
      %get3A_67 = tpu.vector_load %arg9[%get3A_66] {strides = array<i32>} : memref<512xf32, #tpu.memory_space<vmem>>, vector<16xf32>,
      %get3A_68 = vector.shape_cast %get3A_67 : vector<16xf32> to vector<16xf32>
      %get3A_69 = arith.constant 192 : index
      %get3A_70 = tpu.vector_load %arg9[%get3A_69] {strides = array<i32>} : memref<512xf32, #tpu.memory_space<vmem>>, vector<16xf32>,
      %get3A_71 = vector.shape_cast %get3A_70 : vector<16xf32> to vector<16xf32>
      %get3A_72 = arith.constant 208 : index
      %get3A_73 = tpu.vector_load %arg9[%get3A_72] {strides = array<i32>} : memref<512xf32, #tpu.memory_space<vmem>>, vector<16xf32>,
      %get3A_74 = vector.shape_cast %get3A_73 : vector<16xf32> to vector<16xf32>
      %get3A_75 = arith.constant 224 : index
      %get3A_76 = tpu.vector_load %arg9[%get3A_75] {strides = array<i32>} : memref<512xf32, #tpu.memory_space<vmem>>, vector<16xf32>,
      %get3A_77 = vector.shape_cast %get3A_76 : vector<16xf32> to vector<16xf32>
      %get3A_78 = arith.constant 240 : index
      %get3A_79 = tpu.vector_load %arg9[%get3A_78] {strides = array<i32>} : memref<512xf32, #tpu.memory_space<vmem>>, vector<16xf32>,
      %get3A_80 = vector.shape_cast %get3A_79 : vector<16xf32> to vector<16xf32>
      %scan3A_81 = arith.constant 0 : i32
      %scan3A_82 = arith.constant 64 : i32
      %scan3A_83 = arith.addi %scan3A_81, %scan3A_82 : i32
      %scan3A_84 = arith.constant 1 : i32
      scf.for %scan3A_144 = %scan3A_81 to %scan3A_83 step %scan3A_84  : i32 {
        %get3A_145 = arith.index_cast %scan3A_144 : i32 to index
        %get3A_146 = arith.constant 0 : index
        %get3A_147 = tpu.vector_load %arg10[%get3A_145, %get3A_146] {strides = array<i32>} : memref<64x16xf32, #tpu.memory_space<vmem>>, vector<1x16xf32>,
        %get3A_148 = vector.shape_cast %get3A_147 : vector<1x16xf32> to vector<16xf32>
        %get3A_149 = arith.index_cast %scan3A_144 : i32 to index
        %get3A_150 = arith.constant 128 : index
        %get3A_151 = tpu.vector_load %arg6[%get3A_149, %get3A_150] {strides = array<i32>} : memref<64x512xf32, #tpu.memory_space<vmem>>, vector<1x16xf32>,
        %get3A_152 = vector.shape_cast %get3A_151 : vector<1x16xf32> to vector<16xf32>
        %mul3A_153 = arith.mulf %get3A_59, %get3A_148 : vector<16xf32>
        %add3A_154 = arith.addf %get3A_152, %mul3A_153 : vector<16xf32>
        %swap3A = arith.index_cast %scan3A_144 : i32 to index
        %swap3A_155 = arith.constant 128 : index
        %swap3A_156 = tpu.vector_load %arg7[%swap3A, %swap3A_155] {strides = array<i32>} : memref<64x512xf32, #tpu.memory_space<vmem>>, vector<1x16xf32>,
        %swap3A_157 = vector.shape_cast %swap3A_156 : vector<1x16xf32> to vector<16xf32>
        %swap3A_158 = vector.shape_cast %add3A_154 : vector<16xf32> to vector<1x16xf32>
        tpu.vector_store %arg7[%swap3A, %swap3A_155], %swap3A_158 {strides = array<i32>} : memref<64x512xf32, #tpu.memory_space<vmem>>, vector<1x16xf32>,
        %get3A_159 = arith.index_cast %scan3A_144 : i32 to index
        %get3A_160 = arith.constant 144 : index
        %get3A_161 = tpu.vector_load %arg6[%get3A_159, %get3A_160] {strides = array<i32>} : memref<64x512xf32, #tpu.memory_space<vmem>>, vector<1x16xf32>,
        %get3A_162 = vector.shape_cast %get3A_161 : vector<1x16xf32> to vector<16xf32>
        %mul3A_163 = arith.mulf %get3A_62, %get3A_148 : vector<16xf32>
        %add3A_164 = arith.addf %get3A_162, %mul3A_163 : vector<16xf32>
        %swap3A_165 = arith.index_cast %scan3A_144 : i32 to index
        %swap3A_166 = arith.constant 144 : index
        %swap3A_167 = tpu.vector_load %arg7[%swap3A_165, %swap3A_166] {strides = array<i32>} : memref<64x512xf32, #tpu.memory_space<vmem>>, vector<1x16xf32>,
        %swap3A_168 = vector.shape_cast %swap3A_167 : vector<1x16xf32> to vector<16xf32>
        %swap3A_169 = vector.shape_cast %add3A_164 : vector<16xf32> to vector<1x16xf32>
        tpu.vector_store %arg7[%swap3A_165, %swap3A_166], %swap3A_169 {strides = array<i32>} : memref<64x512xf32, #tpu.memory_space<vmem>>, vector<1x16xf32>,
        %get3A_170 = arith.index_cast %scan3A_144 : i32 to index
        %get3A_171 = arith.constant 160 : index
        %get3A_172 = tpu.vector_load %arg6[%get3A_170, %get3A_171] {strides = array<i32>} : memref<64x512xf32, #tpu.memory_space<vmem>>, vector<1x16xf32>,
        %get3A_173 = vector.shape_cast %get3A_172 : vector<1x16xf32> to vector<16xf32>
        %mul3A_174 = arith.mulf %get3A_65, %get3A_148 : vector<16xf32>
        %add3A_175 = arith.addf %get3A_173, %mul3A_174 : vector<16xf32>
        %swap3A_176 = arith.index_cast %scan3A_144 : i32 to index
        %swap3A_177 = arith.constant 160 : index
        %swap3A_178 = tpu.vector_load %arg7[%swap3A_176, %swap3A_177] {strides = array<i32>} : memref<64x512xf32, #tpu.memory_space<vmem>>, vector<1x16xf32>,
        %swap3A_179 = vector.shape_cast %swap3A_178 : vector<1x16xf32> to vector<16xf32>
        %swap3A_180 = vector.shape_cast %add3A_175 : vector<16xf32> to vector<1x16xf32>
        tpu.vector_store %arg7[%swap3A_176, %swap3A_177], %swap3A_180 {strides = array<i32>} : memref<64x512xf32, #tpu.memory_space<vmem>>, vector<1x16xf32>,
        %get3A_181 = arith.index_cast %scan3A_144 : i32 to index
        %get3A_182 = arith.constant 176 : index
        %get3A_183 = tpu.vector_load %arg6[%get3A_181, %get3A_182] {strides = array<i32>} : memref<64x512xf32, #tpu.memory_space<vmem>>, vector<1x16xf32>,
        %get3A_184 = vector.shape_cast %get3A_183 : vector<1x16xf32> to vector<16xf32>
        %mul3A_185 = arith.mulf %get3A_68, %get3A_148 : vector<16xf32>
        %add3A_186 = arith.addf %get3A_184, %mul3A_185 : vector<16xf32>
        %swap3A_187 = arith.index_cast %scan3A_144 : i32 to index
        %swap3A_188 = arith.constant 176 : index
        %swap3A_189 = tpu.vector_load %arg7[%swap3A_187, %swap3A_188] {strides = array<i32>} : memref<64x512xf32, #tpu.memory_space<vmem>>, vector<1x16xf32>,
        %swap3A_190 = vector.shape_cast %swap3A_189 : vector<1x16xf32> to vector<16xf32>
        %swap3A_191 = vector.shape_cast %add3A_186 : vector<16xf32> to vector<1x16xf32>
        tpu.vector_store %arg7[%swap3A_187, %swap3A_188], %swap3A_191 {strides = array<i32>} : memref<64x512xf32, #tpu.memory_space<vmem>>, vector<1x16xf32>,
        %get3A_192 = arith.index_cast %scan3A_144 : i32 to index
        %get3A_193 = arith.constant 192 : index
        %get3A_194 = tpu.vector_load %arg6[%get3A_192, %get3A_193] {strides = array<i32>} : memref<64x512xf32, #tpu.memory_space<vmem>>, vector<1x16xf32>,
        %get3A_195 = vector.shape_cast %get3A_194 : vector<1x16xf32> to vector<16xf32>
        %mul3A_196 = arith.mulf %get3A_71, %get3A_148 : vector<16xf32>
        %add3A_197 = arith.addf %get3A_195, %mul3A_196 : vector<16xf32>
        %swap3A_198 = arith.index_cast %scan3A_144 : i32 to index
        %swap3A_199 = arith.constant 192 : index
        %swap3A_200 = tpu.vector_load %arg7[%swap3A_198, %swap3A_199] {strides = array<i32>} : memref<64x512xf32, #tpu.memory_space<vmem>>, vector<1x16xf32>,
        %swap3A_201 = vector.shape_cast %swap3A_200 : vector<1x16xf32> to vector<16xf32>
        %swap3A_202 = vector.shape_cast %add3A_197 : vector<16xf32> to vector<1x16xf32>
        tpu.vector_store %arg7[%swap3A_198, %swap3A_199], %swap3A_202 {strides = array<i32>} : memref<64x512xf32, #tpu.memory_space<vmem>>, vector<1x16xf32>,
        %get3A_203 = arith.index_cast %scan3A_144 : i32 to index
        %get3A_204 = arith.constant 208 : index
        %get3A_205 = tpu.vector_load %arg6[%get3A_203, %get3A_204] {strides = array<i32>} : memref<64x512xf32, #tpu.memory_space<vmem>>, vector<1x16xf32>,
        %get3A_206 = vector.shape_cast %get3A_205 : vector<1x16xf32> to vector<16xf32>
        %mul3A_207 = arith.mulf %get3A_74, %get3A_148 : vector<16xf32>
        %add3A_208 = arith.addf %get3A_206, %mul3A_207 : vector<16xf32>
        %swap3A_209 = arith.index_cast %scan3A_144 : i32 to index
        %swap3A_210 = arith.constant 208 : index
        %swap3A_211 = tpu.vector_load %arg7[%swap3A_209, %swap3A_210] {strides = array<i32>} : memref<64x512xf32, #tpu.memory_space<vmem>>, vector<1x16xf32>,
        %swap3A_212 = vector.shape_cast %swap3A_211 : vector<1x16xf32> to vector<16xf32>
        %swap3A_213 = vector.shape_cast %add3A_208 : vector<16xf32> to vector<1x16xf32>
        tpu.vector_store %arg7[%swap3A_209, %swap3A_210], %swap3A_213 {strides = array<i32>} : memref<64x512xf32, #tpu.memory_space<vmem>>, vector<1x16xf32>,
        %get3A_214 = arith.index_cast %scan3A_144 : i32 to index
        %get3A_215 = arith.constant 224 : index
        %get3A_216 = tpu.vector_load %arg6[%get3A_214, %get3A_215] {strides = array<i32>} : memref<64x512xf32, #tpu.memory_space<vmem>>, vector<1x16xf32>,
        %get3A_217 = vector.shape_cast %get3A_216 : vector<1x16xf32> to vector<16xf32>
        %mul3A_218 = arith.mulf %get3A_77, %get3A_148 : vector<16xf32>
        %add3A_219 = arith.addf %get3A_217, %mul3A_218 : vector<16xf32>
        %swap3A_220 = arith.index_cast %scan3A_144 : i32 to index
        %swap3A_221 = arith.constant 224 : index
        %swap3A_222 = tpu.vector_load %arg7[%swap3A_220, %swap3A_221] {strides = array<i32>} : memref<64x512xf32, #tpu.memory_space<vmem>>, vector<1x16xf32>,
        %swap3A_223 = vector.shape_cast %swap3A_222 : vector<1x16xf32> to vector<16xf32>
        %swap3A_224 = vector.shape_cast %add3A_219 : vector<16xf32> to vector<1x16xf32>
        tpu.vector_store %arg7[%swap3A_220, %swap3A_221], %swap3A_224 {strides = array<i32>} : memref<64x512xf32, #tpu.memory_space<vmem>>, vector<1x16xf32>,
        %get3A_225 = arith.index_cast %scan3A_144 : i32 to index
        %get3A_226 = arith.constant 240 : index
        %get3A_227 = tpu.vector_load %arg6[%get3A_225, %get3A_226] {strides = array<i32>} : memref<64x512xf32, #tpu.memory_space<vmem>>, vector<1x16xf32>,
        %get3A_228 = vector.shape_cast %get3A_227 : vector<1x16xf32> to vector<16xf32>
        %mul3A_229 = arith.mulf %get3A_80, %get3A_148 : vector<16xf32>
        %add3A_230 = arith.addf %get3A_228, %mul3A_229 : vector<16xf32>
        %swap3A_231 = arith.index_cast %scan3A_144 : i32 to index
        %swap3A_232 = arith.constant 240 : index
        %swap3A_233 = tpu.vector_load %arg7[%swap3A_231, %swap3A_232] {strides = array<i32>} : memref<64x512xf32, #tpu.memory_space<vmem>>, vector<1x16xf32>,
        %swap3A_234 = vector.shape_cast %swap3A_233 : vector<1x16xf32> to vector<16xf32>
        %swap3A_235 = vector.shape_cast %add3A_230 : vector<16xf32> to vector<1x16xf32>
        tpu.vector_store %arg7[%swap3A_231, %swap3A_232], %swap3A_235 {strides = array<i32>} : memref<64x512xf32, #tpu.memory_space<vmem>>, vector<1x16xf32>,
      }
      %scan3A_85 = arith.constant 64 : i32
      %get3A_86 = arith.constant 256 : index
      %get3A_87 = tpu.vector_load %arg9[%get3A_86] {strides = array<i32>} : memref<512xf32, #tpu.memory_space<vmem>>, vector<16xf32>,
      %get3A_88 = vector.shape_cast %get3A_87 : vector<16xf32> to vector<16xf32>
      %get3A_89 = arith.constant 272 : index
      %get3A_90 = tpu.vector_load %arg9[%get3A_89] {strides = array<i32>} : memref<512xf32, #tpu.memory_space<vmem>>, vector<16xf32>,
      %get3A_91 = vector.shape_cast %get3A_90 : vector<16xf32> to vector<16xf32>
      %get3A_92 = arith.constant 288 : index
      %get3A_93 = tpu.vector_load %arg9[%get3A_92] {strides = array<i32>} : memref<512xf32, #tpu.memory_space<vmem>>, vector<16xf32>,
      %get3A_94 = vector.shape_cast %get3A_93 : vector<16xf32> to vector<16xf32>
      %get3A_95 = arith.constant 304 : index
      %get3A_96 = tpu.vector_load %arg9[%get3A_95] {strides = array<i32>} : memref<512xf32, #tpu.memory_space<vmem>>, vector<16xf32>,
      %get3A_97 = vector.shape_cast %get3A_96 : vector<16xf32> to vector<16xf32>
      %get3A_98 = arith.constant 320 : index
      %get3A_99 = tpu.vector_load %arg9[%get3A_98] {strides = array<i32>} : memref<512xf32, #tpu.memory_space<vmem>>, vector<16xf32>,
      %get3A_100 = vector.shape_cast %get3A_99 : vector<16xf32> to vector<16xf32>
      %get3A_101 = arith.constant 336 : index
      %get3A_102 = tpu.vector_load %arg9[%get3A_101] {strides = array<i32>} : memref<512xf32, #tpu.memory_space<vmem>>, vector<16xf32>,
      %get3A_103 = vector.shape_cast %get3A_102 : vector<16xf32> to vector<16xf32>
      %get3A_104 = arith.constant 352 : index
      %get3A_105 = tpu.vector_load %arg9[%get3A_104] {strides = array<i32>} : memref<512xf32, #tpu.memory_space<vmem>>, vector<16xf32>,
      %get3A_106 = vector.shape_cast %get3A_105 : vector<16xf32> to vector<16xf32>
      %get3A_107 = arith.constant 368 : index
      %get3A_108 = tpu.vector_load %arg9[%get3A_107] {strides = array<i32>} : memref<512xf32, #tpu.memory_space<vmem>>, vector<16xf32>,
      %get3A_109 = vector.shape_cast %get3A_108 : vector<16xf32> to vector<16xf32>
      %scan3A_110 = arith.constant 0 : i32
      %scan3A_111 = arith.constant 64 : i32
      %scan3A_112 = arith.addi %scan3A_110, %scan3A_111 : i32
      %scan3A_113 = arith.constant 1 : i32
      scf.for %scan3A_144 = %scan3A_110 to %scan3A_112 step %scan3A_113  : i32 {
        %get3A_145 = arith.index_cast %scan3A_144 : i32 to index
        %get3A_146 = arith.constant 0 : index
        %get3A_147 = tpu.vector_load %arg10[%get3A_145, %get3A_146] {strides = array<i32>} : memref<64x16xf32, #tpu.memory_space<vmem>>, vector<1x16xf32>,
        %get3A_148 = vector.shape_cast %get3A_147 : vector<1x16xf32> to vector<16xf32>
        %get3A_149 = arith.index_cast %scan3A_144 : i32 to index
        %get3A_150 = arith.constant 256 : index
        %get3A_151 = tpu.vector_load %arg6[%get3A_149, %get3A_150] {strides = array<i32>} : memref<64x512xf32, #tpu.memory_space<vmem>>, vector<1x16xf32>,
        %get3A_152 = vector.shape_cast %get3A_151 : vector<1x16xf32> to vector<16xf32>
        %mul3A_153 = arith.mulf %get3A_88, %get3A_148 : vector<16xf32>
        %add3A_154 = arith.addf %get3A_152, %mul3A_153 : vector<16xf32>
        %swap3A = arith.index_cast %scan3A_144 : i32 to index
        %swap3A_155 = arith.constant 256 : index
        %swap3A_156 = tpu.vector_load %arg7[%swap3A, %swap3A_155] {strides = array<i32>} : memref<64x512xf32, #tpu.memory_space<vmem>>, vector<1x16xf32>,
        %swap3A_157 = vector.shape_cast %swap3A_156 : vector<1x16xf32> to vector<16xf32>
        %swap3A_158 = vector.shape_cast %add3A_154 : vector<16xf32> to vector<1x16xf32>
        tpu.vector_store %arg7[%swap3A, %swap3A_155], %swap3A_158 {strides = array<i32>} : memref<64x512xf32, #tpu.memory_space<vmem>>, vector<1x16xf32>,
        %get3A_159 = arith.index_cast %scan3A_144 : i32 to index
        %get3A_160 = arith.constant 272 : index
        %get3A_161 = tpu.vector_load %arg6[%get3A_159, %get3A_160] {strides = array<i32>} : memref<64x512xf32, #tpu.memory_space<vmem>>, vector<1x16xf32>,
        %get3A_162 = vector.shape_cast %get3A_161 : vector<1x16xf32> to vector<16xf32>
        %mul3A_163 = arith.mulf %get3A_91, %get3A_148 : vector<16xf32>
        %add3A_164 = arith.addf %get3A_162, %mul3A_163 : vector<16xf32>
        %swap3A_165 = arith.index_cast %scan3A_144 : i32 to index
        %swap3A_166 = arith.constant 272 : index
        %swap3A_167 = tpu.vector_load %arg7[%swap3A_165, %swap3A_166] {strides = array<i32>} : memref<64x512xf32, #tpu.memory_space<vmem>>, vector<1x16xf32>,
        %swap3A_168 = vector.shape_cast %swap3A_167 : vector<1x16xf32> to vector<16xf32>
        %swap3A_169 = vector.shape_cast %add3A_164 : vector<16xf32> to vector<1x16xf32>
        tpu.vector_store %arg7[%swap3A_165, %swap3A_166], %swap3A_169 {strides = array<i32>} : memref<64x512xf32, #tpu.memory_space<vmem>>, vector<1x16xf32>,
        %get3A_170 = arith.index_cast %scan3A_144 : i32 to index
        %get3A_171 = arith.constant 288 : index
        %get3A_172 = tpu.vector_load %arg6[%get3A_170, %get3A_171] {strides = array<i32>} : memref<64x512xf32, #tpu.memory_space<vmem>>, vector<1x16xf32>,
        %get3A_173 = vector.shape_cast %get3A_172 : vector<1x16xf32> to vector<16xf32>
        %mul3A_174 = arith.mulf %get3A_94, %get3A_148 : vector<16xf32>
        %add3A_175 = arith.addf %get3A_173, %mul3A_174 : vector<16xf32>
        %swap3A_176 = arith.index_cast %scan3A_144 : i32 to index
        %swap3A_177 = arith.constant 288 : index
        %swap3A_178 = tpu.vector_load %arg7[%swap3A_176, %swap3A_177] {strides = array<i32>} : memref<64x512xf32, #tpu.memory_space<vmem>>, vector<1x16xf32>,
        %swap3A_179 = vector.shape_cast %swap3A_178 : vector<1x16xf32> to vector<16xf32>
        %swap3A_180 = vector.shape_cast %add3A_175 : vector<16xf32> to vector<1x16xf32>
        tpu.vector_store %arg7[%swap3A_176, %swap3A_177], %swap3A_180 {strides = array<i32>} : memref<64x512xf32, #tpu.memory_space<vmem>>, vector<1x16xf32>,
        %get3A_181 = arith.index_cast %scan3A_144 : i32 to index
        %get3A_182 = arith.constant 304 : index
        %get3A_183 = tpu.vector_load %arg6[%get3A_181, %get3A_182] {strides = array<i32>} : memref<64x512xf32, #tpu.memory_space<vmem>>, vector<1x16xf32>,
        %get3A_184 = vector.shape_cast %get3A_183 : vector<1x16xf32> to vector<16xf32>
        %mul3A_185 = arith.mulf %get3A_97, %get3A_148 : vector<16xf32>
        %add3A_186 = arith.addf %get3A_184, %mul3A_185 : vector<16xf32>
        %swap3A_187 = arith.index_cast %scan3A_144 : i32 to index
        %swap3A_188 = arith.constant 304 : index
        %swap3A_189 = tpu.vector_load %arg7[%swap3A_187, %swap3A_188] {strides = array<i32>} : memref<64x512xf32, #tpu.memory_space<vmem>>, vector<1x16xf32>,
        %swap3A_190 = vector.shape_cast %swap3A_189 : vector<1x16xf32> to vector<16xf32>
        %swap3A_191 = vector.shape_cast %add3A_186 : vector<16xf32> to vector<1x16xf32>
        tpu.vector_store %arg7[%swap3A_187, %swap3A_188], %swap3A_191 {strides = array<i32>} : memref<64x512xf32, #tpu.memory_space<vmem>>, vector<1x16xf32>,
        %get3A_192 = arith.index_cast %scan3A_144 : i32 to index
        %get3A_193 = arith.constant 320 : index
        %get3A_194 = tpu.vector_load %arg6[%get3A_192, %get3A_193] {strides = array<i32>} : memref<64x512xf32, #tpu.memory_space<vmem>>, vector<1x16xf32>,
        %get3A_195 = vector.shape_cast %get3A_194 : vector<1x16xf32> to vector<16xf32>
        %mul3A_196 = arith.mulf %get3A_100, %get3A_148 : vector<16xf32>
        %add3A_197 = arith.addf %get3A_195, %mul3A_196 : vector<16xf32>
        %swap3A_198 = arith.index_cast %scan3A_144 : i32 to index
        %swap3A_199 = arith.constant 320 : index
        %swap3A_200 = tpu.vector_load %arg7[%swap3A_198, %swap3A_199] {strides = array<i32>} : memref<64x512xf32, #tpu.memory_space<vmem>>, vector<1x16xf32>,
        %swap3A_201 = vector.shape_cast %swap3A_200 : vector<1x16xf32> to vector<16xf32>
        %swap3A_202 = vector.shape_cast %add3A_197 : vector<16xf32> to vector<1x16xf32>
        tpu.vector_store %arg7[%swap3A_198, %swap3A_199], %swap3A_202 {strides = array<i32>} : memref<64x512xf32, #tpu.memory_space<vmem>>, vector<1x16xf32>,
        %get3A_203 = arith.index_cast %scan3A_144 : i32 to index
        %get3A_204 = arith.constant 336 : index
        %get3A_205 = tpu.vector_load %arg6[%get3A_203, %get3A_204] {strides = array<i32>} : memref<64x512xf32, #tpu.memory_space<vmem>>, vector<1x16xf32>,
        %get3A_206 = vector.shape_cast %get3A_205 : vector<1x16xf32> to vector<16xf32>
        %mul3A_207 = arith.mulf %get3A_103, %get3A_148 : vector<16xf32>
        %add3A_208 = arith.addf %get3A_206, %mul3A_207 : vector<16xf32>
        %swap3A_209 = arith.index_cast %scan3A_144 : i32 to index
        %swap3A_210 = arith.constant 336 : index
        %swap3A_211 = tpu.vector_load %arg7[%swap3A_209, %swap3A_210] {strides = array<i32>} : memref<64x512xf32, #tpu.memory_space<vmem>>, vector<1x16xf32>,
        %swap3A_212 = vector.shape_cast %swap3A_211 : vector<1x16xf32> to vector<16xf32>
        %swap3A_213 = vector.shape_cast %add3A_208 : vector<16xf32> to vector<1x16xf32>
        tpu.vector_store %arg7[%swap3A_209, %swap3A_210], %swap3A_213 {strides = array<i32>} : memref<64x512xf32, #tpu.memory_space<vmem>>, vector<1x16xf32>,
        %get3A_214 = arith.index_cast %scan3A_144 : i32 to index
        %get3A_215 = arith.constant 352 : index
        %get3A_216 = tpu.vector_load %arg6[%get3A_214, %get3A_215] {strides = array<i32>} : memref<64x512xf32, #tpu.memory_space<vmem>>, vector<1x16xf32>,
        %get3A_217 = vector.shape_cast %get3A_216 : vector<1x16xf32> to vector<16xf32>
        %mul3A_218 = arith.mulf %get3A_106, %get3A_148 : vector<16xf32>
        %add3A_219 = arith.addf %get3A_217, %mul3A_218 : vector<16xf32>
        %swap3A_220 = arith.index_cast %scan3A_144 : i32 to index
        %swap3A_221 = arith.constant 352 : index
        %swap3A_222 = tpu.vector_load %arg7[%swap3A_220, %swap3A_221] {strides = array<i32>} : memref<64x512xf32, #tpu.memory_space<vmem>>, vector<1x16xf32>,
        %swap3A_223 = vector.shape_cast %swap3A_222 : vector<1x16xf32> to vector<16xf32>
        %swap3A_224 = vector.shape_cast %add3A_219 : vector<16xf32> to vector<1x16xf32>
        tpu.vector_store %arg7[%swap3A_220, %swap3A_221], %swap3A_224 {strides = array<i32>} : memref<64x512xf32, #tpu.memory_space<vmem>>, vector<1x16xf32>,
        %get3A_225 = arith.index_cast %scan3A_144 : i32 to index
        %get3A_226 = arith.constant 368 : index
        %get3A_227 = tpu.vector_load %arg6[%get3A_225, %get3A_226] {strides = array<i32>} : memref<64x512xf32, #tpu.memory_space<vmem>>, vector<1x16xf32>,
        %get3A_228 = vector.shape_cast %get3A_227 : vector<1x16xf32> to vector<16xf32>
        %mul3A_229 = arith.mulf %get3A_109, %get3A_148 : vector<16xf32>
        %add3A_230 = arith.addf %get3A_228, %mul3A_229 : vector<16xf32>
        %swap3A_231 = arith.index_cast %scan3A_144 : i32 to index
        %swap3A_232 = arith.constant 368 : index
        %swap3A_233 = tpu.vector_load %arg7[%swap3A_231, %swap3A_232] {strides = array<i32>} : memref<64x512xf32, #tpu.memory_space<vmem>>, vector<1x16xf32>,
        %swap3A_234 = vector.shape_cast %swap3A_233 : vector<1x16xf32> to vector<16xf32>
        %swap3A_235 = vector.shape_cast %add3A_230 : vector<16xf32> to vector<1x16xf32>
        tpu.vector_store %arg7[%swap3A_231, %swap3A_232], %swap3A_235 {strides = array<i32>} : memref<64x512xf32, #tpu.memory_space<vmem>>, vector<1x16xf32>,
      }
      %scan3A_114 = arith.constant 64 : i32
      %get3A_115 = arith.constant 384 : index
      %get3A_116 = tpu.vector_load %arg9[%get3A_115] {strides = array<i32>} : memref<512xf32, #tpu.memory_space<vmem>>, vector<16xf32>,
      %get3A_117 = vector.shape_cast %get3A_116 : vector<16xf32> to vector<16xf32>
      %get3A_118 = arith.constant 400 : index
      %get3A_119 = tpu.vector_load %arg9[%get3A_118] {strides = array<i32>} : memref<512xf32, #tpu.memory_space<vmem>>, vector<16xf32>,
      %get3A_120 = vector.shape_cast %get3A_119 : vector<16xf32> to vector<16xf32>
      %get3A_121 = arith.constant 416 : index
      %get3A_122 = tpu.vector_load %arg9[%get3A_121] {strides = array<i32>} : memref<512xf32, #tpu.memory_space<vmem>>, vector<16xf32>,
      %get3A_123 = vector.shape_cast %get3A_122 : vector<16xf32> to vector<16xf32>
      %get3A_124 = arith.constant 432 : index
      %get3A_125 = tpu.vector_load %arg9[%get3A_124] {strides = array<i32>} : memref<512xf32, #tpu.memory_space<vmem>>, vector<16xf32>,
      %get3A_126 = vector.shape_cast %get3A_125 : vector<16xf32> to vector<16xf32>
      %get3A_127 = arith.constant 448 : index
      %get3A_128 = tpu.vector_load %arg9[%get3A_127] {strides = array<i32>} : memref<512xf32, #tpu.memory_space<vmem>>, vector<16xf32>,
      %get3A_129 = vector.shape_cast %get3A_128 : vector<16xf32> to vector<16xf32>
      %get3A_130 = arith.constant 464 : index
      %get3A_131 = tpu.vector_load %arg9[%get3A_130] {strides = array<i32>} : memref<512xf32, #tpu.memory_space<vmem>>, vector<16xf32>,
      %get3A_132 = vector.shape_cast %get3A_131 : vector<16xf32> to vector<16xf32>
      %get3A_133 = arith.constant 480 : index
      %get3A_134 = tpu.vector_load %arg9[%get3A_133] {strides = array<i32>} : memref<512xf32, #tpu.memory_space<vmem>>, vector<16xf32>,
      %get3A_135 = vector.shape_cast %get3A_134 : vector<16xf32> to vector<16xf32>
      %get3A_136 = arith.constant 496 : index
      %get3A_137 = tpu.vector_load %arg9[%get3A_136] {strides = array<i32>} : memref<512xf32, #tpu.memory_space<vmem>>, vector<16xf32>,
      %get3A_138 = vector.shape_cast %get3A_137 : vector<16xf32> to vector<16xf32>
      %scan3A_139 = arith.constant 0 : i32
      %scan3A_140 = arith.constant 64 : i32
      %scan3A_141 = arith.addi %scan3A_139, %scan3A_140 : i32
      %scan3A_142 = arith.constant 1 : i32
      scf.for %scan3A_144 = %scan3A_139 to %scan3A_141 step %scan3A_142  : i32 {
        %get3A_145 = arith.index_cast %scan3A_144 : i32 to index
        %get3A_146 = arith.constant 0 : index
        %get3A_147 = tpu.vector_load %arg10[%get3A_145, %get3A_146] {strides = array<i32>} : memref<64x16xf32, #tpu.memory_space<vmem>>, vector<1x16xf32>,
        %get3A_148 = vector.shape_cast %get3A_147 : vector<1x16xf32> to vector<16xf32>
        %get3A_149 = arith.index_cast %scan3A_144 : i32 to index
        %get3A_150 = arith.constant 384 : index
        %get3A_151 = tpu.vector_load %arg6[%get3A_149, %get3A_150] {strides = array<i32>} : memref<64x512xf32, #tpu.memory_space<vmem>>, vector<1x16xf32>,
        %get3A_152 = vector.shape_cast %get3A_151 : vector<1x16xf32> to vector<16xf32>
        %mul3A_153 = arith.mulf %get3A_117, %get3A_148 : vector<16xf32>
        %add3A_154 = arith.addf %get3A_152, %mul3A_153 : vector<16xf32>
        %swap3A = arith.index_cast %scan3A_144 : i32 to index
        %swap3A_155 = arith.constant 384 : index
        %swap3A_156 = tpu.vector_load %arg7[%swap3A, %swap3A_155] {strides = array<i32>} : memref<64x512xf32, #tpu.memory_space<vmem>>, vector<1x16xf32>,
        %swap3A_157 = vector.shape_cast %swap3A_156 : vector<1x16xf32> to vector<16xf32>
        %swap3A_158 = vector.shape_cast %add3A_154 : vector<16xf32> to vector<1x16xf32>
        tpu.vector_store %arg7[%swap3A, %swap3A_155], %swap3A_158 {strides = array<i32>} : memref<64x512xf32, #tpu.memory_space<vmem>>, vector<1x16xf32>,
        %get3A_159 = arith.index_cast %scan3A_144 : i32 to index
        %get3A_160 = arith.constant 400 : index
        %get3A_161 = tpu.vector_load %arg6[%get3A_159, %get3A_160] {strides = array<i32>} : memref<64x512xf32, #tpu.memory_space<vmem>>, vector<1x16xf32>,
        %get3A_162 = vector.shape_cast %get3A_161 : vector<1x16xf32> to vector<16xf32>
        %mul3A_163 = arith.mulf %get3A_120, %get3A_148 : vector<16xf32>
        %add3A_164 = arith.addf %get3A_162, %mul3A_163 : vector<16xf32>
        %swap3A_165 = arith.index_cast %scan3A_144 : i32 to index
        %swap3A_166 = arith.constant 400 : index
        %swap3A_167 = tpu.vector_load %arg7[%swap3A_165, %swap3A_166] {strides = array<i32>} : memref<64x512xf32, #tpu.memory_space<vmem>>, vector<1x16xf32>,
        %swap3A_168 = vector.shape_cast %swap3A_167 : vector<1x16xf32> to vector<16xf32>
        %swap3A_169 = vector.shape_cast %add3A_164 : vector<16xf32> to vector<1x16xf32>
        tpu.vector_store %arg7[%swap3A_165, %swap3A_166], %swap3A_169 {strides = array<i32>} : memref<64x512xf32, #tpu.memory_space<vmem>>, vector<1x16xf32>,
        %get3A_170 = arith.index_cast %scan3A_144 : i32 to index
        %get3A_171 = arith.constant 416 : index
        %get3A_172 = tpu.vector_load %arg6[%get3A_170, %get3A_171] {strides = array<i32>} : memref<64x512xf32, #tpu.memory_space<vmem>>, vector<1x16xf32>,
        %get3A_173 = vector.shape_cast %get3A_172 : vector<1x16xf32> to vector<16xf32>
        %mul3A_174 = arith.mulf %get3A_123, %get3A_148 : vector<16xf32>
        %add3A_175 = arith.addf %get3A_173, %mul3A_174 : vector<16xf32>
        %swap3A_176 = arith.index_cast %scan3A_144 : i32 to index
        %swap3A_177 = arith.constant 416 : index
        %swap3A_178 = tpu.vector_load %arg7[%swap3A_176, %swap3A_177] {strides = array<i32>} : memref<64x512xf32, #tpu.memory_space<vmem>>, vector<1x16xf32>,
        %swap3A_179 = vector.shape_cast %swap3A_178 : vector<1x16xf32> to vector<16xf32>
        %swap3A_180 = vector.shape_cast %add3A_175 : vector<16xf32> to vector<1x16xf32>
        tpu.vector_store %arg7[%swap3A_176, %swap3A_177], %swap3A_180 {strides = array<i32>} : memref<64x512xf32, #tpu.memory_space<vmem>>, vector<1x16xf32>,
        %get3A_181 = arith.index_cast %scan3A_144 : i32 to index
        %get3A_182 = arith.constant 432 : index
        %get3A_183 = tpu.vector_load %arg6[%get3A_181, %get3A_182] {strides = array<i32>} : memref<64x512xf32, #tpu.memory_space<vmem>>, vector<1x16xf32>,
        %get3A_184 = vector.shape_cast %get3A_183 : vector<1x16xf32> to vector<16xf32>
        %mul3A_185 = arith.mulf %get3A_126, %get3A_148 : vector<16xf32>
        %add3A_186 = arith.addf %get3A_184, %mul3A_185 : vector<16xf32>
        %swap3A_187 = arith.index_cast %scan3A_144 : i32 to index
        %swap3A_188 = arith.constant 432 : index
        %swap3A_189 = tpu.vector_load %arg7[%swap3A_187, %swap3A_188] {strides = array<i32>} : memref<64x512xf32, #tpu.memory_space<vmem>>, vector<1x16xf32>,
        %swap3A_190 = vector.shape_cast %swap3A_189 : vector<1x16xf32> to vector<16xf32>
        %swap3A_191 = vector.shape_cast %add3A_186 : vector<16xf32> to vector<1x16xf32>
        tpu.vector_store %arg7[%swap3A_187, %swap3A_188], %swap3A_191 {strides = array<i32>} : memref<64x512xf32, #tpu.memory_space<vmem>>, vector<1x16xf32>,
        %get3A_192 = arith.index_cast %scan3A_144 : i32 to index
        %get3A_193 = arith.constant 448 : index
        %get3A_194 = tpu.vector_load %arg6[%get3A_192, %get3A_193] {strides = array<i32>} : memref<64x512xf32, #tpu.memory_space<vmem>>, vector<1x16xf32>,
        %get3A_195 = vector.shape_cast %get3A_194 : vector<1x16xf32> to vector<16xf32>
        %mul3A_196 = arith.mulf %get3A_129, %get3A_148 : vector<16xf32>
        %add3A_197 = arith.addf %get3A_195, %mul3A_196 : vector<16xf32>
        %swap3A_198 = arith.index_cast %scan3A_144 : i32 to index
        %swap3A_199 = arith.constant 448 : index
        %swap3A_200 = tpu.vector_load %arg7[%swap3A_198, %swap3A_199] {strides = array<i32>} : memref<64x512xf32, #tpu.memory_space<vmem>>, vector<1x16xf32>,
        %swap3A_201 = vector.shape_cast %swap3A_200 : vector<1x16xf32> to vector<16xf32>
        %swap3A_202 = vector.shape_cast %add3A_197 : vector<16xf32> to vector<1x16xf32>
        tpu.vector_store %arg7[%swap3A_198, %swap3A_199], %swap3A_202 {strides = array<i32>} : memref<64x512xf32, #tpu.memory_space<vmem>>, vector<1x16xf32>,
        %get3A_203 = arith.index_cast %scan3A_144 : i32 to index
        %get3A_204 = arith.constant 464 : index
        %get3A_205 = tpu.vector_load %arg6[%get3A_203, %get3A_204] {strides = array<i32>} : memref<64x512xf32, #tpu.memory_space<vmem>>, vector<1x16xf32>,
        %get3A_206 = vector.shape_cast %get3A_205 : vector<1x16xf32> to vector<16xf32>
        %mul3A_207 = arith.mulf %get3A_132, %get3A_148 : vector<16xf32>
        %add3A_208 = arith.addf %get3A_206, %mul3A_207 : vector<16xf32>
        %swap3A_209 = arith.index_cast %scan3A_144 : i32 to index
        %swap3A_210 = arith.constant 464 : index
        %swap3A_211 = tpu.vector_load %arg7[%swap3A_209, %swap3A_210] {strides = array<i32>} : memref<64x512xf32, #tpu.memory_space<vmem>>, vector<1x16xf32>,
        %swap3A_212 = vector.shape_cast %swap3A_211 : vector<1x16xf32> to vector<16xf32>
        %swap3A_213 = vector.shape_cast %add3A_208 : vector<16xf32> to vector<1x16xf32>
        tpu.vector_store %arg7[%swap3A_209, %swap3A_210], %swap3A_213 {strides = array<i32>} : memref<64x512xf32, #tpu.memory_space<vmem>>, vector<1x16xf32>,
        %get3A_214 = arith.index_cast %scan3A_144 : i32 to index
        %get3A_215 = arith.constant 480 : index
        %get3A_216 = tpu.vector_load %arg6[%get3A_214, %get3A_215] {strides = array<i32>} : memref<64x512xf32, #tpu.memory_space<vmem>>, vector<1x16xf32>,
        %get3A_217 = vector.shape_cast %get3A_216 : vector<1x16xf32> to vector<16xf32>
        %mul3A_218 = arith.mulf %get3A_135, %get3A_148 : vector<16xf32>
        %add3A_219 = arith.addf %get3A_217, %mul3A_218 : vector<16xf32>
        %swap3A_220 = arith.index_cast %scan3A_144 : i32 to index
        %swap3A_221 = arith.constant 480 : index
        %swap3A_222 = tpu.vector_load %arg7[%swap3A_220, %swap3A_221] {strides = array<i32>} : memref<64x512xf32, #tpu.memory_space<vmem>>, vector<1x16xf32>,
        %swap3A_223 = vector.shape_cast %swap3A_222 : vector<1x16xf32> to vector<16xf32>
        %swap3A_224 = vector.shape_cast %add3A_219 : vector<16xf32> to vector<1x16xf32>
        tpu.vector_store %arg7[%swap3A_220, %swap3A_221], %swap3A_224 {strides = array<i32>} : memref<64x512xf32, #tpu.memory_space<vmem>>, vector<1x16xf32>,
        %get3A_225 = arith.index_cast %scan3A_144 : i32 to index
        %get3A_226 = arith.constant 496 : index
        %get3A_227 = tpu.vector_load %arg6[%get3A_225, %get3A_226] {strides = array<i32>} : memref<64x512xf32, #tpu.memory_space<vmem>>, vector<1x16xf32>,
        %get3A_228 = vector.shape_cast %get3A_227 : vector<1x16xf32> to vector<16xf32>
        %mul3A_229 = arith.mulf %get3A_138, %get3A_148 : vector<16xf32>
        %add3A_230 = arith.addf %get3A_228, %mul3A_229 : vector<16xf32>
        %swap3A_231 = arith.index_cast %scan3A_144 : i32 to index
        %swap3A_232 = arith.constant 496 : index
        %swap3A_233 = tpu.vector_load %arg7[%swap3A_231, %swap3A_232] {strides = array<i32>} : memref<64x512xf32, #tpu.memory_space<vmem>>, vector<1x16xf32>,
        %swap3A_234 = vector.shape_cast %swap3A_233 : vector<1x16xf32> to vector<16xf32>
        %swap3A_235 = vector.shape_cast %add3A_230 : vector<16xf32> to vector<1x16xf32>
        tpu.vector_store %arg7[%swap3A_231, %swap3A_232], %swap3A_235 {strides = array<i32>} : memref<64x512xf32, #tpu.memory_space<vmem>>, vector<1x16xf32>,
      }
      %scan3A_143 = arith.constant 64 : i32
      "tpu.region"() ({
        %run_scoped3A = tpu.sem_alloc : memref<!tpu.dma_semaphore, #tpu.memory_space<semaphore_mem>>
        %dma_start3A = arith.constant 0 : i32
        %dma_start3A_144 = arith.constant 1024 : i32
        %dma_start3A_145 = tpu.memref_slice %arg5[%add3A_23, %dma_start3A, %dma_start3A_144] : memref<1024x64x2048xf32, #tpu.memory_space<hbm>> -> memref<1x64x512xf32, #tpu.memory_space<hbm>>
        %dma_start3A_146 = tpu.memref_squeeze %dma_start3A_145 : memref<1x64x512xf32, #tpu.memory_space<hbm>> -> memref<64x512xf32, #tpu.memory_space<hbm>>
        %dma_start3A_147 = arith.constant 0 : i32
        %dma_start3A_148 = arith.constant 1024 : i32
        %dma_start3A_149 = tpu.memref_slice %arg5[%add3A_23, %dma_start3A_147, %dma_start3A_148] : memref<1024x64x2048xf32, #tpu.memory_space<hbm>> -> memref<1x64x512xf32, #tpu.memory_space<hbm>>
        %dma_start3A_150 = tpu.memref_squeeze %dma_start3A_149 : memref<1x64x512xf32, #tpu.memory_space<hbm>> -> memref<64x512xf32, #tpu.memory_space<hbm>>
        tpu.enqueue_dma source(%arg7 : memref<64x512xf32, #tpu.memory_space<vmem>>) target(%dma_start3A_150 : memref<64x512xf32, #tpu.memory_space<hbm>>) target_semaphore(%run_scoped3A : memref<!tpu.dma_semaphore, #tpu.memory_space<semaphore_mem>>)
        %dma_wait3A = arith.constant 0 : i32
        %dma_wait3A_151 = arith.constant 1024 : i32
        %dma_wait3A_152 = tpu.memref_slice %arg5[%add3A_23, %dma_wait3A, %dma_wait3A_151] : memref<1024x64x2048xf32, #tpu.memory_space<hbm>> -> memref<1x64x512xf32, #tpu.memory_space<hbm>>
        %dma_wait3A_153 = tpu.memref_squeeze %dma_wait3A_152 : memref<1x64x512xf32, #tpu.memory_space<hbm>> -> memref<64x512xf32, #tpu.memory_space<hbm>>
        %dma_wait3A_154 = arith.constant 0 : i32
        %dma_wait3A_155 = arith.constant 1024 : i32
        %dma_wait3A_156 = tpu.memref_slice %arg5[%add3A_23, %dma_wait3A_154, %dma_wait3A_155] : memref<1024x64x2048xf32, #tpu.memory_space<hbm>> -> memref<1x64x512xf32, #tpu.memory_space<hbm>>
        %dma_wait3A_157 = tpu.memref_squeeze %dma_wait3A_156 : memref<1x64x512xf32, #tpu.memory_space<hbm>> -> memref<64x512xf32, #tpu.memory_space<hbm>>
        tpu.wait_dma2 semaphore(%run_scoped3A : memref<!tpu.dma_semaphore, #tpu.memory_space<semaphore_mem>>) src(%arg7 : memref<64x512xf32, #tpu.memory_space<vmem>>) dst(%dma_wait3A_157 : memref<64x512xf32, #tpu.memory_space<hbm>>)
        tpu.yield
      }) : () -> ()
    }
    %scan3A_16 = arith.constant 32 : i32
    "tpu.region"() ({
      %run_scoped3A = tpu.sem_alloc : memref<!tpu.dma_semaphore, #tpu.memory_space<semaphore_mem>>
      %dma_start3A = arith.constant 0 : i32
      %dma_start3A_22 = arith.constant 1536 : i32
      %dma_start3A_23 = tpu.memref_slice %arg3[%dma_start3A, %dma_start3A_22] : memref<64x2048xf32, #tpu.memory_space<hbm>> -> memref<64x512xf32, #tpu.memory_space<hbm>>
      %dma_start3A_24 = arith.constant 0 : i32
      %dma_start3A_25 = arith.constant 1536 : i32
      %dma_start3A_26 = tpu.memref_slice %arg3[%dma_start3A_24, %dma_start3A_25] : memref<64x2048xf32, #tpu.memory_space<hbm>> -> memref<64x512xf32, #tpu.memory_space<hbm>>
      tpu.enqueue_dma source(%dma_start3A_26 : memref<64x512xf32, #tpu.memory_space<hbm>>) target(%arg6 : memref<64x512xf32, #tpu.memory_space<vmem>>) target_semaphore(%run_scoped3A : memref<!tpu.dma_semaphore, #tpu.memory_space<semaphore_mem>>)
      %dma_wait3A = arith.constant 0 : i32
      %dma_wait3A_27 = arith.constant 1536 : i32
      %dma_wait3A_28 = tpu.memref_slice %arg3[%dma_wait3A, %dma_wait3A_27] : memref<64x2048xf32, #tpu.memory_space<hbm>> -> memref<64x512xf32, #tpu.memory_space<hbm>>
      %dma_wait3A_29 = arith.constant 0 : i32
      %dma_wait3A_30 = arith.constant 1536 : i32
      %dma_wait3A_31 = tpu.memref_slice %arg3[%dma_wait3A_29, %dma_wait3A_30] : memref<64x2048xf32, #tpu.memory_space<hbm>> -> memref<64x512xf32, #tpu.memory_space<hbm>>
      tpu.wait_dma2 semaphore(%run_scoped3A : memref<!tpu.dma_semaphore, #tpu.memory_space<semaphore_mem>>) src(%dma_wait3A_31 : memref<64x512xf32, #tpu.memory_space<hbm>>) dst(%arg6 : memref<64x512xf32, #tpu.memory_space<vmem>>)
      tpu.yield
    }) : () -> ()
    %scan3A_17 = arith.constant 0 : i32
    %scan3A_18 = arith.constant 32 : i32
    %scan3A_19 = arith.addi %scan3A_17, %scan3A_18 : i32
    %scan3A_20 = arith.constant 1 : i32
    scf.for %scan3A_22 = %scan3A_17 to %scan3A_19 step %scan3A_20  : i32 {
      %add3A_23 = arith.addi %mul3A_2, %scan3A_22 : i32
      "tpu.region"() ({
        %run_scoped3A = tpu.sem_alloc : memref<!tpu.dma_semaphore, #tpu.memory_space<semaphore_mem>>
        %dma_start3A = arith.constant 1536 : i32
        %dma_start3A_144 = tpu.memref_slice %arg2[%add3A_23, %dma_start3A] : memref<1024x2048xi32, #tpu.memory_space<hbm>> -> memref<1x512xi32, #tpu.memory_space<hbm>>
        %dma_start3A_145 = tpu.memref_squeeze %dma_start3A_144 : memref<1x512xi32, #tpu.memory_space<hbm>> -> memref<512xi32, #tpu.memory_space<hbm>>
        %dma_start3A_146 = arith.constant 1536 : i32
        %dma_start3A_147 = tpu.memref_slice %arg2[%add3A_23, %dma_start3A_146] : memref<1024x2048xi32, #tpu.memory_space<hbm>> -> memref<1x512xi32, #tpu.memory_space<hbm>>
        %dma_start3A_148 = tpu.memref_squeeze %dma_start3A_147 : memref<1x512xi32, #tpu.memory_space<hbm>> -> memref<512xi32, #tpu.memory_space<hbm>>
        tpu.enqueue_dma source(%dma_start3A_148 : memref<512xi32, #tpu.memory_space<hbm>>) target(%arg8 : memref<512xi32, #tpu.memory_space<vmem>>) target_semaphore(%run_scoped3A : memref<!tpu.dma_semaphore, #tpu.memory_space<semaphore_mem>>)
        %dma_wait3A = arith.constant 1536 : i32
        %dma_wait3A_149 = tpu.memref_slice %arg2[%add3A_23, %dma_wait3A] : memref<1024x2048xi32, #tpu.memory_space<hbm>> -> memref<1x512xi32, #tpu.memory_space<hbm>>
        %dma_wait3A_150 = tpu.memref_squeeze %dma_wait3A_149 : memref<1x512xi32, #tpu.memory_space<hbm>> -> memref<512xi32, #tpu.memory_space<hbm>>
        %dma_wait3A_151 = arith.constant 1536 : i32
        %dma_wait3A_152 = tpu.memref_slice %arg2[%add3A_23, %dma_wait3A_151] : memref<1024x2048xi32, #tpu.memory_space<hbm>> -> memref<1x512xi32, #tpu.memory_space<hbm>>
        %dma_wait3A_153 = tpu.memref_squeeze %dma_wait3A_152 : memref<1x512xi32, #tpu.memory_space<hbm>> -> memref<512xi32, #tpu.memory_space<hbm>>
        tpu.wait_dma2 semaphore(%run_scoped3A : memref<!tpu.dma_semaphore, #tpu.memory_space<semaphore_mem>>) src(%dma_wait3A_153 : memref<512xi32, #tpu.memory_space<hbm>>) dst(%arg8 : memref<512xi32, #tpu.memory_space<vmem>>)
        tpu.yield
      }) : () -> ()
      %scan3A_24 = arith.constant 0 : i32
      %scan3A_25 = arith.constant 32 : i32
      %scan3A_26 = arith.addi %scan3A_24, %scan3A_25 : i32
      %scan3A_27 = arith.constant 1 : i32
      scf.for %scan3A_144 = %scan3A_24 to %scan3A_26 step %scan3A_27  : i32 {
        %mul3A_145 = arith.constant 16 : i32
        %mul3A_146 = arith.muli %scan3A_144, %mul3A_145 : i32
        %multiple_of3A = tpu.assume_multiple %mul3A_146, 16 : i32
        %get3A_147 = arith.index_cast %multiple_of3A : i32 to index
        %get3A_148 = tpu.vector_load %arg8[%get3A_147] {strides = array<i32>} : memref<512xi32, #tpu.memory_space<vmem>>, vector<16xi32>,
        %get3A_149 = vector.shape_cast %get3A_148 : vector<16xi32> to vector<16xi32>
        %convert_element_type3A = arith.sitofp %get3A_149 : vector<16xi32> to vector<16xf32>
        %swap3A = arith.index_cast %multiple_of3A : i32 to index
        %swap3A_150 = tpu.vector_load %arg9[%swap3A] {strides = array<i32>} : memref<512xf32, #tpu.memory_space<vmem>>, vector<16xf32>,
        %swap3A_151 = vector.shape_cast %swap3A_150 : vector<16xf32> to vector<16xf32>
        %swap3A_152 = vector.shape_cast %convert_element_type3A : vector<16xf32> to vector<16xf32>
        tpu.vector_store %arg9[%swap3A], %swap3A_152 {strides = array<i32>} : memref<512xf32, #tpu.memory_space<vmem>>, vector<16xf32>,
      }
      %scan3A_28 = arith.constant 32 : i32
      %get3A = arith.constant 0 : index
      %get3A_29 = tpu.vector_load %arg9[%get3A] {strides = array<i32>} : memref<512xf32, #tpu.memory_space<vmem>>, vector<16xf32>,
      %get3A_30 = vector.shape_cast %get3A_29 : vector<16xf32> to vector<16xf32>
      %get3A_31 = arith.constant 16 : index
      %get3A_32 = tpu.vector_load %arg9[%get3A_31] {strides = array<i32>} : memref<512xf32, #tpu.memory_space<vmem>>, vector<16xf32>,
      %get3A_33 = vector.shape_cast %get3A_32 : vector<16xf32> to vector<16xf32>
      %get3A_34 = arith.constant 32 : index
      %get3A_35 = tpu.vector_load %arg9[%get3A_34] {strides = array<i32>} : memref<512xf32, #tpu.memory_space<vmem>>, vector<16xf32>,
      %get3A_36 = vector.shape_cast %get3A_35 : vector<16xf32> to vector<16xf32>
      %get3A_37 = arith.constant 48 : index
      %get3A_38 = tpu.vector_load %arg9[%get3A_37] {strides = array<i32>} : memref<512xf32, #tpu.memory_space<vmem>>, vector<16xf32>,
      %get3A_39 = vector.shape_cast %get3A_38 : vector<16xf32> to vector<16xf32>
      %get3A_40 = arith.constant 64 : index
      %get3A_41 = tpu.vector_load %arg9[%get3A_40] {strides = array<i32>} : memref<512xf32, #tpu.memory_space<vmem>>, vector<16xf32>,
      %get3A_42 = vector.shape_cast %get3A_41 : vector<16xf32> to vector<16xf32>
      %get3A_43 = arith.constant 80 : index
      %get3A_44 = tpu.vector_load %arg9[%get3A_43] {strides = array<i32>} : memref<512xf32, #tpu.memory_space<vmem>>, vector<16xf32>,
      %get3A_45 = vector.shape_cast %get3A_44 : vector<16xf32> to vector<16xf32>
      %get3A_46 = arith.constant 96 : index
      %get3A_47 = tpu.vector_load %arg9[%get3A_46] {strides = array<i32>} : memref<512xf32, #tpu.memory_space<vmem>>, vector<16xf32>,
      %get3A_48 = vector.shape_cast %get3A_47 : vector<16xf32> to vector<16xf32>
      %get3A_49 = arith.constant 112 : index
      %get3A_50 = tpu.vector_load %arg9[%get3A_49] {strides = array<i32>} : memref<512xf32, #tpu.memory_space<vmem>>, vector<16xf32>,
      %get3A_51 = vector.shape_cast %get3A_50 : vector<16xf32> to vector<16xf32>
      %scan3A_52 = arith.constant 0 : i32
      %scan3A_53 = arith.constant 64 : i32
      %scan3A_54 = arith.addi %scan3A_52, %scan3A_53 : i32
      %scan3A_55 = arith.constant 1 : i32
      scf.for %scan3A_144 = %scan3A_52 to %scan3A_54 step %scan3A_55  : i32 {
        %get3A_145 = arith.index_cast %scan3A_144 : i32 to index
        %get3A_146 = arith.constant 0 : index
        %get3A_147 = tpu.vector_load %arg10[%get3A_145, %get3A_146] {strides = array<i32>} : memref<64x16xf32, #tpu.memory_space<vmem>>, vector<1x16xf32>,
        %get3A_148 = vector.shape_cast %get3A_147 : vector<1x16xf32> to vector<16xf32>
        %get3A_149 = arith.index_cast %scan3A_144 : i32 to index
        %get3A_150 = arith.constant 0 : index
        %get3A_151 = tpu.vector_load %arg6[%get3A_149, %get3A_150] {strides = array<i32>} : memref<64x512xf32, #tpu.memory_space<vmem>>, vector<1x16xf32>,
        %get3A_152 = vector.shape_cast %get3A_151 : vector<1x16xf32> to vector<16xf32>
        %mul3A_153 = arith.mulf %get3A_30, %get3A_148 : vector<16xf32>
        %add3A_154 = arith.addf %get3A_152, %mul3A_153 : vector<16xf32>
        %swap3A = arith.index_cast %scan3A_144 : i32 to index
        %swap3A_155 = arith.constant 0 : index
        %swap3A_156 = tpu.vector_load %arg7[%swap3A, %swap3A_155] {strides = array<i32>} : memref<64x512xf32, #tpu.memory_space<vmem>>, vector<1x16xf32>,
        %swap3A_157 = vector.shape_cast %swap3A_156 : vector<1x16xf32> to vector<16xf32>
        %swap3A_158 = vector.shape_cast %add3A_154 : vector<16xf32> to vector<1x16xf32>
        tpu.vector_store %arg7[%swap3A, %swap3A_155], %swap3A_158 {strides = array<i32>} : memref<64x512xf32, #tpu.memory_space<vmem>>, vector<1x16xf32>,
        %get3A_159 = arith.index_cast %scan3A_144 : i32 to index
        %get3A_160 = arith.constant 16 : index
        %get3A_161 = tpu.vector_load %arg6[%get3A_159, %get3A_160] {strides = array<i32>} : memref<64x512xf32, #tpu.memory_space<vmem>>, vector<1x16xf32>,
        %get3A_162 = vector.shape_cast %get3A_161 : vector<1x16xf32> to vector<16xf32>
        %mul3A_163 = arith.mulf %get3A_33, %get3A_148 : vector<16xf32>
        %add3A_164 = arith.addf %get3A_162, %mul3A_163 : vector<16xf32>
        %swap3A_165 = arith.index_cast %scan3A_144 : i32 to index
        %swap3A_166 = arith.constant 16 : index
        %swap3A_167 = tpu.vector_load %arg7[%swap3A_165, %swap3A_166] {strides = array<i32>} : memref<64x512xf32, #tpu.memory_space<vmem>>, vector<1x16xf32>,
        %swap3A_168 = vector.shape_cast %swap3A_167 : vector<1x16xf32> to vector<16xf32>
        %swap3A_169 = vector.shape_cast %add3A_164 : vector<16xf32> to vector<1x16xf32>
        tpu.vector_store %arg7[%swap3A_165, %swap3A_166], %swap3A_169 {strides = array<i32>} : memref<64x512xf32, #tpu.memory_space<vmem>>, vector<1x16xf32>,
        %get3A_170 = arith.index_cast %scan3A_144 : i32 to index
        %get3A_171 = arith.constant 32 : index
        %get3A_172 = tpu.vector_load %arg6[%get3A_170, %get3A_171] {strides = array<i32>} : memref<64x512xf32, #tpu.memory_space<vmem>>, vector<1x16xf32>,
        %get3A_173 = vector.shape_cast %get3A_172 : vector<1x16xf32> to vector<16xf32>
        %mul3A_174 = arith.mulf %get3A_36, %get3A_148 : vector<16xf32>
        %add3A_175 = arith.addf %get3A_173, %mul3A_174 : vector<16xf32>
        %swap3A_176 = arith.index_cast %scan3A_144 : i32 to index
        %swap3A_177 = arith.constant 32 : index
        %swap3A_178 = tpu.vector_load %arg7[%swap3A_176, %swap3A_177] {strides = array<i32>} : memref<64x512xf32, #tpu.memory_space<vmem>>, vector<1x16xf32>,
        %swap3A_179 = vector.shape_cast %swap3A_178 : vector<1x16xf32> to vector<16xf32>
        %swap3A_180 = vector.shape_cast %add3A_175 : vector<16xf32> to vector<1x16xf32>
        tpu.vector_store %arg7[%swap3A_176, %swap3A_177], %swap3A_180 {strides = array<i32>} : memref<64x512xf32, #tpu.memory_space<vmem>>, vector<1x16xf32>,
        %get3A_181 = arith.index_cast %scan3A_144 : i32 to index
        %get3A_182 = arith.constant 48 : index
        %get3A_183 = tpu.vector_load %arg6[%get3A_181, %get3A_182] {strides = array<i32>} : memref<64x512xf32, #tpu.memory_space<vmem>>, vector<1x16xf32>,
        %get3A_184 = vector.shape_cast %get3A_183 : vector<1x16xf32> to vector<16xf32>
        %mul3A_185 = arith.mulf %get3A_39, %get3A_148 : vector<16xf32>
        %add3A_186 = arith.addf %get3A_184, %mul3A_185 : vector<16xf32>
        %swap3A_187 = arith.index_cast %scan3A_144 : i32 to index
        %swap3A_188 = arith.constant 48 : index
        %swap3A_189 = tpu.vector_load %arg7[%swap3A_187, %swap3A_188] {strides = array<i32>} : memref<64x512xf32, #tpu.memory_space<vmem>>, vector<1x16xf32>,
        %swap3A_190 = vector.shape_cast %swap3A_189 : vector<1x16xf32> to vector<16xf32>
        %swap3A_191 = vector.shape_cast %add3A_186 : vector<16xf32> to vector<1x16xf32>
        tpu.vector_store %arg7[%swap3A_187, %swap3A_188], %swap3A_191 {strides = array<i32>} : memref<64x512xf32, #tpu.memory_space<vmem>>, vector<1x16xf32>,
        %get3A_192 = arith.index_cast %scan3A_144 : i32 to index
        %get3A_193 = arith.constant 64 : index
        %get3A_194 = tpu.vector_load %arg6[%get3A_192, %get3A_193] {strides = array<i32>} : memref<64x512xf32, #tpu.memory_space<vmem>>, vector<1x16xf32>,
        %get3A_195 = vector.shape_cast %get3A_194 : vector<1x16xf32> to vector<16xf32>
        %mul3A_196 = arith.mulf %get3A_42, %get3A_148 : vector<16xf32>
        %add3A_197 = arith.addf %get3A_195, %mul3A_196 : vector<16xf32>
        %swap3A_198 = arith.index_cast %scan3A_144 : i32 to index
        %swap3A_199 = arith.constant 64 : index
        %swap3A_200 = tpu.vector_load %arg7[%swap3A_198, %swap3A_199] {strides = array<i32>} : memref<64x512xf32, #tpu.memory_space<vmem>>, vector<1x16xf32>,
        %swap3A_201 = vector.shape_cast %swap3A_200 : vector<1x16xf32> to vector<16xf32>
        %swap3A_202 = vector.shape_cast %add3A_197 : vector<16xf32> to vector<1x16xf32>
        tpu.vector_store %arg7[%swap3A_198, %swap3A_199], %swap3A_202 {strides = array<i32>} : memref<64x512xf32, #tpu.memory_space<vmem>>, vector<1x16xf32>,
        %get3A_203 = arith.index_cast %scan3A_144 : i32 to index
        %get3A_204 = arith.constant 80 : index
        %get3A_205 = tpu.vector_load %arg6[%get3A_203, %get3A_204] {strides = array<i32>} : memref<64x512xf32, #tpu.memory_space<vmem>>, vector<1x16xf32>,
        %get3A_206 = vector.shape_cast %get3A_205 : vector<1x16xf32> to vector<16xf32>
        %mul3A_207 = arith.mulf %get3A_45, %get3A_148 : vector<16xf32>
        %add3A_208 = arith.addf %get3A_206, %mul3A_207 : vector<16xf32>
        %swap3A_209 = arith.index_cast %scan3A_144 : i32 to index
        %swap3A_210 = arith.constant 80 : index
        %swap3A_211 = tpu.vector_load %arg7[%swap3A_209, %swap3A_210] {strides = array<i32>} : memref<64x512xf32, #tpu.memory_space<vmem>>, vector<1x16xf32>,
        %swap3A_212 = vector.shape_cast %swap3A_211 : vector<1x16xf32> to vector<16xf32>
        %swap3A_213 = vector.shape_cast %add3A_208 : vector<16xf32> to vector<1x16xf32>
        tpu.vector_store %arg7[%swap3A_209, %swap3A_210], %swap3A_213 {strides = array<i32>} : memref<64x512xf32, #tpu.memory_space<vmem>>, vector<1x16xf32>,
        %get3A_214 = arith.index_cast %scan3A_144 : i32 to index
        %get3A_215 = arith.constant 96 : index
        %get3A_216 = tpu.vector_load %arg6[%get3A_214, %get3A_215] {strides = array<i32>} : memref<64x512xf32, #tpu.memory_space<vmem>>, vector<1x16xf32>,
        %get3A_217 = vector.shape_cast %get3A_216 : vector<1x16xf32> to vector<16xf32>
        %mul3A_218 = arith.mulf %get3A_48, %get3A_148 : vector<16xf32>
        %add3A_219 = arith.addf %get3A_217, %mul3A_218 : vector<16xf32>
        %swap3A_220 = arith.index_cast %scan3A_144 : i32 to index
        %swap3A_221 = arith.constant 96 : index
        %swap3A_222 = tpu.vector_load %arg7[%swap3A_220, %swap3A_221] {strides = array<i32>} : memref<64x512xf32, #tpu.memory_space<vmem>>, vector<1x16xf32>,
        %swap3A_223 = vector.shape_cast %swap3A_222 : vector<1x16xf32> to vector<16xf32>
        %swap3A_224 = vector.shape_cast %add3A_219 : vector<16xf32> to vector<1x16xf32>
        tpu.vector_store %arg7[%swap3A_220, %swap3A_221], %swap3A_224 {strides = array<i32>} : memref<64x512xf32, #tpu.memory_space<vmem>>, vector<1x16xf32>,
        %get3A_225 = arith.index_cast %scan3A_144 : i32 to index
        %get3A_226 = arith.constant 112 : index
        %get3A_227 = tpu.vector_load %arg6[%get3A_225, %get3A_226] {strides = array<i32>} : memref<64x512xf32, #tpu.memory_space<vmem>>, vector<1x16xf32>,
        %get3A_228 = vector.shape_cast %get3A_227 : vector<1x16xf32> to vector<16xf32>
        %mul3A_229 = arith.mulf %get3A_51, %get3A_148 : vector<16xf32>
        %add3A_230 = arith.addf %get3A_228, %mul3A_229 : vector<16xf32>
        %swap3A_231 = arith.index_cast %scan3A_144 : i32 to index
        %swap3A_232 = arith.constant 112 : index
        %swap3A_233 = tpu.vector_load %arg7[%swap3A_231, %swap3A_232] {strides = array<i32>} : memref<64x512xf32, #tpu.memory_space<vmem>>, vector<1x16xf32>,
        %swap3A_234 = vector.shape_cast %swap3A_233 : vector<1x16xf32> to vector<16xf32>
        %swap3A_235 = vector.shape_cast %add3A_230 : vector<16xf32> to vector<1x16xf32>
        tpu.vector_store %arg7[%swap3A_231, %swap3A_232], %swap3A_235 {strides = array<i32>} : memref<64x512xf32, #tpu.memory_space<vmem>>, vector<1x16xf32>,
      }
      %scan3A_56 = arith.constant 64 : i32
      %get3A_57 = arith.constant 128 : index
      %get3A_58 = tpu.vector_load %arg9[%get3A_57] {strides = array<i32>} : memref<512xf32, #tpu.memory_space<vmem>>, vector<16xf32>,
      %get3A_59 = vector.shape_cast %get3A_58 : vector<16xf32> to vector<16xf32>
      %get3A_60 = arith.constant 144 : index
      %get3A_61 = tpu.vector_load %arg9[%get3A_60] {strides = array<i32>} : memref<512xf32, #tpu.memory_space<vmem>>, vector<16xf32>,
      %get3A_62 = vector.shape_cast %get3A_61 : vector<16xf32> to vector<16xf32>
      %get3A_63 = arith.constant 160 : index
      %get3A_64 = tpu.vector_load %arg9[%get3A_63] {strides = array<i32>} : memref<512xf32, #tpu.memory_space<vmem>>, vector<16xf32>,
      %get3A_65 = vector.shape_cast %get3A_64 : vector<16xf32> to vector<16xf32>
      %get3A_66 = arith.constant 176 : index
      %get3A_67 = tpu.vector_load %arg9[%get3A_66] {strides = array<i32>} : memref<512xf32, #tpu.memory_space<vmem>>, vector<16xf32>,
      %get3A_68 = vector.shape_cast %get3A_67 : vector<16xf32> to vector<16xf32>
      %get3A_69 = arith.constant 192 : index
      %get3A_70 = tpu.vector_load %arg9[%get3A_69] {strides = array<i32>} : memref<512xf32, #tpu.memory_space<vmem>>, vector<16xf32>,
      %get3A_71 = vector.shape_cast %get3A_70 : vector<16xf32> to vector<16xf32>
      %get3A_72 = arith.constant 208 : index
      %get3A_73 = tpu.vector_load %arg9[%get3A_72] {strides = array<i32>} : memref<512xf32, #tpu.memory_space<vmem>>, vector<16xf32>,
      %get3A_74 = vector.shape_cast %get3A_73 : vector<16xf32> to vector<16xf32>
      %get3A_75 = arith.constant 224 : index
      %get3A_76 = tpu.vector_load %arg9[%get3A_75] {strides = array<i32>} : memref<512xf32, #tpu.memory_space<vmem>>, vector<16xf32>,
      %get3A_77 = vector.shape_cast %get3A_76 : vector<16xf32> to vector<16xf32>
      %get3A_78 = arith.constant 240 : index
      %get3A_79 = tpu.vector_load %arg9[%get3A_78] {strides = array<i32>} : memref<512xf32, #tpu.memory_space<vmem>>, vector<16xf32>,
      %get3A_80 = vector.shape_cast %get3A_79 : vector<16xf32> to vector<16xf32>
      %scan3A_81 = arith.constant 0 : i32
      %scan3A_82 = arith.constant 64 : i32
      %scan3A_83 = arith.addi %scan3A_81, %scan3A_82 : i32
      %scan3A_84 = arith.constant 1 : i32
      scf.for %scan3A_144 = %scan3A_81 to %scan3A_83 step %scan3A_84  : i32 {
        %get3A_145 = arith.index_cast %scan3A_144 : i32 to index
        %get3A_146 = arith.constant 0 : index
        %get3A_147 = tpu.vector_load %arg10[%get3A_145, %get3A_146] {strides = array<i32>} : memref<64x16xf32, #tpu.memory_space<vmem>>, vector<1x16xf32>,
        %get3A_148 = vector.shape_cast %get3A_147 : vector<1x16xf32> to vector<16xf32>
        %get3A_149 = arith.index_cast %scan3A_144 : i32 to index
        %get3A_150 = arith.constant 128 : index
        %get3A_151 = tpu.vector_load %arg6[%get3A_149, %get3A_150] {strides = array<i32>} : memref<64x512xf32, #tpu.memory_space<vmem>>, vector<1x16xf32>,
        %get3A_152 = vector.shape_cast %get3A_151 : vector<1x16xf32> to vector<16xf32>
        %mul3A_153 = arith.mulf %get3A_59, %get3A_148 : vector<16xf32>
        %add3A_154 = arith.addf %get3A_152, %mul3A_153 : vector<16xf32>
        %swap3A = arith.index_cast %scan3A_144 : i32 to index
        %swap3A_155 = arith.constant 128 : index
        %swap3A_156 = tpu.vector_load %arg7[%swap3A, %swap3A_155] {strides = array<i32>} : memref<64x512xf32, #tpu.memory_space<vmem>>, vector<1x16xf32>,
        %swap3A_157 = vector.shape_cast %swap3A_156 : vector<1x16xf32> to vector<16xf32>
        %swap3A_158 = vector.shape_cast %add3A_154 : vector<16xf32> to vector<1x16xf32>
        tpu.vector_store %arg7[%swap3A, %swap3A_155], %swap3A_158 {strides = array<i32>} : memref<64x512xf32, #tpu.memory_space<vmem>>, vector<1x16xf32>,
        %get3A_159 = arith.index_cast %scan3A_144 : i32 to index
        %get3A_160 = arith.constant 144 : index
        %get3A_161 = tpu.vector_load %arg6[%get3A_159, %get3A_160] {strides = array<i32>} : memref<64x512xf32, #tpu.memory_space<vmem>>, vector<1x16xf32>,
        %get3A_162 = vector.shape_cast %get3A_161 : vector<1x16xf32> to vector<16xf32>
        %mul3A_163 = arith.mulf %get3A_62, %get3A_148 : vector<16xf32>
        %add3A_164 = arith.addf %get3A_162, %mul3A_163 : vector<16xf32>
        %swap3A_165 = arith.index_cast %scan3A_144 : i32 to index
        %swap3A_166 = arith.constant 144 : index
        %swap3A_167 = tpu.vector_load %arg7[%swap3A_165, %swap3A_166] {strides = array<i32>} : memref<64x512xf32, #tpu.memory_space<vmem>>, vector<1x16xf32>,
        %swap3A_168 = vector.shape_cast %swap3A_167 : vector<1x16xf32> to vector<16xf32>
        %swap3A_169 = vector.shape_cast %add3A_164 : vector<16xf32> to vector<1x16xf32>
        tpu.vector_store %arg7[%swap3A_165, %swap3A_166], %swap3A_169 {strides = array<i32>} : memref<64x512xf32, #tpu.memory_space<vmem>>, vector<1x16xf32>,
        %get3A_170 = arith.index_cast %scan3A_144 : i32 to index
        %get3A_171 = arith.constant 160 : index
        %get3A_172 = tpu.vector_load %arg6[%get3A_170, %get3A_171] {strides = array<i32>} : memref<64x512xf32, #tpu.memory_space<vmem>>, vector<1x16xf32>,
        %get3A_173 = vector.shape_cast %get3A_172 : vector<1x16xf32> to vector<16xf32>
        %mul3A_174 = arith.mulf %get3A_65, %get3A_148 : vector<16xf32>
        %add3A_175 = arith.addf %get3A_173, %mul3A_174 : vector<16xf32>
        %swap3A_176 = arith.index_cast %scan3A_144 : i32 to index
        %swap3A_177 = arith.constant 160 : index
        %swap3A_178 = tpu.vector_load %arg7[%swap3A_176, %swap3A_177] {strides = array<i32>} : memref<64x512xf32, #tpu.memory_space<vmem>>, vector<1x16xf32>,
        %swap3A_179 = vector.shape_cast %swap3A_178 : vector<1x16xf32> to vector<16xf32>
        %swap3A_180 = vector.shape_cast %add3A_175 : vector<16xf32> to vector<1x16xf32>
        tpu.vector_store %arg7[%swap3A_176, %swap3A_177], %swap3A_180 {strides = array<i32>} : memref<64x512xf32, #tpu.memory_space<vmem>>, vector<1x16xf32>,
        %get3A_181 = arith.index_cast %scan3A_144 : i32 to index
        %get3A_182 = arith.constant 176 : index
        %get3A_183 = tpu.vector_load %arg6[%get3A_181, %get3A_182] {strides = array<i32>} : memref<64x512xf32, #tpu.memory_space<vmem>>, vector<1x16xf32>,
        %get3A_184 = vector.shape_cast %get3A_183 : vector<1x16xf32> to vector<16xf32>
        %mul3A_185 = arith.mulf %get3A_68, %get3A_148 : vector<16xf32>
        %add3A_186 = arith.addf %get3A_184, %mul3A_185 : vector<16xf32>
        %swap3A_187 = arith.index_cast %scan3A_144 : i32 to index
        %swap3A_188 = arith.constant 176 : index
        %swap3A_189 = tpu.vector_load %arg7[%swap3A_187, %swap3A_188] {strides = array<i32>} : memref<64x512xf32, #tpu.memory_space<vmem>>, vector<1x16xf32>,
        %swap3A_190 = vector.shape_cast %swap3A_189 : vector<1x16xf32> to vector<16xf32>
        %swap3A_191 = vector.shape_cast %add3A_186 : vector<16xf32> to vector<1x16xf32>
        tpu.vector_store %arg7[%swap3A_187, %swap3A_188], %swap3A_191 {strides = array<i32>} : memref<64x512xf32, #tpu.memory_space<vmem>>, vector<1x16xf32>,
        %get3A_192 = arith.index_cast %scan3A_144 : i32 to index
        %get3A_193 = arith.constant 192 : index
        %get3A_194 = tpu.vector_load %arg6[%get3A_192, %get3A_193] {strides = array<i32>} : memref<64x512xf32, #tpu.memory_space<vmem>>, vector<1x16xf32>,
        %get3A_195 = vector.shape_cast %get3A_194 : vector<1x16xf32> to vector<16xf32>
        %mul3A_196 = arith.mulf %get3A_71, %get3A_148 : vector<16xf32>
        %add3A_197 = arith.addf %get3A_195, %mul3A_196 : vector<16xf32>
        %swap3A_198 = arith.index_cast %scan3A_144 : i32 to index
        %swap3A_199 = arith.constant 192 : index
        %swap3A_200 = tpu.vector_load %arg7[%swap3A_198, %swap3A_199] {strides = array<i32>} : memref<64x512xf32, #tpu.memory_space<vmem>>, vector<1x16xf32>,
        %swap3A_201 = vector.shape_cast %swap3A_200 : vector<1x16xf32> to vector<16xf32>
        %swap3A_202 = vector.shape_cast %add3A_197 : vector<16xf32> to vector<1x16xf32>
        tpu.vector_store %arg7[%swap3A_198, %swap3A_199], %swap3A_202 {strides = array<i32>} : memref<64x512xf32, #tpu.memory_space<vmem>>, vector<1x16xf32>,
        %get3A_203 = arith.index_cast %scan3A_144 : i32 to index
        %get3A_204 = arith.constant 208 : index
        %get3A_205 = tpu.vector_load %arg6[%get3A_203, %get3A_204] {strides = array<i32>} : memref<64x512xf32, #tpu.memory_space<vmem>>, vector<1x16xf32>,
        %get3A_206 = vector.shape_cast %get3A_205 : vector<1x16xf32> to vector<16xf32>
        %mul3A_207 = arith.mulf %get3A_74, %get3A_148 : vector<16xf32>
        %add3A_208 = arith.addf %get3A_206, %mul3A_207 : vector<16xf32>
        %swap3A_209 = arith.index_cast %scan3A_144 : i32 to index
        %swap3A_210 = arith.constant 208 : index
        %swap3A_211 = tpu.vector_load %arg7[%swap3A_209, %swap3A_210] {strides = array<i32>} : memref<64x512xf32, #tpu.memory_space<vmem>>, vector<1x16xf32>,
        %swap3A_212 = vector.shape_cast %swap3A_211 : vector<1x16xf32> to vector<16xf32>
        %swap3A_213 = vector.shape_cast %add3A_208 : vector<16xf32> to vector<1x16xf32>
        tpu.vector_store %arg7[%swap3A_209, %swap3A_210], %swap3A_213 {strides = array<i32>} : memref<64x512xf32, #tpu.memory_space<vmem>>, vector<1x16xf32>,
        %get3A_214 = arith.index_cast %scan3A_144 : i32 to index
        %get3A_215 = arith.constant 224 : index
        %get3A_216 = tpu.vector_load %arg6[%get3A_214, %get3A_215] {strides = array<i32>} : memref<64x512xf32, #tpu.memory_space<vmem>>, vector<1x16xf32>,
        %get3A_217 = vector.shape_cast %get3A_216 : vector<1x16xf32> to vector<16xf32>
        %mul3A_218 = arith.mulf %get3A_77, %get3A_148 : vector<16xf32>
        %add3A_219 = arith.addf %get3A_217, %mul3A_218 : vector<16xf32>
        %swap3A_220 = arith.index_cast %scan3A_144 : i32 to index
        %swap3A_221 = arith.constant 224 : index
        %swap3A_222 = tpu.vector_load %arg7[%swap3A_220, %swap3A_221] {strides = array<i32>} : memref<64x512xf32, #tpu.memory_space<vmem>>, vector<1x16xf32>,
        %swap3A_223 = vector.shape_cast %swap3A_222 : vector<1x16xf32> to vector<16xf32>
        %swap3A_224 = vector.shape_cast %add3A_219 : vector<16xf32> to vector<1x16xf32>
        tpu.vector_store %arg7[%swap3A_220, %swap3A_221], %swap3A_224 {strides = array<i32>} : memref<64x512xf32, #tpu.memory_space<vmem>>, vector<1x16xf32>,
        %get3A_225 = arith.index_cast %scan3A_144 : i32 to index
        %get3A_226 = arith.constant 240 : index
        %get3A_227 = tpu.vector_load %arg6[%get3A_225, %get3A_226] {strides = array<i32>} : memref<64x512xf32, #tpu.memory_space<vmem>>, vector<1x16xf32>,
        %get3A_228 = vector.shape_cast %get3A_227 : vector<1x16xf32> to vector<16xf32>
        %mul3A_229 = arith.mulf %get3A_80, %get3A_148 : vector<16xf32>
        %add3A_230 = arith.addf %get3A_228, %mul3A_229 : vector<16xf32>
        %swap3A_231 = arith.index_cast %scan3A_144 : i32 to index
        %swap3A_232 = arith.constant 240 : index
        %swap3A_233 = tpu.vector_load %arg7[%swap3A_231, %swap3A_232] {strides = array<i32>} : memref<64x512xf32, #tpu.memory_space<vmem>>, vector<1x16xf32>,
        %swap3A_234 = vector.shape_cast %swap3A_233 : vector<1x16xf32> to vector<16xf32>
        %swap3A_235 = vector.shape_cast %add3A_230 : vector<16xf32> to vector<1x16xf32>
        tpu.vector_store %arg7[%swap3A_231, %swap3A_232], %swap3A_235 {strides = array<i32>} : memref<64x512xf32, #tpu.memory_space<vmem>>, vector<1x16xf32>,
      }
      %scan3A_85 = arith.constant 64 : i32
      %get3A_86 = arith.constant 256 : index
      %get3A_87 = tpu.vector_load %arg9[%get3A_86] {strides = array<i32>} : memref<512xf32, #tpu.memory_space<vmem>>, vector<16xf32>,
      %get3A_88 = vector.shape_cast %get3A_87 : vector<16xf32> to vector<16xf32>
      %get3A_89 = arith.constant 272 : index
      %get3A_90 = tpu.vector_load %arg9[%get3A_89] {strides = array<i32>} : memref<512xf32, #tpu.memory_space<vmem>>, vector<16xf32>,
      %get3A_91 = vector.shape_cast %get3A_90 : vector<16xf32> to vector<16xf32>
      %get3A_92 = arith.constant 288 : index
      %get3A_93 = tpu.vector_load %arg9[%get3A_92] {strides = array<i32>} : memref<512xf32, #tpu.memory_space<vmem>>, vector<16xf32>,
      %get3A_94 = vector.shape_cast %get3A_93 : vector<16xf32> to vector<16xf32>
      %get3A_95 = arith.constant 304 : index
      %get3A_96 = tpu.vector_load %arg9[%get3A_95] {strides = array<i32>} : memref<512xf32, #tpu.memory_space<vmem>>, vector<16xf32>,
      %get3A_97 = vector.shape_cast %get3A_96 : vector<16xf32> to vector<16xf32>
      %get3A_98 = arith.constant 320 : index
      %get3A_99 = tpu.vector_load %arg9[%get3A_98] {strides = array<i32>} : memref<512xf32, #tpu.memory_space<vmem>>, vector<16xf32>,
      %get3A_100 = vector.shape_cast %get3A_99 : vector<16xf32> to vector<16xf32>
      %get3A_101 = arith.constant 336 : index
      %get3A_102 = tpu.vector_load %arg9[%get3A_101] {strides = array<i32>} : memref<512xf32, #tpu.memory_space<vmem>>, vector<16xf32>,
      %get3A_103 = vector.shape_cast %get3A_102 : vector<16xf32> to vector<16xf32>
      %get3A_104 = arith.constant 352 : index
      %get3A_105 = tpu.vector_load %arg9[%get3A_104] {strides = array<i32>} : memref<512xf32, #tpu.memory_space<vmem>>, vector<16xf32>,
      %get3A_106 = vector.shape_cast %get3A_105 : vector<16xf32> to vector<16xf32>
      %get3A_107 = arith.constant 368 : index
      %get3A_108 = tpu.vector_load %arg9[%get3A_107] {strides = array<i32>} : memref<512xf32, #tpu.memory_space<vmem>>, vector<16xf32>,
      %get3A_109 = vector.shape_cast %get3A_108 : vector<16xf32> to vector<16xf32>
      %scan3A_110 = arith.constant 0 : i32
      %scan3A_111 = arith.constant 64 : i32
      %scan3A_112 = arith.addi %scan3A_110, %scan3A_111 : i32
      %scan3A_113 = arith.constant 1 : i32
      scf.for %scan3A_144 = %scan3A_110 to %scan3A_112 step %scan3A_113  : i32 {
        %get3A_145 = arith.index_cast %scan3A_144 : i32 to index
        %get3A_146 = arith.constant 0 : index
        %get3A_147 = tpu.vector_load %arg10[%get3A_145, %get3A_146] {strides = array<i32>} : memref<64x16xf32, #tpu.memory_space<vmem>>, vector<1x16xf32>,
        %get3A_148 = vector.shape_cast %get3A_147 : vector<1x16xf32> to vector<16xf32>
        %get3A_149 = arith.index_cast %scan3A_144 : i32 to index
        %get3A_150 = arith.constant 256 : index
        %get3A_151 = tpu.vector_load %arg6[%get3A_149, %get3A_150] {strides = array<i32>} : memref<64x512xf32, #tpu.memory_space<vmem>>, vector<1x16xf32>,
        %get3A_152 = vector.shape_cast %get3A_151 : vector<1x16xf32> to vector<16xf32>
        %mul3A_153 = arith.mulf %get3A_88, %get3A_148 : vector<16xf32>
        %add3A_154 = arith.addf %get3A_152, %mul3A_153 : vector<16xf32>
        %swap3A = arith.index_cast %scan3A_144 : i32 to index
        %swap3A_155 = arith.constant 256 : index
        %swap3A_156 = tpu.vector_load %arg7[%swap3A, %swap3A_155] {strides = array<i32>} : memref<64x512xf32, #tpu.memory_space<vmem>>, vector<1x16xf32>,
        %swap3A_157 = vector.shape_cast %swap3A_156 : vector<1x16xf32> to vector<16xf32>
        %swap3A_158 = vector.shape_cast %add3A_154 : vector<16xf32> to vector<1x16xf32>
        tpu.vector_store %arg7[%swap3A, %swap3A_155], %swap3A_158 {strides = array<i32>} : memref<64x512xf32, #tpu.memory_space<vmem>>, vector<1x16xf32>,
        %get3A_159 = arith.index_cast %scan3A_144 : i32 to index
        %get3A_160 = arith.constant 272 : index
        %get3A_161 = tpu.vector_load %arg6[%get3A_159, %get3A_160] {strides = array<i32>} : memref<64x512xf32, #tpu.memory_space<vmem>>, vector<1x16xf32>,
        %get3A_162 = vector.shape_cast %get3A_161 : vector<1x16xf32> to vector<16xf32>
        %mul3A_163 = arith.mulf %get3A_91, %get3A_148 : vector<16xf32>
        %add3A_164 = arith.addf %get3A_162, %mul3A_163 : vector<16xf32>
        %swap3A_165 = arith.index_cast %scan3A_144 : i32 to index
        %swap3A_166 = arith.constant 272 : index
        %swap3A_167 = tpu.vector_load %arg7[%swap3A_165, %swap3A_166] {strides = array<i32>} : memref<64x512xf32, #tpu.memory_space<vmem>>, vector<1x16xf32>,
        %swap3A_168 = vector.shape_cast %swap3A_167 : vector<1x16xf32> to vector<16xf32>
        %swap3A_169 = vector.shape_cast %add3A_164 : vector<16xf32> to vector<1x16xf32>
        tpu.vector_store %arg7[%swap3A_165, %swap3A_166], %swap3A_169 {strides = array<i32>} : memref<64x512xf32, #tpu.memory_space<vmem>>, vector<1x16xf32>,
        %get3A_170 = arith.index_cast %scan3A_144 : i32 to index
        %get3A_171 = arith.constant 288 : index
        %get3A_172 = tpu.vector_load %arg6[%get3A_170, %get3A_171] {strides = array<i32>} : memref<64x512xf32, #tpu.memory_space<vmem>>, vector<1x16xf32>,
        %get3A_173 = vector.shape_cast %get3A_172 : vector<1x16xf32> to vector<16xf32>
        %mul3A_174 = arith.mulf %get3A_94, %get3A_148 : vector<16xf32>
        %add3A_175 = arith.addf %get3A_173, %mul3A_174 : vector<16xf32>
        %swap3A_176 = arith.index_cast %scan3A_144 : i32 to index
        %swap3A_177 = arith.constant 288 : index
        %swap3A_178 = tpu.vector_load %arg7[%swap3A_176, %swap3A_177] {strides = array<i32>} : memref<64x512xf32, #tpu.memory_space<vmem>>, vector<1x16xf32>,
        %swap3A_179 = vector.shape_cast %swap3A_178 : vector<1x16xf32> to vector<16xf32>
        %swap3A_180 = vector.shape_cast %add3A_175 : vector<16xf32> to vector<1x16xf32>
        tpu.vector_store %arg7[%swap3A_176, %swap3A_177], %swap3A_180 {strides = array<i32>} : memref<64x512xf32, #tpu.memory_space<vmem>>, vector<1x16xf32>,
        %get3A_181 = arith.index_cast %scan3A_144 : i32 to index
        %get3A_182 = arith.constant 304 : index
        %get3A_183 = tpu.vector_load %arg6[%get3A_181, %get3A_182] {strides = array<i32>} : memref<64x512xf32, #tpu.memory_space<vmem>>, vector<1x16xf32>,
        %get3A_184 = vector.shape_cast %get3A_183 : vector<1x16xf32> to vector<16xf32>
        %mul3A_185 = arith.mulf %get3A_97, %get3A_148 : vector<16xf32>
        %add3A_186 = arith.addf %get3A_184, %mul3A_185 : vector<16xf32>
        %swap3A_187 = arith.index_cast %scan3A_144 : i32 to index
        %swap3A_188 = arith.constant 304 : index
        %swap3A_189 = tpu.vector_load %arg7[%swap3A_187, %swap3A_188] {strides = array<i32>} : memref<64x512xf32, #tpu.memory_space<vmem>>, vector<1x16xf32>,
        %swap3A_190 = vector.shape_cast %swap3A_189 : vector<1x16xf32> to vector<16xf32>
        %swap3A_191 = vector.shape_cast %add3A_186 : vector<16xf32> to vector<1x16xf32>
        tpu.vector_store %arg7[%swap3A_187, %swap3A_188], %swap3A_191 {strides = array<i32>} : memref<64x512xf32, #tpu.memory_space<vmem>>, vector<1x16xf32>,
        %get3A_192 = arith.index_cast %scan3A_144 : i32 to index
        %get3A_193 = arith.constant 320 : index
        %get3A_194 = tpu.vector_load %arg6[%get3A_192, %get3A_193] {strides = array<i32>} : memref<64x512xf32, #tpu.memory_space<vmem>>, vector<1x16xf32>,
        %get3A_195 = vector.shape_cast %get3A_194 : vector<1x16xf32> to vector<16xf32>
        %mul3A_196 = arith.mulf %get3A_100, %get3A_148 : vector<16xf32>
        %add3A_197 = arith.addf %get3A_195, %mul3A_196 : vector<16xf32>
        %swap3A_198 = arith.index_cast %scan3A_144 : i32 to index
        %swap3A_199 = arith.constant 320 : index
        %swap3A_200 = tpu.vector_load %arg7[%swap3A_198, %swap3A_199] {strides = array<i32>} : memref<64x512xf32, #tpu.memory_space<vmem>>, vector<1x16xf32>,
        %swap3A_201 = vector.shape_cast %swap3A_200 : vector<1x16xf32> to vector<16xf32>
        %swap3A_202 = vector.shape_cast %add3A_197 : vector<16xf32> to vector<1x16xf32>
        tpu.vector_store %arg7[%swap3A_198, %swap3A_199], %swap3A_202 {strides = array<i32>} : memref<64x512xf32, #tpu.memory_space<vmem>>, vector<1x16xf32>,
        %get3A_203 = arith.index_cast %scan3A_144 : i32 to index
        %get3A_204 = arith.constant 336 : index
        %get3A_205 = tpu.vector_load %arg6[%get3A_203, %get3A_204] {strides = array<i32>} : memref<64x512xf32, #tpu.memory_space<vmem>>, vector<1x16xf32>,
        %get3A_206 = vector.shape_cast %get3A_205 : vector<1x16xf32> to vector<16xf32>
        %mul3A_207 = arith.mulf %get3A_103, %get3A_148 : vector<16xf32>
        %add3A_208 = arith.addf %get3A_206, %mul3A_207 : vector<16xf32>
        %swap3A_209 = arith.index_cast %scan3A_144 : i32 to index
        %swap3A_210 = arith.constant 336 : index
        %swap3A_211 = tpu.vector_load %arg7[%swap3A_209, %swap3A_210] {strides = array<i32>} : memref<64x512xf32, #tpu.memory_space<vmem>>, vector<1x16xf32>,
        %swap3A_212 = vector.shape_cast %swap3A_211 : vector<1x16xf32> to vector<16xf32>
        %swap3A_213 = vector.shape_cast %add3A_208 : vector<16xf32> to vector<1x16xf32>
        tpu.vector_store %arg7[%swap3A_209, %swap3A_210], %swap3A_213 {strides = array<i32>} : memref<64x512xf32, #tpu.memory_space<vmem>>, vector<1x16xf32>,
        %get3A_214 = arith.index_cast %scan3A_144 : i32 to index
        %get3A_215 = arith.constant 352 : index
        %get3A_216 = tpu.vector_load %arg6[%get3A_214, %get3A_215] {strides = array<i32>} : memref<64x512xf32, #tpu.memory_space<vmem>>, vector<1x16xf32>,
        %get3A_217 = vector.shape_cast %get3A_216 : vector<1x16xf32> to vector<16xf32>
        %mul3A_218 = arith.mulf %get3A_106, %get3A_148 : vector<16xf32>
        %add3A_219 = arith.addf %get3A_217, %mul3A_218 : vector<16xf32>
        %swap3A_220 = arith.index_cast %scan3A_144 : i32 to index
        %swap3A_221 = arith.constant 352 : index
        %swap3A_222 = tpu.vector_load %arg7[%swap3A_220, %swap3A_221] {strides = array<i32>} : memref<64x512xf32, #tpu.memory_space<vmem>>, vector<1x16xf32>,
        %swap3A_223 = vector.shape_cast %swap3A_222 : vector<1x16xf32> to vector<16xf32>
        %swap3A_224 = vector.shape_cast %add3A_219 : vector<16xf32> to vector<1x16xf32>
        tpu.vector_store %arg7[%swap3A_220, %swap3A_221], %swap3A_224 {strides = array<i32>} : memref<64x512xf32, #tpu.memory_space<vmem>>, vector<1x16xf32>,
        %get3A_225 = arith.index_cast %scan3A_144 : i32 to index
        %get3A_226 = arith.constant 368 : index
        %get3A_227 = tpu.vector_load %arg6[%get3A_225, %get3A_226] {strides = array<i32>} : memref<64x512xf32, #tpu.memory_space<vmem>>, vector<1x16xf32>,
        %get3A_228 = vector.shape_cast %get3A_227 : vector<1x16xf32> to vector<16xf32>
        %mul3A_229 = arith.mulf %get3A_109, %get3A_148 : vector<16xf32>
        %add3A_230 = arith.addf %get3A_228, %mul3A_229 : vector<16xf32>
        %swap3A_231 = arith.index_cast %scan3A_144 : i32 to index
        %swap3A_232 = arith.constant 368 : index
        %swap3A_233 = tpu.vector_load %arg7[%swap3A_231, %swap3A_232] {strides = array<i32>} : memref<64x512xf32, #tpu.memory_space<vmem>>, vector<1x16xf32>,
        %swap3A_234 = vector.shape_cast %swap3A_233 : vector<1x16xf32> to vector<16xf32>
        %swap3A_235 = vector.shape_cast %add3A_230 : vector<16xf32> to vector<1x16xf32>
        tpu.vector_store %arg7[%swap3A_231, %swap3A_232], %swap3A_235 {strides = array<i32>} : memref<64x512xf32, #tpu.memory_space<vmem>>, vector<1x16xf32>,
      }
      %scan3A_114 = arith.constant 64 : i32
      %get3A_115 = arith.constant 384 : index
      %get3A_116 = tpu.vector_load %arg9[%get3A_115] {strides = array<i32>} : memref<512xf32, #tpu.memory_space<vmem>>, vector<16xf32>,
      %get3A_117 = vector.shape_cast %get3A_116 : vector<16xf32> to vector<16xf32>
      %get3A_118 = arith.constant 400 : index
      %get3A_119 = tpu.vector_load %arg9[%get3A_118] {strides = array<i32>} : memref<512xf32, #tpu.memory_space<vmem>>, vector<16xf32>,
      %get3A_120 = vector.shape_cast %get3A_119 : vector<16xf32> to vector<16xf32>
      %get3A_121 = arith.constant 416 : index
      %get3A_122 = tpu.vector_load %arg9[%get3A_121] {strides = array<i32>} : memref<512xf32, #tpu.memory_space<vmem>>, vector<16xf32>,
      %get3A_123 = vector.shape_cast %get3A_122 : vector<16xf32> to vector<16xf32>
      %get3A_124 = arith.constant 432 : index
      %get3A_125 = tpu.vector_load %arg9[%get3A_124] {strides = array<i32>} : memref<512xf32, #tpu.memory_space<vmem>>, vector<16xf32>,
      %get3A_126 = vector.shape_cast %get3A_125 : vector<16xf32> to vector<16xf32>
      %get3A_127 = arith.constant 448 : index
      %get3A_128 = tpu.vector_load %arg9[%get3A_127] {strides = array<i32>} : memref<512xf32, #tpu.memory_space<vmem>>, vector<16xf32>,
      %get3A_129 = vector.shape_cast %get3A_128 : vector<16xf32> to vector<16xf32>
      %get3A_130 = arith.constant 464 : index
      %get3A_131 = tpu.vector_load %arg9[%get3A_130] {strides = array<i32>} : memref<512xf32, #tpu.memory_space<vmem>>, vector<16xf32>,
      %get3A_132 = vector.shape_cast %get3A_131 : vector<16xf32> to vector<16xf32>
      %get3A_133 = arith.constant 480 : index
      %get3A_134 = tpu.vector_load %arg9[%get3A_133] {strides = array<i32>} : memref<512xf32, #tpu.memory_space<vmem>>, vector<16xf32>,
      %get3A_135 = vector.shape_cast %get3A_134 : vector<16xf32> to vector<16xf32>
      %get3A_136 = arith.constant 496 : index
      %get3A_137 = tpu.vector_load %arg9[%get3A_136] {strides = array<i32>} : memref<512xf32, #tpu.memory_space<vmem>>, vector<16xf32>,
      %get3A_138 = vector.shape_cast %get3A_137 : vector<16xf32> to vector<16xf32>
      %scan3A_139 = arith.constant 0 : i32
      %scan3A_140 = arith.constant 64 : i32
      %scan3A_141 = arith.addi %scan3A_139, %scan3A_140 : i32
      %scan3A_142 = arith.constant 1 : i32
      scf.for %scan3A_144 = %scan3A_139 to %scan3A_141 step %scan3A_142  : i32 {
        %get3A_145 = arith.index_cast %scan3A_144 : i32 to index
        %get3A_146 = arith.constant 0 : index
        %get3A_147 = tpu.vector_load %arg10[%get3A_145, %get3A_146] {strides = array<i32>} : memref<64x16xf32, #tpu.memory_space<vmem>>, vector<1x16xf32>,
        %get3A_148 = vector.shape_cast %get3A_147 : vector<1x16xf32> to vector<16xf32>
        %get3A_149 = arith.index_cast %scan3A_144 : i32 to index
        %get3A_150 = arith.constant 384 : index
        %get3A_151 = tpu.vector_load %arg6[%get3A_149, %get3A_150] {strides = array<i32>} : memref<64x512xf32, #tpu.memory_space<vmem>>, vector<1x16xf32>,
        %get3A_152 = vector.shape_cast %get3A_151 : vector<1x16xf32> to vector<16xf32>
        %mul3A_153 = arith.mulf %get3A_117, %get3A_148 : vector<16xf32>
        %add3A_154 = arith.addf %get3A_152, %mul3A_153 : vector<16xf32>
        %swap3A = arith.index_cast %scan3A_144 : i32 to index
        %swap3A_155 = arith.constant 384 : index
        %swap3A_156 = tpu.vector_load %arg7[%swap3A, %swap3A_155] {strides = array<i32>} : memref<64x512xf32, #tpu.memory_space<vmem>>, vector<1x16xf32>,
        %swap3A_157 = vector.shape_cast %swap3A_156 : vector<1x16xf32> to vector<16xf32>
        %swap3A_158 = vector.shape_cast %add3A_154 : vector<16xf32> to vector<1x16xf32>
        tpu.vector_store %arg7[%swap3A, %swap3A_155], %swap3A_158 {strides = array<i32>} : memref<64x512xf32, #tpu.memory_space<vmem>>, vector<1x16xf32>,
        %get3A_159 = arith.index_cast %scan3A_144 : i32 to index
        %get3A_160 = arith.constant 400 : index
        %get3A_161 = tpu.vector_load %arg6[%get3A_159, %get3A_160] {strides = array<i32>} : memref<64x512xf32, #tpu.memory_space<vmem>>, vector<1x16xf32>,
        %get3A_162 = vector.shape_cast %get3A_161 : vector<1x16xf32> to vector<16xf32>
        %mul3A_163 = arith.mulf %get3A_120, %get3A_148 : vector<16xf32>
        %add3A_164 = arith.addf %get3A_162, %mul3A_163 : vector<16xf32>
        %swap3A_165 = arith.index_cast %scan3A_144 : i32 to index
        %swap3A_166 = arith.constant 400 : index
        %swap3A_167 = tpu.vector_load %arg7[%swap3A_165, %swap3A_166] {strides = array<i32>} : memref<64x512xf32, #tpu.memory_space<vmem>>, vector<1x16xf32>,
        %swap3A_168 = vector.shape_cast %swap3A_167 : vector<1x16xf32> to vector<16xf32>
        %swap3A_169 = vector.shape_cast %add3A_164 : vector<16xf32> to vector<1x16xf32>
        tpu.vector_store %arg7[%swap3A_165, %swap3A_166], %swap3A_169 {strides = array<i32>} : memref<64x512xf32, #tpu.memory_space<vmem>>, vector<1x16xf32>,
        %get3A_170 = arith.index_cast %scan3A_144 : i32 to index
        %get3A_171 = arith.constant 416 : index
        %get3A_172 = tpu.vector_load %arg6[%get3A_170, %get3A_171] {strides = array<i32>} : memref<64x512xf32, #tpu.memory_space<vmem>>, vector<1x16xf32>,
        %get3A_173 = vector.shape_cast %get3A_172 : vector<1x16xf32> to vector<16xf32>
        %mul3A_174 = arith.mulf %get3A_123, %get3A_148 : vector<16xf32>
        %add3A_175 = arith.addf %get3A_173, %mul3A_174 : vector<16xf32>
        %swap3A_176 = arith.index_cast %scan3A_144 : i32 to index
        %swap3A_177 = arith.constant 416 : index
        %swap3A_178 = tpu.vector_load %arg7[%swap3A_176, %swap3A_177] {strides = array<i32>} : memref<64x512xf32, #tpu.memory_space<vmem>>, vector<1x16xf32>,
        %swap3A_179 = vector.shape_cast %swap3A_178 : vector<1x16xf32> to vector<16xf32>
        %swap3A_180 = vector.shape_cast %add3A_175 : vector<16xf32> to vector<1x16xf32>
        tpu.vector_store %arg7[%swap3A_176, %swap3A_177], %swap3A_180 {strides = array<i32>} : memref<64x512xf32, #tpu.memory_space<vmem>>, vector<1x16xf32>,
        %get3A_181 = arith.index_cast %scan3A_144 : i32 to index
        %get3A_182 = arith.constant 432 : index
        %get3A_183 = tpu.vector_load %arg6[%get3A_181, %get3A_182] {strides = array<i32>} : memref<64x512xf32, #tpu.memory_space<vmem>>, vector<1x16xf32>,
        %get3A_184 = vector.shape_cast %get3A_183 : vector<1x16xf32> to vector<16xf32>
        %mul3A_185 = arith.mulf %get3A_126, %get3A_148 : vector<16xf32>
        %add3A_186 = arith.addf %get3A_184, %mul3A_185 : vector<16xf32>
        %swap3A_187 = arith.index_cast %scan3A_144 : i32 to index
        %swap3A_188 = arith.constant 432 : index
        %swap3A_189 = tpu.vector_load %arg7[%swap3A_187, %swap3A_188] {strides = array<i32>} : memref<64x512xf32, #tpu.memory_space<vmem>>, vector<1x16xf32>,
        %swap3A_190 = vector.shape_cast %swap3A_189 : vector<1x16xf32> to vector<16xf32>
        %swap3A_191 = vector.shape_cast %add3A_186 : vector<16xf32> to vector<1x16xf32>
        tpu.vector_store %arg7[%swap3A_187, %swap3A_188], %swap3A_191 {strides = array<i32>} : memref<64x512xf32, #tpu.memory_space<vmem>>, vector<1x16xf32>,
        %get3A_192 = arith.index_cast %scan3A_144 : i32 to index
        %get3A_193 = arith.constant 448 : index
        %get3A_194 = tpu.vector_load %arg6[%get3A_192, %get3A_193] {strides = array<i32>} : memref<64x512xf32, #tpu.memory_space<vmem>>, vector<1x16xf32>,
        %get3A_195 = vector.shape_cast %get3A_194 : vector<1x16xf32> to vector<16xf32>
        %mul3A_196 = arith.mulf %get3A_129, %get3A_148 : vector<16xf32>
        %add3A_197 = arith.addf %get3A_195, %mul3A_196 : vector<16xf32>
        %swap3A_198 = arith.index_cast %scan3A_144 : i32 to index
        %swap3A_199 = arith.constant 448 : index
        %swap3A_200 = tpu.vector_load %arg7[%swap3A_198, %swap3A_199] {strides = array<i32>} : memref<64x512xf32, #tpu.memory_space<vmem>>, vector<1x16xf32>,
        %swap3A_201 = vector.shape_cast %swap3A_200 : vector<1x16xf32> to vector<16xf32>
        %swap3A_202 = vector.shape_cast %add3A_197 : vector<16xf32> to vector<1x16xf32>
        tpu.vector_store %arg7[%swap3A_198, %swap3A_199], %swap3A_202 {strides = array<i32>} : memref<64x512xf32, #tpu.memory_space<vmem>>, vector<1x16xf32>,
        %get3A_203 = arith.index_cast %scan3A_144 : i32 to index
        %get3A_204 = arith.constant 464 : index
        %get3A_205 = tpu.vector_load %arg6[%get3A_203, %get3A_204] {strides = array<i32>} : memref<64x512xf32, #tpu.memory_space<vmem>>, vector<1x16xf32>,
        %get3A_206 = vector.shape_cast %get3A_205 : vector<1x16xf32> to vector<16xf32>
        %mul3A_207 = arith.mulf %get3A_132, %get3A_148 : vector<16xf32>
        %add3A_208 = arith.addf %get3A_206, %mul3A_207 : vector<16xf32>
        %swap3A_209 = arith.index_cast %scan3A_144 : i32 to index
        %swap3A_210 = arith.constant 464 : index
        %swap3A_211 = tpu.vector_load %arg7[%swap3A_209, %swap3A_210] {strides = array<i32>} : memref<64x512xf32, #tpu.memory_space<vmem>>, vector<1x16xf32>,
        %swap3A_212 = vector.shape_cast %swap3A_211 : vector<1x16xf32> to vector<16xf32>
        %swap3A_213 = vector.shape_cast %add3A_208 : vector<16xf32> to vector<1x16xf32>
        tpu.vector_store %arg7[%swap3A_209, %swap3A_210], %swap3A_213 {strides = array<i32>} : memref<64x512xf32, #tpu.memory_space<vmem>>, vector<1x16xf32>,
        %get3A_214 = arith.index_cast %scan3A_144 : i32 to index
        %get3A_215 = arith.constant 480 : index
        %get3A_216 = tpu.vector_load %arg6[%get3A_214, %get3A_215] {strides = array<i32>} : memref<64x512xf32, #tpu.memory_space<vmem>>, vector<1x16xf32>,
        %get3A_217 = vector.shape_cast %get3A_216 : vector<1x16xf32> to vector<16xf32>
        %mul3A_218 = arith.mulf %get3A_135, %get3A_148 : vector<16xf32>
        %add3A_219 = arith.addf %get3A_217, %mul3A_218 : vector<16xf32>
        %swap3A_220 = arith.index_cast %scan3A_144 : i32 to index
        %swap3A_221 = arith.constant 480 : index
        %swap3A_222 = tpu.vector_load %arg7[%swap3A_220, %swap3A_221] {strides = array<i32>} : memref<64x512xf32, #tpu.memory_space<vmem>>, vector<1x16xf32>,
        %swap3A_223 = vector.shape_cast %swap3A_222 : vector<1x16xf32> to vector<16xf32>
        %swap3A_224 = vector.shape_cast %add3A_219 : vector<16xf32> to vector<1x16xf32>
        tpu.vector_store %arg7[%swap3A_220, %swap3A_221], %swap3A_224 {strides = array<i32>} : memref<64x512xf32, #tpu.memory_space<vmem>>, vector<1x16xf32>,
        %get3A_225 = arith.index_cast %scan3A_144 : i32 to index
        %get3A_226 = arith.constant 496 : index
        %get3A_227 = tpu.vector_load %arg6[%get3A_225, %get3A_226] {strides = array<i32>} : memref<64x512xf32, #tpu.memory_space<vmem>>, vector<1x16xf32>,
        %get3A_228 = vector.shape_cast %get3A_227 : vector<1x16xf32> to vector<16xf32>
        %mul3A_229 = arith.mulf %get3A_138, %get3A_148 : vector<16xf32>
        %add3A_230 = arith.addf %get3A_228, %mul3A_229 : vector<16xf32>
        %swap3A_231 = arith.index_cast %scan3A_144 : i32 to index
        %swap3A_232 = arith.constant 496 : index
        %swap3A_233 = tpu.vector_load %arg7[%swap3A_231, %swap3A_232] {strides = array<i32>} : memref<64x512xf32, #tpu.memory_space<vmem>>, vector<1x16xf32>,
        %swap3A_234 = vector.shape_cast %swap3A_233 : vector<1x16xf32> to vector<16xf32>
        %swap3A_235 = vector.shape_cast %add3A_230 : vector<16xf32> to vector<1x16xf32>
        tpu.vector_store %arg7[%swap3A_231, %swap3A_232], %swap3A_235 {strides = array<i32>} : memref<64x512xf32, #tpu.memory_space<vmem>>, vector<1x16xf32>,
      }
      %scan3A_143 = arith.constant 64 : i32
      "tpu.region"() ({
        %run_scoped3A = tpu.sem_alloc : memref<!tpu.dma_semaphore, #tpu.memory_space<semaphore_mem>>
        %dma_start3A = arith.constant 0 : i32
        %dma_start3A_144 = arith.constant 1536 : i32
        %dma_start3A_145 = tpu.memref_slice %arg5[%add3A_23, %dma_start3A, %dma_start3A_144] : memref<1024x64x2048xf32, #tpu.memory_space<hbm>> -> memref<1x64x512xf32, #tpu.memory_space<hbm>>
        %dma_start3A_146 = tpu.memref_squeeze %dma_start3A_145 : memref<1x64x512xf32, #tpu.memory_space<hbm>> -> memref<64x512xf32, #tpu.memory_space<hbm>>
        %dma_start3A_147 = arith.constant 0 : i32
        %dma_start3A_148 = arith.constant 1536 : i32
        %dma_start3A_149 = tpu.memref_slice %arg5[%add3A_23, %dma_start3A_147, %dma_start3A_148] : memref<1024x64x2048xf32, #tpu.memory_space<hbm>> -> memref<1x64x512xf32, #tpu.memory_space<hbm>>
        %dma_start3A_150 = tpu.memref_squeeze %dma_start3A_149 : memref<1x64x512xf32, #tpu.memory_space<hbm>> -> memref<64x512xf32, #tpu.memory_space<hbm>>
        tpu.enqueue_dma source(%arg7 : memref<64x512xf32, #tpu.memory_space<vmem>>) target(%dma_start3A_150 : memref<64x512xf32, #tpu.memory_space<hbm>>) target_semaphore(%run_scoped3A : memref<!tpu.dma_semaphore, #tpu.memory_space<semaphore_mem>>)
        %dma_wait3A = arith.constant 0 : i32
        %dma_wait3A_151 = arith.constant 1536 : i32
        %dma_wait3A_152 = tpu.memref_slice %arg5[%add3A_23, %dma_wait3A, %dma_wait3A_151] : memref<1024x64x2048xf32, #tpu.memory_space<hbm>> -> memref<1x64x512xf32, #tpu.memory_space<hbm>>
        %dma_wait3A_153 = tpu.memref_squeeze %dma_wait3A_152 : memref<1x64x512xf32, #tpu.memory_space<hbm>> -> memref<64x512xf32, #tpu.memory_space<hbm>>
        %dma_wait3A_154 = arith.constant 0 : i32
        %dma_wait3A_155 = arith.constant 1536 : i32
        %dma_wait3A_156 = tpu.memref_slice %arg5[%add3A_23, %dma_wait3A_154, %dma_wait3A_155] : memref<1024x64x2048xf32, #tpu.memory_space<hbm>> -> memref<1x64x512xf32, #tpu.memory_space<hbm>>
        %dma_wait3A_157 = tpu.memref_squeeze %dma_wait3A_156 : memref<1x64x512xf32, #tpu.memory_space<hbm>> -> memref<64x512xf32, #tpu.memory_space<hbm>>
        tpu.wait_dma2 semaphore(%run_scoped3A : memref<!tpu.dma_semaphore, #tpu.memory_space<semaphore_mem>>) src(%arg7 : memref<64x512xf32, #tpu.memory_space<vmem>>) dst(%dma_wait3A_157 : memref<64x512xf32, #tpu.memory_space<hbm>>)
        tpu.yield
      }) : () -> ()
    }
    %scan3A_21 = arith.constant 32 : i32
    return
  }
}

</mosaic_0001>

<sc_bundles>
// kernel: kernel.3.cloned.1.call-start
scs
__scs_entry_jumppad:
0x0: {  	(pc) =	sbr.rel $0x88, $3  }
0x1: {  	(tag) =	ssettag $0x0;
	lr =	simm.s32 $0x1  }
0x2: {  	[smem:$0x3F9D] =	sst lr;
	_ =	strace $0xD0000000  }
0x3: {  	_ = 	snop  }
0x4: {  	_ = 	snop  }
0x5: {  	_ = 	snop  }
0x6: {  	_ = 	snop  }
0x7: {  	_ = 	snop  }
__scs_overlays_trampoline_lowered:
0x8: {  	[smem:$0x3FAC] =	sst s0  }
0x9: {  	[smem:$0x3FAD] =	sst s1  }
0xa: {  	[smem:$0x3FAE] =	sst s2  }
0xb: {  	[smem:$0x3FAF] =	sst s3  }
0xc: {  	[smem:$0x3FB0] =	sst s4  }
0xd: {  	[smem:$0x3FB1] =	sst s5  }
0xe: {  	[smem:$0x3FB2] =	sst s6  }
0xf: {  	[smem:$0x3FB3] =	sst s7  }
0x10: {  	[smem:$0x3FB4] =	sst s8  }
0x11: {  	[smem:$0x3FB5] =	sst s9;
	s0 =	simm.s32 @!p0 $0x0  }
0x12: {  	s1 =	sld [smem:$0x3F9B];
	s0 =	simm.s32 @p0 $0x1  }
0x13: {  	[smem:$0x3FB6] =	sst s0;
	s0 =	simm.s32 @!p1 $0x0  }
0x14: {  	s2 =	sld [smem:$0x3F9A];
	s0 =	simm.s32 @p1 $0x1  }
0x15: {  	[smem:$0x3FB7] =	sst s0;
	s0 =	simm.s32 @!p2 $0x0  }
0x16: {  	s3 =	sld [smem:$0x3FDB];
	s0 =	simm.s32 @p2 $0x1  }
0x17: {  	s4 =	simm.s32 $0x1BF5;
	[smem:$0x3FB9] =	sst s0  }
0x18: {  	s0 =	sld [smem:$0x3F9C];
	_ =	swait.ge [sflag:s4], $0x0  }
0x19: {  	s7 =	sld [smem:$0x3F9D]  }
0x1a: {  	s8 =	sadd.s32 $0xFFFFE003, lr  }
0x1b: {  	s9 =	sadd.s32 $0xFFFFFEF7, lr;
	s5 =	simm.s32 $0xFFFFFFFF;
	p2 =	slt.u32 s8, $0xFFFFF086  }
0x1c: {  	p1 =	slt.u32 s9, $0xF7A;
	s5 =	simm.s32 @!p2 $0x0  }
0x1d: {  	s5 =	simm.s32 @p1 $0x1;
	p0 =	seq.s32 s7, s2  }
0x1e: {  	s7 =	smul.u32 @!p0 $0xF7A, s2;
	p2 =	seq.s32 @!p0 s5, $0x0  }
0x1f: {  	s9 =	smul.u32 $0xF7A, s1;
	s8 =	simm.s32 @!p0 $0x1BF5;
	p2 =	por !p2, p0  }
0x20: {  	[sflag:s8] =	ssyncset.s32 @!p0 $0xFFFFF086;
	s6 =	sadd.s32 @!p0 s3, s7;
	s7 =	simm.s32 @!p0 $0x108  }
0x21: {  	s3 =	sadd.s32 s3, s9;
	s6 =	sadd.s32 @!p0 $0x88, s6;
	s7 =	simm.s32 @p2 $0x1082  }
0x22: {  	[simem:s7], [sflag:s8] =	dma.local @!p0 [hbm:s6], $0xF7A  }
0x23: {  	s9 =	sor.u32 $0xD0000000, s2;
	s6 =	simm.s32 $0x108;
	_ =	swait.ge @!p0 [sflag:s8], $0x0  }
0x24: {  	s3 =	sadd.s32 $0x88, s3;
	s6 =	simm.s32 @!p1 $0x1082;
	[sflag:s4] =	ssyncset.s32 $0xFFFFF086  }
0x25: {  	[simem:s6], [sflag:s4] =	dma.local [hbm:s3], $0xF7A  }
0x26: {  	[smem:$0x3F9D] =	sst s1;
	(tag) =	ssettag s2;
	_ =	strace s9  }
0x27: {  	s1 =	sld [smem:$0x3FAD]  }
0x28: {  	s2 =	sld [smem:$0x3FAE]  }
0x29: {  	s4 =	sld [smem:$0x3FB0]  }
0x2a: {  	p0 =	seq.s32 s5, $0x0;
	s5 =	sld [smem:$0x3FB1]  }
0x2b: {  	s6 =	sld [smem:$0x3FB2]  }
0x2c: {  	s7 =	sld [smem:$0x3FB3]  }
0x2d: {  	s3 =	simm.s32 $0x108;
	s8 =	sld [smem:$0x3FB4]  }
0x2e: {  	s3 =	simm.s32 @!p0 $0x1082;
	s9 =	sld [smem:$0x3FB5]  }
0x2f: {  	lr =	sadd.s32 s0, s3;
	s0 =	sld [smem:$0x3FAC]  }
0x30: {  	s3 =	sld [smem:$0x3FAF]  }
0x31: {  	[smem:$0x3FB8] =	sst s10  }
0x32: {  	s10 =	sld [smem:$0x3FB6];
	_ =	sdelay $0x3  }
0x33: {  	p0 =	seq.s32 s10, $0x1;
	s10 =	sld [smem:$0x3FB8];
	_ =	sdelay $0x3  }
0x34: {  	[smem:$0x3FB8] =	sst s10  }
0x35: {  	s10 =	sld [smem:$0x3FB7];
	_ =	sdelay $0x3  }
0x36: {  	p1 =	seq.s32 s10, $0x1;
	s10 =	sld [smem:$0x3FB8];
	_ =	sdelay $0x3  }
0x37: {  	[smem:$0x3FB8] =	sst s10  }
0x38: {  	s10 =	sld [smem:$0x3FB9]  }
0x39: {  	_ = 	snop;
	(pc) =	sbr.ind lr, $3  }
0x3a: {  	_ = 	snop  }
0x3b: {  	_ = 	snop  }
0x3c: {  	p2 =	seq.s32 s10, $0x1;
	s10 =	sld [smem:$0x3FB8]  }
0x3d: {  	_ =	shalt  }
0x3e: {  	_ =	shalt  }
0x3f: {  	_ =	shalt  }
0x40: {  	_ =	shalt  }
0x41: {  	_ =	shalt  }
0x42: {  	_ =	shalt  }
0x43: {  	_ =	shalt  }
0x44: {  	_ =	shalt  }
0x45: {  	_ =	shalt  }
0x46: {  	_ =	shalt  }
0x47: {  	_ =	shalt  }
0x48: {  	_ =	shalt  }
0x49: {  	_ =	shalt  }
0x4a: {  	_ =	shalt  }
0x4b: {  	_ =	shalt  }
0x4c: {  	_ =	shalt  }
0x4d: {  	_ =	shalt  }
0x4e: {  	_ =	shalt  }
0x4f: {  	_ =	shalt  }
0x50: {  	_ =	shalt  }
0x51: {  	_ =	shalt  }
0x52: {  	_ =	shalt  }
0x53: {  	_ =	shalt  }
0x54: {  	_ =	shalt  }
0x55: {  	_ =	shalt  }
0x56: {  	_ =	shalt  }
0x57: {  	_ =	shalt  }
0x58: {  	_ =	shalt  }
0x59: {  	_ =	shalt  }
0x5a: {  	_ =	shalt  }
0x5b: {  	_ =	shalt  }
0x5c: {  	_ =	shalt  }
0x5d: {  	_ =	shalt  }
0x5e: {  	_ =	shalt  }
0x5f: {  	_ =	shalt  }
0x60: {  	_ =	shalt  }
0x61: {  	_ =	shalt  }
0x62: {  	_ =	shalt  }
0x63: {  	_ =	shalt  }
0x64: {  	_ =	shalt  }
0x65: {  	_ =	shalt  }
0x66: {  	_ =	shalt  }
0x67: {  	_ =	shalt  }
0x68: {  	_ =	shalt  }
0x69: {  	_ =	shalt  }
0x6a: {  	_ =	shalt  }
0x6b: {  	_ =	shalt  }
0x6c: {  	_ =	shalt  }
0x6d: {  	_ =	shalt  }
0x6e: {  	_ =	shalt  }
0x6f: {  	_ =	shalt  }
0x70: {  	_ =	shalt  }
0x71: {  	_ =	shalt  }
0x72: {  	_ =	shalt  }
0x73: {  	_ =	shalt  }
0x74: {  	_ =	shalt  }
0x75: {  	_ =	shalt  }
0x76: {  	_ =	shalt  }
0x77: {  	_ =	shalt  }
0x78: {  	_ =	shalt  }
0x79: {  	_ =	shalt  }
0x7a: {  	_ =	shalt  }
0x7b: {  	_ =	shalt  }
0x7c: {  	_ =	shalt  }
0x7d: {  	_ =	shalt  }
0x7e: {  	_ =	shalt  }
0x7f: {  	_ =	shalt  }
0x80: {  	_ =	shalt  }
0x81: {  	_ =	shalt  }
0x82: {  	_ =	shalt  }
0x83: {  	_ =	shalt  }
0x84: {  	_ =	shalt  }
0x85: {  	_ =	shalt  }
0x86: {  	_ =	shalt  }
0x87: {  	_ =	shalt  }
.Lfunc_end0:
.L_simem_size_0:
called_computation_lowered:
.L_overlay_start_0:
0x88: {  	s2 =	sld [smem:$0x3FD9]  }
0x89: {  	s3 =	sld [smem:$0x3FFE];
	_ =	sdelay $0x1  }
0x8a: {  	s1 =	srdreg.scid  }
0x8b: {  	s0 =	sand.u32 $0x1, s1  }
0x8c: {  	s17 =	sshll.u32 s0, $0xA;
	s2 =	sadd.s32 s3, s2  }
0x8d: {  	s2 =	sadd.s32 s2, s17  }
0x8e: {  	[smem:$0x3FC4] =	sst s2  }
0x8f: {  	_ = 	snop  }
0x90: {  	s2 =	sld [smem:$0x3FC9]  }
0x91: {  	s18 =	sld [smem:$0x3FD0];
	(tm) =	ssettm $0x1  }
0x92: {  	s4 =	sld [smem:$0x3FFB];
	_ =	sdelay $0x3  }
0x93: {  	_ =	strace s4  }
0x94: {  	s4 =	sld [smem:$0x3FFC];
	_ =	sdelay $0x3  }
0x95: {  	_ =	strace s4  }
0x96: {  	s4 =	sld [smem:$0x3FFD];
	_ =	sdelay $0x3  }
0x97: {  	_ =	strace s4  }
0x98: {  	_ =	strace $0x8FFFFFFF  }
0x99: {  	s19 =	sld [smem:$0x3FDB];
	_ =	sdelay $0x1  }
0x9a: {  	s5 =	simm.s32 $_scs_section_size  }
0x9b: {  	s6 =	simm.s32 $_size__tile_overlayer_lowered;
	s7 =	simm.s32 $_tile_overlayer_lowered  }
0x9c: {  	s22 =	simm.s32 $0x1BFF;
	s21 =	sshll.u32 s7, $0x1;
	s4 =	sadd.s32 s5, s19  }
0x9d: {  	s8 =	simm.s32 $0x0;
	s20 =	sshll.u32 s6, $0x1;
	s6 =	sadd.s32 s21, s4  }
0x9e: {  	[timem:s8], [sflag:s22] =	dma.local [hbm:s6], s20  }
0x9f: {  	_ =	swait.ge [sflag:s22], s20  }
0xa0: {  	s5 =	ssub.s32 $0x0, s20;
	[sflag:s22] =	ssyncset.done $0x0  }
0xa1: {  	[sflag:s22] =	ssyncadd.s32 s5;
	_ =	sdelay $0x1  }
0xa2: {  	s23 =	simm.s32 $0x1B8B  }
0xa3: {  	_ =	swait.ge [sflag:s23], $0x1  }
0xa4: {  	[sflag:s23] =	ssyncset.done $0x0  }
0xa5: {  	s25 =	simm.s32 $0x1B8E;
	s24 =	sld [smem:$0x3FFE];
	[sflag:s23] =	ssyncadd.s32 $0xFFFFFFFF  }
0xa6: {  	s26 =	simm.s32 $execute0_lowered;
	[smem:$0x3FD2] =	sst s25  }
0xa7: {  	s6 =	sshll.u32 s26, $0x1;
	_ =	strace $0x80000046;
	[dreg:$0x1] =	wrdreg $0xFFFFFFFF  }
0xa8: {  	s28 =	simm.s32 $_size_execute0_lowered;
	s4 =	sadd.s32 s4, s6;
	[dreg:$0x0] =	wrdreg $0x0  }
0xa9: {  	s6 =	sshll.u32 s28, $0x1;
	[dreg:$0x2] =	wrdreg s4  }
0xaa: {  	[dreg:$0x3] =	wrdreg s6  }
0xab: {  	[dreg:$0x4] =	wrdreg $0xC0  }
0xac: {  	_ =	task [dreg:s8], $0x5FFFF  }
0xad: {  	[dreg:$0x1] =	wrdreg $0xFFFFFFFF  }
0xae: {  	[dreg:$0x0] =	wrdreg $0x60  }
0xaf: {  	[dreg:$0x2] =	wrdreg s2  }
0xb0: {  	[dreg:$0x3] =	wrdreg s24  }
0xb1: {  	[dreg:$0x4] =	wrdreg s18  }
0xb2: {  	[dreg:$0x5] =	wrdreg $0x9  }
0xb3: {  	_ =	task.clear_ibuf [dreg:s8], $0x6FFFF;
	_ =	strace $0x90000046  }
0xb4: {  	s29 =	simm.s32 $0x9;
	_ =	strace $0x80000048  }
0xb5: {  	_ =	swait.ge [sflag:s29], $0x1  }
0xb6: {  	[sflag:s29] =	ssyncadd.s32 $0xFFFFFFFF  }
0xb7: {  	_ =	strace $0x90000048  }
0xb8: {  	_ =	sfence  }
0xb9: {  	s30 =	sld [smem:$0x0];
	_ =	sdelay $0x2  }
0xba: {  	s31 =	sshll.u32 s1, $0xD;
	s1 =	sshrl.u32 s1, $0x2  }
0xbb: {  	s3 =	sand.u32 $0x4000, s31;
	s1 =	sadd.s32 s1, s30  }
0xbc: {  	s0 =	sor.u32 s3, s0;
	s1 =	sshll.u32 s1, $0x11  }
0xbd: {  	s0 =	sor.u32 s1, s0  }
0xbe: {  	s0 =	sadd.s32 $0x8F2B, s0  }
0xbf: {  	[sflag:s0] =	ssyncadd.remote.s32 $0x1  }
0xc0: {  	_ =	sfence.sel $0xFFFF  }
0xc1: {  	[dreg:$0x0] =	wrdreg $0xFFFFFFFF;
	(pc) =	sbr.abs _section_cstart, $3  }
0xc2: {  	[dreg:$0x1] =	wrdreg $0xFFFFFFFF  }
0xc3: {  	_ =	task.clear_ibuf [dreg:s8], $0x2FFFF;
	_ =	strace $0x9FFFFFFF  }
0xc4: {  	(tm) =	ssettm $0x7FFFFFFF  }
0xc5: {  	_ =	shalt  }
tec
execute0_lowered:
.L_overlay_start_1:
0x0: {  	(tag) =	ssettag $0x1  }
0x1: {  	s1 =	rddreg [dreg:$0x0]  }
0x2: {  	s0 =	rddreg [dreg:$0x1]  }
0x3: {  	s2 =	rddreg [dreg:$0x2];
	s3 =	simm.s32 $0x0;
	s4 =	srdreg.scid  }
0x4: {  	s9 =	stileid.u32;
	s19 =	simm.s32 $0x1;
	s20 =	simm.s32 $0x1000  }
0x5: {  	s21 =	simm.s32 $0x4000;
	s22 =	simm.s32 $0x80;
	s23 =	simm.s32 $0x400  }
0x6: {  	s24 =	simm.s32 $0x10000;
	s25 =	simm.s32 $0x8000;
	s26 =	simm.s32 $0x0  }
0x7: {  	[smem:$0x7FF] =	sst s3;
	s5 =	sadd.s32 $0x400, s0;
	s4 =	sand.u32 $0x1, s4  }
0x8: {  	s6 =	sadd.s32 $0x4400, s0;
	s9 =	sshll.u32 s9, $0x6;
	s10 =	sadd.s32 $0x200, s2  }
0x9: {  	s11 =	sadd.s32 $0x800, s0;
	s12 =	sadd.s32 $0x400, s1;
	s13 =	sadd.s32 $0x400, s2  }
0xa: {  	s14 =	sadd.s32 $0xA00, s0;
	s15 =	sadd.s32 $0x600, s1;
	s7 =	ssub.s32 $0x2, s4  }
0xb: {  	s16 =	sadd.s32 $0x600, s2;
	s4 =	sshll.u32 s4, $0x5;
	s8 =	sshrl.u32 s7, $0x1  }
0xc: {  	_ =	strace $0x80000047;
	s17 =	ssub.s32 s7, s8;
	s7 =	sor.u32 s4, s9  }
0xd: {  	s8 =	sadd.s32 $0x600, s0;
	s9 =	sadd.s32 $0x200, s1;
	s17 =	smax.u32 s17, $0x1  }
.LBB2_1:
0xe: {  	s0 =	simm.s32 $0x10400  }
0xf: {  	[tilespmem:s0], [sflag:$0x1] =	stream.linear.gather [hbm4b:s6+s3], $0x2000, $0x38;
	[tilespmem:$0x12400] =	vst v63  }
0x10: {  	_ =	swait.ge [sflag:s19], $0x2000  }
0x11: {  	[sflag:s19] =	ssyncset.done $0x0  }
0x12: {  	[sflag:s19] =	ssyncadd.s32 $0xFFFFE000  }
0x13: {  	[tilespmem:s3], [sflag:$0x1] =	stream.strided.gather [hbm4b:s5+s20], $0x8000, s21, s20, $0x38;
	[tilespmem:$0x12400] =	vst v63  }
0x14: {  	_ =	swait.ge [sflag:s19], $0x8000  }
0x15: {  	[sflag:s19] =	ssyncset.done $0x0  }
0x16: {  	s28 =	simm.s32 $0x0;
	[sflag:s19] =	ssyncadd.s32 $0xFFFF8000  }
.LBB2_2:
0x17: {  	s29 =	sor.u32 s7, s28;
	s0 =	sshll.u32 s28, $0x4  }
0x18: {  	s4 =	sshll.u32 s29, $0x8;
	s0 =	sand.u32 $0x70, s0  }
0x19: {  	s4 =	sand.u32 $0x3F800, s4;
	s0 =	sadd.s32 s1, s0  }
0x1a: {  	s0 =	sadd.s32 s4, s0  }
0x1b: {  	[tilespmem:s24], [sflag:$0x1] =	stream.strided.gather [hbm4b:s0+s22], $0x200, s23, s22, $0x38;
	[tilespmem:$0x12400] =	vst v63  }
0x1c: {  	_ =	swait.ge [sflag:s19], $0x200  }
0x1d: {  	[sflag:s19] =	ssyncset.done $0x0  }
0x1e: {  	s0 =	simm.s32 $0x0;
	[sflag:s19] =	ssyncadd.s32 $0xFFFFFE00  }
0x1f: {  	v0 =	vld [tilespmem:s0+$0x10000]  }
0x20: {  	s30 =	simm.s32 $0x40  }
.LBB2_3:
0x21: {  	p0 =	sne.s32 s30, $0x7C0  }
.Ltmp0:
0x22: {  	_ = 	snop;
	(pc) =	sbr.rel @p0 .LBB2_3-.Ltmp0, $4  }
0x23: {  	_ = 	snop  }
0x24: {  	s4 =	sshra.s32 s30, $0x2;
	s30 =	sadd.s32 $0x40, s30;
	v1 =	vcvt.s32.f32 v0  }
0x25: {  	v0 =	vld [tilespmem:s4+$0x10000]  }
0x26: {  	[tilespmem:s0+$0x10200] =	vst v1;
	s0 =	smov.u32 s4  }
0x27: {  	_ =	sdelay $0x2  }
0x28: {  	v0 =	vcvt.s32.f32 v0;
	_ =	sdelay $0x1  }
0x29: {  	[tilespmem:s0+$0x10200] =	vst v0  }
0x2a: {  	v7 =	vld [tilespmem:$0x10200]  }
0x2b: {  	v6 =	vld [tilespmem:$0x10210]  }
0x2c: {  	v5 =	vld [tilespmem:$0x10220]  }
0x2d: {  	v4 =	vld [tilespmem:$0x10230]  }
0x2e: {  	v3 =	vld [tilespmem:$0x10240]  }
0x2f: {  	s31 =	simm.s32 $0x0;
	v1 =	vld [tilespmem:$0x10250]  }
0x30: {  	s18 =	sand.u32 $0x7000, s31;
	s4 =	sand.u32 $0x380, s31;
	v0 =	vld [tilespmem:$0x10260]  }
0x31: {  	s30 =	sor.u32 s4, s18;
	v2 =	vld [tilespmem:$0x10270]  }
0x32: {  	v8 =	vld [tilespmem:s30+$0x0]  }
0x33: {  	s4 =	simm.s32 $0x0;
	s0 =	simm.s32 $0x200;
	v9 =	vld [tilespmem:s30+$0x10]  }
.LBB2_5:
0x34: {  	p0 =	sne.s32 s0, $0x7E00;
	v10 =	vld [tilespmem:s4+$0x10400]  }
0x35: {  	v11 =	vld [tilespmem:s30+$0x20]  }
0x36: {  	v12 =	vld [tilespmem:s30+$0x30]  }
0x37: {  	v13 =	vld [tilespmem:s30+$0x40]  }
0x38: {  	v14 =	vld [tilespmem:s30+$0x50]  }
0x39: {  	v15 =	vmul.f32 v10, v7;
	v16 =	vmul.f32 v10, v6;
	v17 =	vld [tilespmem:s30+$0x60]  }
0x3a: {  	v18 =	vmul.f32 v10, v5;
	v19 =	vmul.f32 v10, v4;
	v20 =	vld [tilespmem:s30+$0x70]  }
0x3b: {  	v8 =	vadd.f32 v15, v8;
	v9 =	vadd.f32 v9, v16;
	v15 =	vmul.f32 v10, v3  }
0x3c: {  	v11 =	vadd.f32 v11, v18;
	v12 =	vadd.f32 v12, v19;
	v16 =	vmul.f32 v10, v1  }
0x3d: {  	[tilespmem:s30+$0x8000] =	vst v8;
	v8 =	vadd.f32 v13, v15;
	v13 =	vmul.f32 v10, v0;
	v10 =	vmul.f32 v10, v2  }
0x3e: {  	[tilespmem:s30+$0x8010] =	vst v9;
	v9 =	vadd.f32 v14, v16  }
0x3f: {  	[tilespmem:s30+$0x8020] =	vst v11;
	v11 =	vadd.f32 v17, v13;
	v10 =	vadd.f32 v20, v10  }
.Ltmp1:
0x40: {  	s31 =	sadd.s32 $0x80, s31;
	[tilespmem:s30+$0x8030] =	vst v12;
	(pc) =	sbr.rel @p0 .LBB2_5-.Ltmp1, $4  }
0x41: {  	s4 =	sand.u32 $0x7000, s0;
	s18 =	sand.u32 $0x380, s31;
	[tilespmem:s30+$0x8040] =	vst v8  }
0x42: {  	s18 =	sor.u32 s18, s4;
	[tilespmem:s30+$0x8050] =	vst v9  }
0x43: {  	v8 =	vld [tilespmem:s18+$0x0];
	[tilespmem:s30+$0x8060] =	vst v11  }
0x44: {  	s4 =	sshra.s32 s0, $0x2;
	s0 =	sadd.s32 $0x200, s0;
	v9 =	vld [tilespmem:s18+$0x10];
	[tilespmem:s30+$0x8070] =	vst v10;
	s30 =	smov.u32 s18  }
0x45: {  	v10 =	vld [tilespmem:s4+$0x10400];
	_ =	sdelay $0x3  }
0x46: {  	v11 =	vld [tilespmem:s30+$0x20]  }
0x47: {  	v12 =	vld [tilespmem:s30+$0x30];
	v7 =	vmul.f32 v10, v7  }
0x48: {  	v13 =	vld [tilespmem:s30+$0x40];
	v6 =	vmul.f32 v10, v6  }
0x49: {  	v14 =	vld [tilespmem:s30+$0x50];
	v5 =	vmul.f32 v10, v5;
	v7 =	vadd.f32 v7, v8  }
0x4a: {  	v15 =	vld [tilespmem:s30+$0x60];
	v4 =	vmul.f32 v10, v4;
	v6 =	vadd.f32 v9, v6  }
0x4b: {  	v3 =	vmul.f32 v10, v3;
	v8 =	vld [tilespmem:s30+$0x70];
	v5 =	vadd.f32 v11, v5;
	[tilespmem:s30+$0x8000] =	vst v7  }
0x4c: {  	v1 =	vmul.f32 v10, v1;
	v4 =	vadd.f32 v12, v4;
	[tilespmem:s30+$0x8010] =	vst v6  }
0x4d: {  	v0 =	vmul.f32 v10, v0;
	v3 =	vadd.f32 v13, v3;
	[tilespmem:s30+$0x8020] =	vst v5  }
0x4e: {  	v2 =	vmul.f32 v10, v2;
	v1 =	vadd.f32 v14, v1;
	[tilespmem:s30+$0x8030] =	vst v4  }
0x4f: {  	v0 =	vadd.f32 v15, v0;
	[tilespmem:s30+$0x8040] =	vst v3  }
0x50: {  	[tilespmem:s30+$0x8050] =	vst v1;
	v2 =	vadd.f32 v8, v2  }
0x51: {  	[tilespmem:s30+$0x8060] =	vst v0  }
0x52: {  	[tilespmem:s30+$0x8070] =	vst v2  }
0x53: {  	v7 =	vld [tilespmem:$0x10280]  }
0x54: {  	v6 =	vld [tilespmem:$0x10290]  }
0x55: {  	v5 =	vld [tilespmem:$0x102A0]  }
0x56: {  	v4 =	vld [tilespmem:$0x102B0]  }
0x57: {  	v3 =	vld [tilespmem:$0x102C0]  }
0x58: {  	s31 =	simm.s32 $0x0;
	v1 =	vld [tilespmem:$0x102D0]  }
0x59: {  	s0 =	sand.u32 $0x7000, s31;
	s18 =	sand.u32 $0x380, s31;
	v0 =	vld [tilespmem:$0x102E0]  }
0x5a: {  	s30 =	sor.u32 s18, s0;
	v2 =	vld [tilespmem:$0x102F0]  }
0x5b: {  	v8 =	vld [tilespmem:s30+$0x400]  }
0x5c: {  	s4 =	simm.s32 $0x0;
	s0 =	simm.s32 $0x200;
	v9 =	vld [tilespmem:s30+$0x410]  }
.LBB2_7:
0x5d: {  	p0 =	sne.s32 s0, $0x7E00;
	v10 =	vld [tilespmem:s4+$0x10400]  }
0x5e: {  	v11 =	vld [tilespmem:s30+$0x420]  }
0x5f: {  	v12 =	vld [tilespmem:s30+$0x430]  }
0x60: {  	v13 =	vld [tilespmem:s30+$0x440]  }
0x61: {  	v14 =	vld [tilespmem:s30+$0x450]  }
0x62: {  	v15 =	vmul.f32 v10, v7;
	v16 =	vmul.f32 v10, v6;
	v17 =	vld [tilespmem:s30+$0x460]  }
0x63: {  	v18 =	vmul.f32 v10, v5;
	v19 =	vmul.f32 v10, v4;
	v20 =	vld [tilespmem:s30+$0x470]  }
0x64: {  	v8 =	vadd.f32 v15, v8;
	v9 =	vadd.f32 v9, v16;
	v15 =	vmul.f32 v10, v3  }
0x65: {  	v11 =	vadd.f32 v11, v18;
	v12 =	vadd.f32 v12, v19;
	v16 =	vmul.f32 v10, v1  }
0x66: {  	[tilespmem:s30+$0x8400] =	vst v8;
	v8 =	vadd.f32 v13, v15;
	v13 =	vmul.f32 v10, v0;
	v10 =	vmul.f32 v10, v2  }
0x67: {  	[tilespmem:s30+$0x8410] =	vst v9;
	v9 =	vadd.f32 v14, v16  }
0x68: {  	[tilespmem:s30+$0x8420] =	vst v11;
	v11 =	vadd.f32 v17, v13;
	v10 =	vadd.f32 v20, v10  }
.Ltmp2:
0x69: {  	s31 =	sadd.s32 $0x80, s31;
	[tilespmem:s30+$0x8430] =	vst v12;
	(pc) =	sbr.rel @p0 .LBB2_7-.Ltmp2, $4  }
0x6a: {  	s4 =	sand.u32 $0x7000, s0;
	s18 =	sand.u32 $0x380, s31;
	[tilespmem:s30+$0x8440] =	vst v8  }
0x6b: {  	s18 =	sor.u32 s18, s4;
	[tilespmem:s30+$0x8450] =	vst v9  }
0x6c: {  	v8 =	vld [tilespmem:s18+$0x400];
	[tilespmem:s30+$0x8460] =	vst v11  }
0x6d: {  	s4 =	sshra.s32 s0, $0x2;
	s0 =	sadd.s32 $0x200, s0;
	v9 =	vld [tilespmem:s18+$0x410];
	[tilespmem:s30+$0x8470] =	vst v10;
	s30 =	smov.u32 s18  }
0x6e: {  	v10 =	vld [tilespmem:s4+$0x10400];
	_ =	sdelay $0x3  }
0x6f: {  	v11 =	vld [tilespmem:s30+$0x420]  }
0x70: {  	v12 =	vld [tilespmem:s30+$0x430];
	v7 =	vmul.f32 v10, v7  }
0x71: {  	v13 =	vld [tilespmem:s30+$0x440];
	v6 =	vmul.f32 v10, v6  }
0x72: {  	v14 =	vld [tilespmem:s30+$0x450];
	v5 =	vmul.f32 v10, v5;
	v7 =	vadd.f32 v7, v8  }
0x73: {  	v15 =	vld [tilespmem:s30+$0x460];
	v4 =	vmul.f32 v10, v4;
	v6 =	vadd.f32 v9, v6  }
0x74: {  	v3 =	vmul.f32 v10, v3;
	v8 =	vld [tilespmem:s30+$0x470];
	v5 =	vadd.f32 v11, v5;
	[tilespmem:s30+$0x8400] =	vst v7  }
0x75: {  	v1 =	vmul.f32 v10, v1;
	v4 =	vadd.f32 v12, v4;
	[tilespmem:s30+$0x8410] =	vst v6  }
0x76: {  	v0 =	vmul.f32 v10, v0;
	v3 =	vadd.f32 v13, v3;
	[tilespmem:s30+$0x8420] =	vst v5  }
0x77: {  	v2 =	vmul.f32 v10, v2;
	v1 =	vadd.f32 v14, v1;
	[tilespmem:s30+$0x8430] =	vst v4  }
0x78: {  	v0 =	vadd.f32 v15, v0;
	[tilespmem:s30+$0x8440] =	vst v3  }
0x79: {  	[tilespmem:s30+$0x8450] =	vst v1;
	v2 =	vadd.f32 v8, v2  }
0x7a: {  	[tilespmem:s30+$0x8460] =	vst v0  }
0x7b: {  	[tilespmem:s30+$0x8470] =	vst v2  }
0x7c: {  	v7 =	vld [tilespmem:$0x10300]  }
0x7d: {  	v6 =	vld [tilespmem:$0x10310]  }
0x7e: {  	v5 =	vld [tilespmem:$0x10320]  }
0x7f: {  	v4 =	vld [tilespmem:$0x10330]  }
0x80: {  	v3 =	vld [tilespmem:$0x10340]  }
0x81: {  	s31 =	simm.s32 $0x0;
	v1 =	vld [tilespmem:$0x10350]  }
0x82: {  	s0 =	sand.u32 $0x7000, s31;
	s18 =	sand.u32 $0x380, s31;
	v0 =	vld [tilespmem:$0x10360]  }
0x83: {  	s30 =	sor.u32 s18, s0;
	v2 =	vld [tilespmem:$0x10370]  }
0x84: {  	v8 =	vld [tilespmem:s30+$0x800]  }
0x85: {  	s4 =	simm.s32 $0x0;
	s0 =	simm.s32 $0x200;
	v9 =	vld [tilespmem:s30+$0x810]  }
.LBB2_9:
0x86: {  	p0 =	sne.s32 s0, $0x7E00;
	v10 =	vld [tilespmem:s4+$0x10400]  }
0x87: {  	v11 =	vld [tilespmem:s30+$0x820]  }
0x88: {  	v12 =	vld [tilespmem:s30+$0x830]  }
0x89: {  	v13 =	vld [tilespmem:s30+$0x840]  }
0x8a: {  	v14 =	vld [tilespmem:s30+$0x850]  }
0x8b: {  	v15 =	vmul.f32 v10, v7;
	v16 =	vmul.f32 v10, v6;
	v17 =	vld [tilespmem:s30+$0x860]  }
0x8c: {  	v18 =	vmul.f32 v10, v5;
	v19 =	vmul.f32 v10, v4;
	v20 =	vld [tilespmem:s30+$0x870]  }
0x8d: {  	v8 =	vadd.f32 v15, v8;
	v9 =	vadd.f32 v9, v16;
	v15 =	vmul.f32 v10, v3  }
0x8e: {  	v11 =	vadd.f32 v11, v18;
	v12 =	vadd.f32 v12, v19;
	v16 =	vmul.f32 v10, v1  }
0x8f: {  	[tilespmem:s30+$0x8800] =	vst v8;
	v8 =	vadd.f32 v13, v15;
	v13 =	vmul.f32 v10, v0;
	v10 =	vmul.f32 v10, v2  }
0x90: {  	[tilespmem:s30+$0x8810] =	vst v9;
	v9 =	vadd.f32 v14, v16  }
0x91: {  	[tilespmem:s30+$0x8820] =	vst v11;
	v11 =	vadd.f32 v17, v13;
	v10 =	vadd.f32 v20, v10  }
.Ltmp3:
0x92: {  	s31 =	sadd.s32 $0x80, s31;
	[tilespmem:s30+$0x8830] =	vst v12;
	(pc) =	sbr.rel @p0 .LBB2_9-.Ltmp3, $4  }
0x93: {  	s4 =	sand.u32 $0x7000, s0;
	s18 =	sand.u32 $0x380, s31;
	[tilespmem:s30+$0x8840] =	vst v8  }
0x94: {  	s18 =	sor.u32 s18, s4;
	[tilespmem:s30+$0x8850] =	vst v9  }
0x95: {  	v8 =	vld [tilespmem:s18+$0x800];
	[tilespmem:s30+$0x8860] =	vst v11  }
0x96: {  	s4 =	sshra.s32 s0, $0x2;
	s0 =	sadd.s32 $0x200, s0;
	v9 =	vld [tilespmem:s18+$0x810];
	[tilespmem:s30+$0x8870] =	vst v10;
	s30 =	smov.u32 s18  }
0x97: {  	v10 =	vld [tilespmem:s4+$0x10400];
	_ =	sdelay $0x3  }
0x98: {  	v11 =	vld [tilespmem:s30+$0x820]  }
0x99: {  	v12 =	vld [tilespmem:s30+$0x830];
	v7 =	vmul.f32 v10, v7  }
0x9a: {  	v13 =	vld [tilespmem:s30+$0x840];
	v6 =	vmul.f32 v10, v6  }
0x9b: {  	v14 =	vld [tilespmem:s30+$0x850];
	v5 =	vmul.f32 v10, v5;
	v7 =	vadd.f32 v7, v8  }
0x9c: {  	v15 =	vld [tilespmem:s30+$0x860];
	v4 =	vmul.f32 v10, v4;
	v6 =	vadd.f32 v9, v6  }
0x9d: {  	v3 =	vmul.f32 v10, v3;
	v8 =	vld [tilespmem:s30+$0x870];
	v5 =	vadd.f32 v11, v5;
	[tilespmem:s30+$0x8800] =	vst v7  }
0x9e: {  	v1 =	vmul.f32 v10, v1;
	v4 =	vadd.f32 v12, v4;
	[tilespmem:s30+$0x8810] =	vst v6  }
0x9f: {  	v0 =	vmul.f32 v10, v0;
	v3 =	vadd.f32 v13, v3;
	[tilespmem:s30+$0x8820] =	vst v5  }
0xa0: {  	v2 =	vmul.f32 v10, v2;
	v1 =	vadd.f32 v14, v1;
	[tilespmem:s30+$0x8830] =	vst v4  }
0xa1: {  	v0 =	vadd.f32 v15, v0;
	[tilespmem:s30+$0x8840] =	vst v3  }
0xa2: {  	[tilespmem:s30+$0x8850] =	vst v1;
	v2 =	vadd.f32 v8, v2  }
0xa3: {  	[tilespmem:s30+$0x8860] =	vst v0  }
0xa4: {  	[tilespmem:s30+$0x8870] =	vst v2  }
0xa5: {  	v7 =	vld [tilespmem:$0x10380]  }
0xa6: {  	v6 =	vld [tilespmem:$0x10390]  }
0xa7: {  	v5 =	vld [tilespmem:$0x103A0]  }
0xa8: {  	v4 =	vld [tilespmem:$0x103B0]  }
0xa9: {  	v3 =	vld [tilespmem:$0x103C0]  }
0xaa: {  	s31 =	simm.s32 $0x0;
	v1 =	vld [tilespmem:$0x103D0]  }
0xab: {  	s0 =	sand.u32 $0x7000, s31;
	s18 =	sand.u32 $0x380, s31;
	v0 =	vld [tilespmem:$0x103E0]  }
0xac: {  	s30 =	sor.u32 s18, s0;
	v2 =	vld [tilespmem:$0x103F0]  }
0xad: {  	v8 =	vld [tilespmem:s30+$0xC00]  }
0xae: {  	s4 =	simm.s32 $0x0;
	s0 =	simm.s32 $0x200;
	v9 =	vld [tilespmem:s30+$0xC10]  }
.LBB2_11:
0xaf: {  	p0 =	sne.s32 s0, $0x7E00;
	v10 =	vld [tilespmem:s4+$0x10400]  }
0xb0: {  	v11 =	vld [tilespmem:s30+$0xC20]  }
0xb1: {  	v12 =	vld [tilespmem:s30+$0xC30]  }
0xb2: {  	v13 =	vld [tilespmem:s30+$0xC40]  }
0xb3: {  	v14 =	vld [tilespmem:s30+$0xC50]  }
0xb4: {  	v15 =	vmul.f32 v10, v7;
	v16 =	vmul.f32 v10, v6;
	v17 =	vld [tilespmem:s30+$0xC60]  }
0xb5: {  	v18 =	vmul.f32 v10, v5;
	v19 =	vmul.f32 v10, v4;
	v20 =	vld [tilespmem:s30+$0xC70]  }
0xb6: {  	v8 =	vadd.f32 v15, v8;
	v9 =	vadd.f32 v9, v16;
	v15 =	vmul.f32 v10, v3  }
0xb7: {  	v11 =	vadd.f32 v11, v18;
	v12 =	vadd.f32 v12, v19;
	v16 =	vmul.f32 v10, v1  }
0xb8: {  	[tilespmem:s30+$0x8C00] =	vst v8;
	v8 =	vadd.f32 v13, v15;
	v13 =	vmul.f32 v10, v0;
	v10 =	vmul.f32 v10, v2  }
0xb9: {  	[tilespmem:s30+$0x8C10] =	vst v9;
	v9 =	vadd.f32 v14, v16  }
0xba: {  	[tilespmem:s30+$0x8C20] =	vst v11;
	v11 =	vadd.f32 v17, v13;
	v10 =	vadd.f32 v20, v10  }
.Ltmp4:
0xbb: {  	s31 =	sadd.s32 $0x80, s31;
	[tilespmem:s30+$0x8C30] =	vst v12;
	(pc) =	sbr.rel @p0 .LBB2_11-.Ltmp4, $4  }
0xbc: {  	s4 =	sand.u32 $0x7000, s0;
	s18 =	sand.u32 $0x380, s31;
	[tilespmem:s30+$0x8C40] =	vst v8  }
0xbd: {  	s18 =	sor.u32 s18, s4;
	[tilespmem:s30+$0x8C50] =	vst v9  }
0xbe: {  	v8 =	vld [tilespmem:s18+$0xC00];
	[tilespmem:s30+$0x8C60] =	vst v11  }
0xbf: {  	s4 =	sshra.s32 s0, $0x2;
	s0 =	sadd.s32 $0x200, s0;
	v9 =	vld [tilespmem:s18+$0xC10];
	[tilespmem:s30+$0x8C70] =	vst v10;
	s30 =	smov.u32 s18  }
0xc0: {  	v10 =	vld [tilespmem:s4+$0x10400];
	_ =	sdelay $0x3  }
0xc1: {  	v11 =	vld [tilespmem:s30+$0xC20]  }
0xc2: {  	v12 =	vld [tilespmem:s30+$0xC30];
	v7 =	vmul.f32 v10, v7  }
0xc3: {  	v13 =	vld [tilespmem:s30+$0xC40];
	v6 =	vmul.f32 v10, v6  }
0xc4: {  	v14 =	vld [tilespmem:s30+$0xC50];
	v5 =	vmul.f32 v10, v5;
	v7 =	vadd.f32 v7, v8  }
0xc5: {  	v15 =	vld [tilespmem:s30+$0xC60];
	v4 =	vmul.f32 v10, v4;
	v6 =	vadd.f32 v9, v6  }
0xc6: {  	v63 =	vld [tilespmem:s30+$0xC70];
	v3 =	vmul.f32 v10, v3;
	v5 =	vadd.f32 v11, v5;
	[tilespmem:s30+$0x8C00] =	vst v7  }
0xc7: {  	v1 =	vmul.f32 v10, v1;
	v4 =	vadd.f32 v12, v4;
	[tilespmem:s30+$0x8C10] =	vst v6  }
0xc8: {  	v0 =	vmul.f32 v10, v0;
	v3 =	vadd.f32 v13, v3;
	[tilespmem:s30+$0x8C20] =	vst v5  }
0xc9: {  	v2 =	vmul.f32 v10, v2;
	v1 =	vadd.f32 v14, v1;
	[tilespmem:s30+$0x8C30] =	vst v4  }
0xca: {  	v0 =	vadd.f32 v15, v0;
	[tilespmem:s30+$0x8C40] =	vst v3  }
0xcb: {  	s28 =	sadd.s32 $0x1, s28;
	v2 =	vadd.f32 v63, v2;
	[tilespmem:s30+$0x8C50] =	vst v1  }
0xcc: {  	s0 =	sshll.u32 s29, $0xE;
	p0 =	sne.s32 s28, $0x20;
	[tilespmem:s30+$0x8C60] =	vst v0  }
.Ltmp5:
0xcd: {  	s0 =	sadd.s32 s2, s0;
	[tilespmem:s30+$0x8C70] =	vst v2;
	(pc) =	sbr.rel @p0 .LBB2_2-.Ltmp5, $4  }
0xce: {  	[hbm4b:s0+s20] =	stream.strided.scatter [tilespmem:s25], [sflag:$0x1], $0x8000, s21, s20, $0x38;
	[tilespmem:$0x12400] =	vst v63  }
0xcf: {  	_ =	swait.ge [sflag:s19], $0x8000  }
0xd0: {  	[sflag:s19] =	ssyncset.done $0x0  }
0xd1: {  	[sflag:s19] =	ssyncadd.s32 $0xFFFF8000  }
0xd2: {  	s28 =	simm.s32 $0x0  }
0xd3: {  	[tilespmem:s28], [sflag:$0x1] =	stream.strided.gather [hbm4b:s8+s20], $0x8000, s21, s20, $0x38;
	[tilespmem:$0x12400] =	vst v63  }
0xd4: {  	_ =	swait.ge [sflag:s19], $0x8000  }
0xd5: {  	[sflag:s19] =	ssyncset.done $0x0  }
0xd6: {  	[sflag:s19] =	ssyncadd.s32 $0xFFFF8000  }
.LBB2_14:
0xd7: {  	s29 =	sor.u32 s7, s28  }
0xd8: {  	s4 =	sshll.u32 s28, $0x4;
	s0 =	sshll.u32 s29, $0x8  }
0xd9: {  	s4 =	sand.u32 $0x70, s4;
	s0 =	sand.u32 $0x3F800, s0  }
0xda: {  	s0 =	sor.u32 s0, s4  }
0xdb: {  	s0 =	sadd.s32 s0, s9  }
0xdc: {  	[tilespmem:s24], [sflag:$0x1] =	stream.strided.gather [hbm4b:s0+s22], $0x200, s23, s22, $0x38;
	[tilespmem:$0x12400] =	vst v63  }
0xdd: {  	_ =	swait.ge [sflag:s19], $0x200  }
0xde: {  	[sflag:s19] =	ssyncset.done $0x0  }
0xdf: {  	s0 =	simm.s32 $0x0;
	[sflag:s19] =	ssyncadd.s32 $0xFFFFFE00  }
0xe0: {  	v0 =	vld [tilespmem:s0+$0x10000]  }
0xe1: {  	s30 =	simm.s32 $0x40  }
.LBB2_15:
0xe2: {  	p0 =	sne.s32 s30, $0x7C0  }
.Ltmp6:
0xe3: {  	_ = 	snop;
	(pc) =	sbr.rel @p0 .LBB2_15-.Ltmp6, $4  }
0xe4: {  	_ = 	snop  }
0xe5: {  	s4 =	sshra.s32 s30, $0x2;
	s30 =	sadd.s32 $0x40, s30;
	v1 =	vcvt.s32.f32 v0  }
0xe6: {  	v0 =	vld [tilespmem:s4+$0x10000]  }
0xe7: {  	[tilespmem:s0+$0x10200] =	vst v1;
	s0 =	smov.u32 s4  }
0xe8: {  	_ =	sdelay $0x2  }
0xe9: {  	v0 =	vcvt.s32.f32 v0;
	_ =	sdelay $0x1  }
0xea: {  	[tilespmem:s0+$0x10200] =	vst v0  }
0xeb: {  	v7 =	vld [tilespmem:$0x10200]  }
0xec: {  	v6 =	vld [tilespmem:$0x10210]  }
0xed: {  	v5 =	vld [tilespmem:$0x10220]  }
0xee: {  	v4 =	vld [tilespmem:$0x10230]  }
0xef: {  	v3 =	vld [tilespmem:$0x10240]  }
0xf0: {  	s31 =	simm.s32 $0x0;
	v1 =	vld [tilespmem:$0x10250]  }
0xf1: {  	s18 =	sand.u32 $0x7000, s31;
	s4 =	sand.u32 $0x380, s31;
	v0 =	vld [tilespmem:$0x10260]  }
0xf2: {  	s30 =	sor.u32 s4, s18;
	v2 =	vld [tilespmem:$0x10270]  }
0xf3: {  	v8 =	vld [tilespmem:s30+$0x0]  }
0xf4: {  	s4 =	simm.s32 $0x0;
	s0 =	simm.s32 $0x200;
	v9 =	vld [tilespmem:s30+$0x10]  }
.LBB2_17:
0xf5: {  	p0 =	sne.s32 s0, $0x7E00;
	v10 =	vld [tilespmem:s4+$0x10400]  }
0xf6: {  	v11 =	vld [tilespmem:s30+$0x20]  }
0xf7: {  	v12 =	vld [tilespmem:s30+$0x30]  }
0xf8: {  	v13 =	vld [tilespmem:s30+$0x40]  }
0xf9: {  	v14 =	vld [tilespmem:s30+$0x50]  }
0xfa: {  	v15 =	vmul.f32 v10, v7;
	v16 =	vmul.f32 v10, v6;
	v17 =	vld [tilespmem:s30+$0x60]  }
0xfb: {  	v18 =	vmul.f32 v10, v5;
	v19 =	vmul.f32 v10, v4;
	v20 =	vld [tilespmem:s30+$0x70]  }
0xfc: {  	v8 =	vadd.f32 v15, v8;
	v9 =	vadd.f32 v9, v16;
	v15 =	vmul.f32 v10, v3  }
0xfd: {  	v11 =	vadd.f32 v11, v18;
	v12 =	vadd.f32 v12, v19;
	v16 =	vmul.f32 v10, v1  }
0xfe: {  	[tilespmem:s30+$0x8000] =	vst v8;
	v8 =	vadd.f32 v13, v15;
	v13 =	vmul.f32 v10, v0;
	v10 =	vmul.f32 v10, v2  }
0xff: {  	[tilespmem:s30+$0x8010] =	vst v9;
	v9 =	vadd.f32 v14, v16  }
0x100: {  	[tilespmem:s30+$0x8020] =	vst v11;
	v11 =	vadd.f32 v17, v13;
	v10 =	vadd.f32 v20, v10  }
.Ltmp7:
0x101: {  	s31 =	sadd.s32 $0x80, s31;
	[tilespmem:s30+$0x8030] =	vst v12;
	(pc) =	sbr.rel @p0 .LBB2_17-.Ltmp7, $4  }
0x102: {  	s4 =	sand.u32 $0x7000, s0;
	s18 =	sand.u32 $0x380, s31;
	[tilespmem:s30+$0x8040] =	vst v8  }
0x103: {  	s18 =	sor.u32 s18, s4;
	[tilespmem:s30+$0x8050] =	vst v9  }
0x104: {  	v8 =	vld [tilespmem:s18+$0x0];
	[tilespmem:s30+$0x8060] =	vst v11  }
0x105: {  	s4 =	sshra.s32 s0, $0x2;
	s0 =	sadd.s32 $0x200, s0;
	v9 =	vld [tilespmem:s18+$0x10];
	[tilespmem:s30+$0x8070] =	vst v10;
	s30 =	smov.u32 s18  }
0x106: {  	v10 =	vld [tilespmem:s4+$0x10400];
	_ =	sdelay $0x3  }
0x107: {  	v11 =	vld [tilespmem:s30+$0x20]  }
0x108: {  	v12 =	vld [tilespmem:s30+$0x30];
	v7 =	vmul.f32 v10, v7  }
0x109: {  	v13 =	vld [tilespmem:s30+$0x40];
	v6 =	vmul.f32 v10, v6  }
0x10a: {  	v14 =	vld [tilespmem:s30+$0x50];
	v5 =	vmul.f32 v10, v5;
	v7 =	vadd.f32 v7, v8  }
0x10b: {  	v15 =	vld [tilespmem:s30+$0x60];
	v4 =	vmul.f32 v10, v4;
	v6 =	vadd.f32 v9, v6  }
0x10c: {  	v3 =	vmul.f32 v10, v3;
	v8 =	vld [tilespmem:s30+$0x70];
	v5 =	vadd.f32 v11, v5;
	[tilespmem:s30+$0x8000] =	vst v7  }
0x10d: {  	v1 =	vmul.f32 v10, v1;
	v4 =	vadd.f32 v12, v4;
	[tilespmem:s30+$0x8010] =	vst v6  }
0x10e: {  	v0 =	vmul.f32 v10, v0;
	v3 =	vadd.f32 v13, v3;
	[tilespmem:s30+$0x8020] =	vst v5  }
0x10f: {  	v2 =	vmul.f32 v10, v2;
	v1 =	vadd.f32 v14, v1;
	[tilespmem:s30+$0x8030] =	vst v4  }
0x110: {  	v0 =	vadd.f32 v15, v0;
	[tilespmem:s30+$0x8040] =	vst v3  }
0x111: {  	[tilespmem:s30+$0x8050] =	vst v1;
	v2 =	vadd.f32 v8, v2  }
0x112: {  	[tilespmem:s30+$0x8060] =	vst v0  }
0x113: {  	[tilespmem:s30+$0x8070] =	vst v2  }
0x114: {  	v7 =	vld [tilespmem:$0x10280]  }
0x115: {  	v6 =	vld [tilespmem:$0x10290]  }
0x116: {  	v5 =	vld [tilespmem:$0x102A0]  }
0x117: {  	v4 =	vld [tilespmem:$0x102B0]  }
0x118: {  	v3 =	vld [tilespmem:$0x102C0]  }
0x119: {  	s31 =	simm.s32 $0x0;
	v1 =	vld [tilespmem:$0x102D0]  }
0x11a: {  	s0 =	sand.u32 $0x7000, s31;
	s18 =	sand.u32 $0x380, s31;
	v0 =	vld [tilespmem:$0x102E0]  }
0x11b: {  	s30 =	sor.u32 s18, s0;
	v2 =	vld [tilespmem:$0x102F0]  }
0x11c: {  	v8 =	vld [tilespmem:s30+$0x400]  }
0x11d: {  	s4 =	simm.s32 $0x0;
	s0 =	simm.s32 $0x200;
	v9 =	vld [tilespmem:s30+$0x410]  }
.LBB2_19:
0x11e: {  	p0 =	sne.s32 s0, $0x7E00;
	v10 =	vld [tilespmem:s4+$0x10400]  }
0x11f: {  	v11 =	vld [tilespmem:s30+$0x420]  }
0x120: {  	v12 =	vld [tilespmem:s30+$0x430]  }
0x121: {  	v13 =	vld [tilespmem:s30+$0x440]  }
0x122: {  	v14 =	vld [tilespmem:s30+$0x450]  }
0x123: {  	v15 =	vmul.f32 v10, v7;
	v16 =	vmul.f32 v10, v6;
	v17 =	vld [tilespmem:s30+$0x460]  }
0x124: {  	v18 =	vmul.f32 v10, v5;
	v19 =	vmul.f32 v10, v4;
	v20 =	vld [tilespmem:s30+$0x470]  }
0x125: {  	v8 =	vadd.f32 v15, v8;
	v9 =	vadd.f32 v9, v16;
	v15 =	vmul.f32 v10, v3  }
0x126: {  	v11 =	vadd.f32 v11, v18;
	v12 =	vadd.f32 v12, v19;
	v16 =	vmul.f32 v10, v1  }
0x127: {  	[tilespmem:s30+$0x8400] =	vst v8;
	v8 =	vadd.f32 v13, v15;
	v13 =	vmul.f32 v10, v0;
	v10 =	vmul.f32 v10, v2  }
0x128: {  	[tilespmem:s30+$0x8410] =	vst v9;
	v9 =	vadd.f32 v14, v16  }
0x129: {  	[tilespmem:s30+$0x8420] =	vst v11;
	v11 =	vadd.f32 v17, v13;
	v10 =	vadd.f32 v20, v10  }
.Ltmp8:
0x12a: {  	s31 =	sadd.s32 $0x80, s31;
	[tilespmem:s30+$0x8430] =	vst v12;
	(pc) =	sbr.rel @p0 .LBB2_19-.Ltmp8, $4  }
0x12b: {  	s4 =	sand.u32 $0x7000, s0;
	s18 =	sand.u32 $0x380, s31;
	[tilespmem:s30+$0x8440] =	vst v8  }
0x12c: {  	s18 =	sor.u32 s18, s4;
	[tilespmem:s30+$0x8450] =	vst v9  }
0x12d: {  	v8 =	vld [tilespmem:s18+$0x400];
	[tilespmem:s30+$0x8460] =	vst v11  }
0x12e: {  	s4 =	sshra.s32 s0, $0x2;
	s0 =	sadd.s32 $0x200, s0;
	v9 =	vld [tilespmem:s18+$0x410];
	[tilespmem:s30+$0x8470] =	vst v10;
	s30 =	smov.u32 s18  }
0x12f: {  	v10 =	vld [tilespmem:s4+$0x10400];
	_ =	sdelay $0x3  }
0x130: {  	v11 =	vld [tilespmem:s30+$0x420]  }
0x131: {  	v12 =	vld [tilespmem:s30+$0x430];
	v7 =	vmul.f32 v10, v7  }
0x132: {  	v13 =	vld [tilespmem:s30+$0x440];
	v6 =	vmul.f32 v10, v6  }
0x133: {  	v14 =	vld [tilespmem:s30+$0x450];
	v5 =	vmul.f32 v10, v5;
	v7 =	vadd.f32 v7, v8  }
0x134: {  	v15 =	vld [tilespmem:s30+$0x460];
	v4 =	vmul.f32 v10, v4;
	v6 =	vadd.f32 v9, v6  }
0x135: {  	v3 =	vmul.f32 v10, v3;
	v8 =	vld [tilespmem:s30+$0x470];
	v5 =	vadd.f32 v11, v5;
	[tilespmem:s30+$0x8400] =	vst v7  }
0x136: {  	v1 =	vmul.f32 v10, v1;
	v4 =	vadd.f32 v12, v4;
	[tilespmem:s30+$0x8410] =	vst v6  }
0x137: {  	v0 =	vmul.f32 v10, v0;
	v3 =	vadd.f32 v13, v3;
	[tilespmem:s30+$0x8420] =	vst v5  }
0x138: {  	v2 =	vmul.f32 v10, v2;
	v1 =	vadd.f32 v14, v1;
	[tilespmem:s30+$0x8430] =	vst v4  }
0x139: {  	v0 =	vadd.f32 v15, v0;
	[tilespmem:s30+$0x8440] =	vst v3  }
0x13a: {  	[tilespmem:s30+$0x8450] =	vst v1;
	v2 =	vadd.f32 v8, v2  }
0x13b: {  	[tilespmem:s30+$0x8460] =	vst v0  }
0x13c: {  	[tilespmem:s30+$0x8470] =	vst v2  }
0x13d: {  	v7 =	vld [tilespmem:$0x10300]  }
0x13e: {  	v6 =	vld [tilespmem:$0x10310]  }
0x13f: {  	v5 =	vld [tilespmem:$0x10320]  }
0x140: {  	v4 =	vld [tilespmem:$0x10330]  }
0x141: {  	v3 =	vld [tilespmem:$0x10340]  }
0x142: {  	s31 =	simm.s32 $0x0;
	v1 =	vld [tilespmem:$0x10350]  }
0x143: {  	s0 =	sand.u32 $0x7000, s31;
	s18 =	sand.u32 $0x380, s31;
	v0 =	vld [tilespmem:$0x10360]  }
0x144: {  	s30 =	sor.u32 s18, s0;
	v2 =	vld [tilespmem:$0x10370]  }
0x145: {  	v8 =	vld [tilespmem:s30+$0x800]  }
0x146: {  	s4 =	simm.s32 $0x0;
	s0 =	simm.s32 $0x200;
	v9 =	vld [tilespmem:s30+$0x810]  }
.LBB2_21:
0x147: {  	p0 =	sne.s32 s0, $0x7E00;
	v10 =	vld [tilespmem:s4+$0x10400]  }
0x148: {  	v11 =	vld [tilespmem:s30+$0x820]  }
0x149: {  	v12 =	vld [tilespmem:s30+$0x830]  }
0x14a: {  	v13 =	vld [tilespmem:s30+$0x840]  }
0x14b: {  	v14 =	vld [tilespmem:s30+$0x850]  }
0x14c: {  	v15 =	vmul.f32 v10, v7;
	v16 =	vmul.f32 v10, v6;
	v17 =	vld [tilespmem:s30+$0x860]  }
0x14d: {  	v18 =	vmul.f32 v10, v5;
	v19 =	vmul.f32 v10, v4;
	v20 =	vld [tilespmem:s30+$0x870]  }
0x14e: {  	v8 =	vadd.f32 v15, v8;
	v9 =	vadd.f32 v9, v16;
	v15 =	vmul.f32 v10, v3  }
0x14f: {  	v11 =	vadd.f32 v11, v18;
	v12 =	vadd.f32 v12, v19;
	v16 =	vmul.f32 v10, v1  }
0x150: {  	[tilespmem:s30+$0x8800] =	vst v8;
	v8 =	vadd.f32 v13, v15;
	v13 =	vmul.f32 v10, v0;
	v10 =	vmul.f32 v10, v2  }
0x151: {  	[tilespmem:s30+$0x8810] =	vst v9;
	v9 =	vadd.f32 v14, v16  }
0x152: {  	[tilespmem:s30+$0x8820] =	vst v11;
	v11 =	vadd.f32 v17, v13;
	v10 =	vadd.f32 v20, v10  }
.Ltmp9:
0x153: {  	s31 =	sadd.s32 $0x80, s31;
	[tilespmem:s30+$0x8830] =	vst v12;
	(pc) =	sbr.rel @p0 .LBB2_21-.Ltmp9, $4  }
0x154: {  	s4 =	sand.u32 $0x7000, s0;
	s18 =	sand.u32 $0x380, s31;
	[tilespmem:s30+$0x8840] =	vst v8  }
0x155: {  	s18 =	sor.u32 s18, s4;
	[tilespmem:s30+$0x8850] =	vst v9  }
0x156: {  	v8 =	vld [tilespmem:s18+$0x800];
	[tilespmem:s30+$0x8860] =	vst v11  }
0x157: {  	s4 =	sshra.s32 s0, $0x2;
	s0 =	sadd.s32 $0x200, s0;
	v9 =	vld [tilespmem:s18+$0x810];
	[tilespmem:s30+$0x8870] =	vst v10;
	s30 =	smov.u32 s18  }
0x158: {  	v10 =	vld [tilespmem:s4+$0x10400];
	_ =	sdelay $0x3  }
0x159: {  	v11 =	vld [tilespmem:s30+$0x820]  }
0x15a: {  	v12 =	vld [tilespmem:s30+$0x830];
	v7 =	vmul.f32 v10, v7  }
0x15b: {  	v13 =	vld [tilespmem:s30+$0x840];
	v6 =	vmul.f32 v10, v6  }
0x15c: {  	v14 =	vld [tilespmem:s30+$0x850];
	v5 =	vmul.f32 v10, v5;
	v7 =	vadd.f32 v7, v8  }
0x15d: {  	v15 =	vld [tilespmem:s30+$0x860];
	v4 =	vmul.f32 v10, v4;
	v6 =	vadd.f32 v9, v6  }
0x15e: {  	v3 =	vmul.f32 v10, v3;
	v8 =	vld [tilespmem:s30+$0x870];
	v5 =	vadd.f32 v11, v5;
	[tilespmem:s30+$0x8800] =	vst v7  }
0x15f: {  	v1 =	vmul.f32 v10, v1;
	v4 =	vadd.f32 v12, v4;
	[tilespmem:s30+$0x8810] =	vst v6  }
0x160: {  	v0 =	vmul.f32 v10, v0;
	v3 =	vadd.f32 v13, v3;
	[tilespmem:s30+$0x8820] =	vst v5  }
0x161: {  	v2 =	vmul.f32 v10, v2;
	v1 =	vadd.f32 v14, v1;
	[tilespmem:s30+$0x8830] =	vst v4  }
0x162: {  	v0 =	vadd.f32 v15, v0;
	[tilespmem:s30+$0x8840] =	vst v3  }
0x163: {  	[tilespmem:s30+$0x8850] =	vst v1;
	v2 =	vadd.f32 v8, v2  }
0x164: {  	[tilespmem:s30+$0x8860] =	vst v0  }
0x165: {  	[tilespmem:s30+$0x8870] =	vst v2  }
0x166: {  	v7 =	vld [tilespmem:$0x10380]  }
0x167: {  	v6 =	vld [tilespmem:$0x10390]  }
0x168: {  	v5 =	vld [tilespmem:$0x103A0]  }
0x169: {  	v4 =	vld [tilespmem:$0x103B0]  }
0x16a: {  	v3 =	vld [tilespmem:$0x103C0]  }
0x16b: {  	s31 =	simm.s32 $0x0;
	v1 =	vld [tilespmem:$0x103D0]  }
0x16c: {  	s0 =	sand.u32 $0x7000, s31;
	s18 =	sand.u32 $0x380, s31;
	v0 =	vld [tilespmem:$0x103E0]  }
0x16d: {  	s30 =	sor.u32 s18, s0;
	v2 =	vld [tilespmem:$0x103F0]  }
0x16e: {  	v8 =	vld [tilespmem:s30+$0xC00]  }
0x16f: {  	s4 =	simm.s32 $0x0;
	s0 =	simm.s32 $0x200;
	v9 =	vld [tilespmem:s30+$0xC10]  }
.LBB2_23:
0x170: {  	p0 =	sne.s32 s0, $0x7E00;
	v10 =	vld [tilespmem:s4+$0x10400]  }
0x171: {  	v11 =	vld [tilespmem:s30+$0xC20]  }
0x172: {  	v12 =	vld [tilespmem:s30+$0xC30]  }
0x173: {  	v13 =	vld [tilespmem:s30+$0xC40]  }
0x174: {  	v14 =	vld [tilespmem:s30+$0xC50]  }
0x175: {  	v15 =	vmul.f32 v10, v7;
	v16 =	vmul.f32 v10, v6;
	v17 =	vld [tilespmem:s30+$0xC60]  }
0x176: {  	v18 =	vmul.f32 v10, v5;
	v19 =	vmul.f32 v10, v4;
	v20 =	vld [tilespmem:s30+$0xC70]  }
0x177: {  	v8 =	vadd.f32 v15, v8;
	v9 =	vadd.f32 v9, v16;
	v15 =	vmul.f32 v10, v3  }
0x178: {  	v11 =	vadd.f32 v11, v18;
	v12 =	vadd.f32 v12, v19;
	v16 =	vmul.f32 v10, v1  }
0x179: {  	[tilespmem:s30+$0x8C00] =	vst v8;
	v8 =	vadd.f32 v13, v15;
	v13 =	vmul.f32 v10, v0;
	v10 =	vmul.f32 v10, v2  }
0x17a: {  	[tilespmem:s30+$0x8C10] =	vst v9;
	v9 =	vadd.f32 v14, v16  }
0x17b: {  	[tilespmem:s30+$0x8C20] =	vst v11;
	v11 =	vadd.f32 v17, v13;
	v10 =	vadd.f32 v20, v10  }
.Ltmp10:
0x17c: {  	s31 =	sadd.s32 $0x80, s31;
	[tilespmem:s30+$0x8C30] =	vst v12;
	(pc) =	sbr.rel @p0 .LBB2_23-.Ltmp10, $4  }
0x17d: {  	s4 =	sand.u32 $0x7000, s0;
	s18 =	sand.u32 $0x380, s31;
	[tilespmem:s30+$0x8C40] =	vst v8  }
0x17e: {  	s18 =	sor.u32 s18, s4;
	[tilespmem:s30+$0x8C50] =	vst v9  }
0x17f: {  	v8 =	vld [tilespmem:s18+$0xC00];
	[tilespmem:s30+$0x8C60] =	vst v11  }
0x180: {  	s4 =	sshra.s32 s0, $0x2;
	s0 =	sadd.s32 $0x200, s0;
	v9 =	vld [tilespmem:s18+$0xC10];
	[tilespmem:s30+$0x8C70] =	vst v10;
	s30 =	smov.u32 s18  }
0x181: {  	v10 =	vld [tilespmem:s4+$0x10400];
	_ =	sdelay $0x3  }
0x182: {  	v11 =	vld [tilespmem:s30+$0xC20]  }
0x183: {  	v12 =	vld [tilespmem:s30+$0xC30];
	v7 =	vmul.f32 v10, v7  }
0x184: {  	v13 =	vld [tilespmem:s30+$0xC40];
	v6 =	vmul.f32 v10, v6  }
0x185: {  	v14 =	vld [tilespmem:s30+$0xC50];
	v5 =	vmul.f32 v10, v5;
	v7 =	vadd.f32 v7, v8  }
0x186: {  	v15 =	vld [tilespmem:s30+$0xC60];
	v4 =	vmul.f32 v10, v4;
	v6 =	vadd.f32 v9, v6  }
0x187: {  	v63 =	vld [tilespmem:s30+$0xC70];
	v3 =	vmul.f32 v10, v3;
	v5 =	vadd.f32 v11, v5;
	[tilespmem:s30+$0x8C00] =	vst v7  }
0x188: {  	v1 =	vmul.f32 v10, v1;
	v4 =	vadd.f32 v12, v4;
	[tilespmem:s30+$0x8C10] =	vst v6  }
0x189: {  	v0 =	vmul.f32 v10, v0;
	v3 =	vadd.f32 v13, v3;
	[tilespmem:s30+$0x8C20] =	vst v5  }
0x18a: {  	v2 =	vmul.f32 v10, v2;
	v1 =	vadd.f32 v14, v1;
	[tilespmem:s30+$0x8C30] =	vst v4  }
0x18b: {  	v0 =	vadd.f32 v15, v0;
	[tilespmem:s30+$0x8C40] =	vst v3  }
0x18c: {  	s28 =	sadd.s32 $0x1, s28;
	v2 =	vadd.f32 v63, v2;
	[tilespmem:s30+$0x8C50] =	vst v1  }
0x18d: {  	s0 =	sshll.u32 s29, $0xE;
	p0 =	sne.s32 s28, $0x20;
	[tilespmem:s30+$0x8C60] =	vst v0  }
.Ltmp11:
0x18e: {  	s0 =	sadd.s32 s0, s10;
	[tilespmem:s30+$0x8C70] =	vst v2;
	(pc) =	sbr.rel @p0 .LBB2_14-.Ltmp11, $4  }
0x18f: {  	[hbm4b:s0+s20] =	stream.strided.scatter [tilespmem:s25], [sflag:$0x1], $0x8000, s21, s20, $0x38;
	[tilespmem:$0x12400] =	vst v63  }
0x190: {  	_ =	swait.ge [sflag:s19], $0x8000  }
0x191: {  	[sflag:s19] =	ssyncset.done $0x0  }
0x192: {  	[sflag:s19] =	ssyncadd.s32 $0xFFFF8000  }
0x193: {  	s28 =	simm.s32 $0x0  }
0x194: {  	[tilespmem:s28], [sflag:$0x1] =	stream.strided.gather [hbm4b:s11+s20], $0x8000, s21, s20, $0x38;
	[tilespmem:$0x12400] =	vst v63  }
0x195: {  	_ =	swait.ge [sflag:s19], $0x8000  }
0x196: {  	[sflag:s19] =	ssyncset.done $0x0  }
0x197: {  	[sflag:s19] =	ssyncadd.s32 $0xFFFF8000  }
.LBB2_26:
0x198: {  	s29 =	sor.u32 s7, s28  }
0x199: {  	s4 =	sshll.u32 s28, $0x4;
	s0 =	sshll.u32 s29, $0x8  }
0x19a: {  	s4 =	sand.u32 $0x70, s4;
	s0 =	sand.u32 $0x3F800, s0  }
0x19b: {  	s0 =	sor.u32 s0, s4  }
0x19c: {  	s0 =	sadd.s32 s0, s12  }
0x19d: {  	[tilespmem:s24], [sflag:$0x1] =	stream.strided.gather [hbm4b:s0+s22], $0x200, s23, s22, $0x38;
	[tilespmem:$0x12400] =	vst v63  }
0x19e: {  	_ =	swait.ge [sflag:s19], $0x200  }
0x19f: {  	[sflag:s19] =	ssyncset.done $0x0  }
0x1a0: {  	s0 =	simm.s32 $0x0;
	[sflag:s19] =	ssyncadd.s32 $0xFFFFFE00  }
0x1a1: {  	v0 =	vld [tilespmem:s0+$0x10000]  }
0x1a2: {  	s30 =	simm.s32 $0x40  }
.LBB2_27:
0x1a3: {  	p0 =	sne.s32 s30, $0x7C0  }
.Ltmp12:
0x1a4: {  	_ = 	snop;
	(pc) =	sbr.rel @p0 .LBB2_27-.Ltmp12, $4  }
0x1a5: {  	_ = 	snop  }
0x1a6: {  	s4 =	sshra.s32 s30, $0x2;
	s30 =	sadd.s32 $0x40, s30;
	v1 =	vcvt.s32.f32 v0  }
0x1a7: {  	v0 =	vld [tilespmem:s4+$0x10000]  }
0x1a8: {  	[tilespmem:s0+$0x10200] =	vst v1;
	s0 =	smov.u32 s4  }
0x1a9: {  	_ =	sdelay $0x2  }
0x1aa: {  	v0 =	vcvt.s32.f32 v0;
	_ =	sdelay $0x1  }
0x1ab: {  	[tilespmem:s0+$0x10200] =	vst v0  }
0x1ac: {  	v7 =	vld [tilespmem:$0x10200]  }
0x1ad: {  	v6 =	vld [tilespmem:$0x10210]  }
0x1ae: {  	v5 =	vld [tilespmem:$0x10220]  }
0x1af: {  	v4 =	vld [tilespmem:$0x10230]  }
0x1b0: {  	v3 =	vld [tilespmem:$0x10240]  }
0x1b1: {  	s31 =	simm.s32 $0x0;
	v1 =	vld [tilespmem:$0x10250]  }
0x1b2: {  	s18 =	sand.u32 $0x7000, s31;
	s4 =	sand.u32 $0x380, s31;
	v0 =	vld [tilespmem:$0x10260]  }
0x1b3: {  	s30 =	sor.u32 s4, s18;
	v2 =	vld [tilespmem:$0x10270]  }
0x1b4: {  	v8 =	vld [tilespmem:s30+$0x0]  }
0x1b5: {  	s4 =	simm.s32 $0x0;
	s0 =	simm.s32 $0x200;
	v9 =	vld [tilespmem:s30+$0x10]  }
.LBB2_29:
0x1b6: {  	p0 =	sne.s32 s0, $0x7E00;
	v10 =	vld [tilespmem:s4+$0x10400]  }
0x1b7: {  	v11 =	vld [tilespmem:s30+$0x20]  }
0x1b8: {  	v12 =	vld [tilespmem:s30+$0x30]  }
0x1b9: {  	v13 =	vld [tilespmem:s30+$0x40]  }
0x1ba: {  	v14 =	vld [tilespmem:s30+$0x50]  }
0x1bb: {  	v15 =	vmul.f32 v10, v7;
	v16 =	vmul.f32 v10, v6;
	v17 =	vld [tilespmem:s30+$0x60]  }
0x1bc: {  	v18 =	vmul.f32 v10, v5;
	v19 =	vmul.f32 v10, v4;
	v20 =	vld [tilespmem:s30+$0x70]  }
0x1bd: {  	v8 =	vadd.f32 v15, v8;
	v9 =	vadd.f32 v9, v16;
	v15 =	vmul.f32 v10, v3  }
0x1be: {  	v11 =	vadd.f32 v11, v18;
	v12 =	vadd.f32 v12, v19;
	v16 =	vmul.f32 v10, v1  }
0x1bf: {  	[tilespmem:s30+$0x8000] =	vst v8;
	v8 =	vadd.f32 v13, v15;
	v13 =	vmul.f32 v10, v0;
	v10 =	vmul.f32 v10, v2  }
0x1c0: {  	[tilespmem:s30+$0x8010] =	vst v9;
	v9 =	vadd.f32 v14, v16  }
0x1c1: {  	[tilespmem:s30+$0x8020] =	vst v11;
	v11 =	vadd.f32 v17, v13;
	v10 =	vadd.f32 v20, v10  }
.Ltmp13:
0x1c2: {  	s31 =	sadd.s32 $0x80, s31;
	[tilespmem:s30+$0x8030] =	vst v12;
	(pc) =	sbr.rel @p0 .LBB2_29-.Ltmp13, $4  }
0x1c3: {  	s4 =	sand.u32 $0x7000, s0;
	s18 =	sand.u32 $0x380, s31;
	[tilespmem:s30+$0x8040] =	vst v8  }
0x1c4: {  	s18 =	sor.u32 s18, s4;
	[tilespmem:s30+$0x8050] =	vst v9  }
0x1c5: {  	v8 =	vld [tilespmem:s18+$0x0];
	[tilespmem:s30+$0x8060] =	vst v11  }
0x1c6: {  	s4 =	sshra.s32 s0, $0x2;
	s0 =	sadd.s32 $0x200, s0;
	v9 =	vld [tilespmem:s18+$0x10];
	[tilespmem:s30+$0x8070] =	vst v10;
	s30 =	smov.u32 s18  }
0x1c7: {  	v10 =	vld [tilespmem:s4+$0x10400];
	_ =	sdelay $0x3  }
0x1c8: {  	v11 =	vld [tilespmem:s30+$0x20]  }
0x1c9: {  	v12 =	vld [tilespmem:s30+$0x30];
	v7 =	vmul.f32 v10, v7  }
0x1ca: {  	v13 =	vld [tilespmem:s30+$0x40];
	v6 =	vmul.f32 v10, v6  }
0x1cb: {  	v14 =	vld [tilespmem:s30+$0x50];
	v5 =	vmul.f32 v10, v5;
	v7 =	vadd.f32 v7, v8  }
0x1cc: {  	v15 =	vld [tilespmem:s30+$0x60];
	v4 =	vmul.f32 v10, v4;
	v6 =	vadd.f32 v9, v6  }
0x1cd: {  	v3 =	vmul.f32 v10, v3;
	v8 =	vld [tilespmem:s30+$0x70];
	v5 =	vadd.f32 v11, v5;
	[tilespmem:s30+$0x8000] =	vst v7  }
0x1ce: {  	v1 =	vmul.f32 v10, v1;
	v4 =	vadd.f32 v12, v4;
	[tilespmem:s30+$0x8010] =	vst v6  }
0x1cf: {  	v0 =	vmul.f32 v10, v0;
	v3 =	vadd.f32 v13, v3;
	[tilespmem:s30+$0x8020] =	vst v5  }
0x1d0: {  	v2 =	vmul.f32 v10, v2;
	v1 =	vadd.f32 v14, v1;
	[tilespmem:s30+$0x8030] =	vst v4  }
0x1d1: {  	v0 =	vadd.f32 v15, v0;
	[tilespmem:s30+$0x8040] =	vst v3  }
0x1d2: {  	[tilespmem:s30+$0x8050] =	vst v1;
	v2 =	vadd.f32 v8, v2  }
0x1d3: {  	[tilespmem:s30+$0x8060] =	vst v0  }
0x1d4: {  	[tilespmem:s30+$0x8070] =	vst v2  }
0x1d5: {  	v7 =	vld [tilespmem:$0x10280]  }
0x1d6: {  	v6 =	vld [tilespmem:$0x10290]  }
0x1d7: {  	v5 =	vld [tilespmem:$0x102A0]  }
0x1d8: {  	v4 =	vld [tilespmem:$0x102B0]  }
0x1d9: {  	v3 =	vld [tilespmem:$0x102C0]  }
0x1da: {  	s31 =	simm.s32 $0x0;
	v1 =	vld [tilespmem:$0x102D0]  }
0x1db: {  	s0 =	sand.u32 $0x7000, s31;
	s18 =	sand.u32 $0x380, s31;
	v0 =	vld [tilespmem:$0x102E0]  }
0x1dc: {  	s30 =	sor.u32 s18, s0;
	v2 =	vld [tilespmem:$0x102F0]  }
0x1dd: {  	v8 =	vld [tilespmem:s30+$0x400]  }
0x1de: {  	s4 =	simm.s32 $0x0;
	s0 =	simm.s32 $0x200;
	v9 =	vld [tilespmem:s30+$0x410]  }
.LBB2_31:
0x1df: {  	p0 =	sne.s32 s0, $0x7E00;
	v10 =	vld [tilespmem:s4+$0x10400]  }
0x1e0: {  	v11 =	vld [tilespmem:s30+$0x420]  }
0x1e1: {  	v12 =	vld [tilespmem:s30+$0x430]  }
0x1e2: {  	v13 =	vld [tilespmem:s30+$0x440]  }
0x1e3: {  	v14 =	vld [tilespmem:s30+$0x450]  }
0x1e4: {  	v15 =	vmul.f32 v10, v7;
	v16 =	vmul.f32 v10, v6;
	v17 =	vld [tilespmem:s30+$0x460]  }
0x1e5: {  	v18 =	vmul.f32 v10, v5;
	v19 =	vmul.f32 v10, v4;
	v20 =	vld [tilespmem:s30+$0x470]  }
0x1e6: {  	v8 =	vadd.f32 v15, v8;
	v9 =	vadd.f32 v9, v16;
	v15 =	vmul.f32 v10, v3  }
0x1e7: {  	v11 =	vadd.f32 v11, v18;
	v12 =	vadd.f32 v12, v19;
	v16 =	vmul.f32 v10, v1  }
0x1e8: {  	[tilespmem:s30+$0x8400] =	vst v8;
	v8 =	vadd.f32 v13, v15;
	v13 =	vmul.f32 v10, v0;
	v10 =	vmul.f32 v10, v2  }
0x1e9: {  	[tilespmem:s30+$0x8410] =	vst v9;
	v9 =	vadd.f32 v14, v16  }
0x1ea: {  	[tilespmem:s30+$0x8420] =	vst v11;
	v11 =	vadd.f32 v17, v13;
	v10 =	vadd.f32 v20, v10  }
.Ltmp14:
0x1eb: {  	s31 =	sadd.s32 $0x80, s31;
	[tilespmem:s30+$0x8430] =	vst v12;
	(pc) =	sbr.rel @p0 .LBB2_31-.Ltmp14, $4  }
0x1ec: {  	s4 =	sand.u32 $0x7000, s0;
	s18 =	sand.u32 $0x380, s31;
	[tilespmem:s30+$0x8440] =	vst v8  }
0x1ed: {  	s18 =	sor.u32 s18, s4;
	[tilespmem:s30+$0x8450] =	vst v9  }
0x1ee: {  	v8 =	vld [tilespmem:s18+$0x400];
	[tilespmem:s30+$0x8460] =	vst v11  }
0x1ef: {  	s4 =	sshra.s32 s0, $0x2;
	s0 =	sadd.s32 $0x200, s0;
	v9 =	vld [tilespmem:s18+$0x410];
	[tilespmem:s30+$0x8470] =	vst v10;
	s30 =	smov.u32 s18  }
0x1f0: {  	v10 =	vld [tilespmem:s4+$0x10400];
	_ =	sdelay $0x3  }
0x1f1: {  	v11 =	vld [tilespmem:s30+$0x420]  }
0x1f2: {  	v12 =	vld [tilespmem:s30+$0x430];
	v7 =	vmul.f32 v10, v7  }
0x1f3: {  	v13 =	vld [tilespmem:s30+$0x440];
	v6 =	vmul.f32 v10, v6  }
0x1f4: {  	v14 =	vld [tilespmem:s30+$0x450];
	v5 =	vmul.f32 v10, v5;
	v7 =	vadd.f32 v7, v8  }
0x1f5: {  	v15 =	vld [tilespmem:s30+$0x460];
	v4 =	vmul.f32 v10, v4;
	v6 =	vadd.f32 v9, v6  }
0x1f6: {  	v3 =	vmul.f32 v10, v3;
	v8 =	vld [tilespmem:s30+$0x470];
	v5 =	vadd.f32 v11, v5;
	[tilespmem:s30+$0x8400] =	vst v7  }
0x1f7: {  	v1 =	vmul.f32 v10, v1;
	v4 =	vadd.f32 v12, v4;
	[tilespmem:s30+$0x8410] =	vst v6  }
0x1f8: {  	v0 =	vmul.f32 v10, v0;
	v3 =	vadd.f32 v13, v3;
	[tilespmem:s30+$0x8420] =	vst v5  }
0x1f9: {  	v2 =	vmul.f32 v10, v2;
	v1 =	vadd.f32 v14, v1;
	[tilespmem:s30+$0x8430] =	vst v4  }
0x1fa: {  	v0 =	vadd.f32 v15, v0;
	[tilespmem:s30+$0x8440] =	vst v3  }
0x1fb: {  	[tilespmem:s30+$0x8450] =	vst v1;
	v2 =	vadd.f32 v8, v2  }
0x1fc: {  	[tilespmem:s30+$0x8460] =	vst v0  }
0x1fd: {  	[tilespmem:s30+$0x8470] =	vst v2  }
0x1fe: {  	v7 =	vld [tilespmem:$0x10300]  }
0x1ff: {  	v6 =	vld [tilespmem:$0x10310]  }
0x200: {  	v5 =	vld [tilespmem:$0x10320]  }
0x201: {  	v4 =	vld [tilespmem:$0x10330]  }
0x202: {  	v3 =	vld [tilespmem:$0x10340]  }
0x203: {  	s31 =	simm.s32 $0x0;
	v1 =	vld [tilespmem:$0x10350]  }
0x204: {  	s0 =	sand.u32 $0x7000, s31;
	s18 =	sand.u32 $0x380, s31;
	v0 =	vld [tilespmem:$0x10360]  }
0x205: {  	s30 =	sor.u32 s18, s0;
	v2 =	vld [tilespmem:$0x10370]  }
0x206: {  	v8 =	vld [tilespmem:s30+$0x800]  }
0x207: {  	s4 =	simm.s32 $0x0;
	s0 =	simm.s32 $0x200;
	v9 =	vld [tilespmem:s30+$0x810]  }
.LBB2_33:
0x208: {  	p0 =	sne.s32 s0, $0x7E00;
	v10 =	vld [tilespmem:s4+$0x10400]  }
0x209: {  	v11 =	vld [tilespmem:s30+$0x820]  }
0x20a: {  	v12 =	vld [tilespmem:s30+$0x830]  }
0x20b: {  	v13 =	vld [tilespmem:s30+$0x840]  }
0x20c: {  	v14 =	vld [tilespmem:s30+$0x850]  }
0x20d: {  	v15 =	vmul.f32 v10, v7;
	v16 =	vmul.f32 v10, v6;
	v17 =	vld [tilespmem:s30+$0x860]  }
0x20e: {  	v18 =	vmul.f32 v10, v5;
	v19 =	vmul.f32 v10, v4;
	v20 =	vld [tilespmem:s30+$0x870]  }
0x20f: {  	v8 =	vadd.f32 v15, v8;
	v9 =	vadd.f32 v9, v16;
	v15 =	vmul.f32 v10, v3  }
0x210: {  	v11 =	vadd.f32 v11, v18;
	v12 =	vadd.f32 v12, v19;
	v16 =	vmul.f32 v10, v1  }
0x211: {  	[tilespmem:s30+$0x8800] =	vst v8;
	v8 =	vadd.f32 v13, v15;
	v13 =	vmul.f32 v10, v0;
	v10 =	vmul.f32 v10, v2  }
0x212: {  	[tilespmem:s30+$0x8810] =	vst v9;
	v9 =	vadd.f32 v14, v16  }
0x213: {  	[tilespmem:s30+$0x8820] =	vst v11;
	v11 =	vadd.f32 v17, v13;
	v10 =	vadd.f32 v20, v10  }
.Ltmp15:
0x214: {  	s31 =	sadd.s32 $0x80, s31;
	[tilespmem:s30+$0x8830] =	vst v12;
	(pc) =	sbr.rel @p0 .LBB2_33-.Ltmp15, $4  }
0x215: {  	s4 =	sand.u32 $0x7000, s0;
	s18 =	sand.u32 $0x380, s31;
	[tilespmem:s30+$0x8840] =	vst v8  }
0x216: {  	s18 =	sor.u32 s18, s4;
	[tilespmem:s30+$0x8850] =	vst v9  }
0x217: {  	v8 =	vld [tilespmem:s18+$0x800];
	[tilespmem:s30+$0x8860] =	vst v11  }
0x218: {  	s4 =	sshra.s32 s0, $0x2;
	s0 =	sadd.s32 $0x200, s0;
	v9 =	vld [tilespmem:s18+$0x810];
	[tilespmem:s30+$0x8870] =	vst v10;
	s30 =	smov.u32 s18  }
0x219: {  	v10 =	vld [tilespmem:s4+$0x10400];
	_ =	sdelay $0x3  }
0x21a: {  	v11 =	vld [tilespmem:s30+$0x820]  }
0x21b: {  	v12 =	vld [tilespmem:s30+$0x830];
	v7 =	vmul.f32 v10, v7  }
0x21c: {  	v13 =	vld [tilespmem:s30+$0x840];
	v6 =	vmul.f32 v10, v6  }
0x21d: {  	v14 =	vld [tilespmem:s30+$0x850];
	v5 =	vmul.f32 v10, v5;
	v7 =	vadd.f32 v7, v8  }
0x21e: {  	v15 =	vld [tilespmem:s30+$0x860];
	v4 =	vmul.f32 v10, v4;
	v6 =	vadd.f32 v9, v6  }
0x21f: {  	v3 =	vmul.f32 v10, v3;
	v8 =	vld [tilespmem:s30+$0x870];
	v5 =	vadd.f32 v11, v5;
	[tilespmem:s30+$0x8800] =	vst v7  }
0x220: {  	v1 =	vmul.f32 v10, v1;
	v4 =	vadd.f32 v12, v4;
	[tilespmem:s30+$0x8810] =	vst v6  }
0x221: {  	v0 =	vmul.f32 v10, v0;
	v3 =	vadd.f32 v13, v3;
	[tilespmem:s30+$0x8820] =	vst v5  }
0x222: {  	v2 =	vmul.f32 v10, v2;
	v1 =	vadd.f32 v14, v1;
	[tilespmem:s30+$0x8830] =	vst v4  }
0x223: {  	v0 =	vadd.f32 v15, v0;
	[tilespmem:s30+$0x8840] =	vst v3  }
0x224: {  	[tilespmem:s30+$0x8850] =	vst v1;
	v2 =	vadd.f32 v8, v2  }
0x225: {  	[tilespmem:s30+$0x8860] =	vst v0  }
0x226: {  	[tilespmem:s30+$0x8870] =	vst v2  }
0x227: {  	v7 =	vld [tilespmem:$0x10380]  }
0x228: {  	v6 =	vld [tilespmem:$0x10390]  }
0x229: {  	v5 =	vld [tilespmem:$0x103A0]  }
0x22a: {  	v4 =	vld [tilespmem:$0x103B0]  }
0x22b: {  	v3 =	vld [tilespmem:$0x103C0]  }
0x22c: {  	s31 =	simm.s32 $0x0;
	v1 =	vld [tilespmem:$0x103D0]  }
0x22d: {  	s0 =	sand.u32 $0x7000, s31;
	s18 =	sand.u32 $0x380, s31;
	v0 =	vld [tilespmem:$0x103E0]  }
0x22e: {  	s30 =	sor.u32 s18, s0;
	v2 =	vld [tilespmem:$0x103F0]  }
0x22f: {  	v8 =	vld [tilespmem:s30+$0xC00]  }
0x230: {  	s4 =	simm.s32 $0x0;
	s0 =	simm.s32 $0x200;
	v9 =	vld [tilespmem:s30+$0xC10]  }
.LBB2_35:
0x231: {  	p0 =	sne.s32 s0, $0x7E00;
	v10 =	vld [tilespmem:s4+$0x10400]  }
0x232: {  	v11 =	vld [tilespmem:s30+$0xC20]  }
0x233: {  	v12 =	vld [tilespmem:s30+$0xC30]  }
0x234: {  	v13 =	vld [tilespmem:s30+$0xC40]  }
0x235: {  	v14 =	vld [tilespmem:s30+$0xC50]  }
0x236: {  	v15 =	vmul.f32 v10, v7;
	v16 =	vmul.f32 v10, v6;
	v17 =	vld [tilespmem:s30+$0xC60]  }
0x237: {  	v18 =	vmul.f32 v10, v5;
	v19 =	vmul.f32 v10, v4;
	v20 =	vld [tilespmem:s30+$0xC70]  }
0x238: {  	v8 =	vadd.f32 v15, v8;
	v9 =	vadd.f32 v9, v16;
	v15 =	vmul.f32 v10, v3  }
0x239: {  	v11 =	vadd.f32 v11, v18;
	v12 =	vadd.f32 v12, v19;
	v16 =	vmul.f32 v10, v1  }
0x23a: {  	[tilespmem:s30+$0x8C00] =	vst v8;
	v8 =	vadd.f32 v13, v15;
	v13 =	vmul.f32 v10, v0;
	v10 =	vmul.f32 v10, v2  }
0x23b: {  	[tilespmem:s30+$0x8C10] =	vst v9;
	v9 =	vadd.f32 v14, v16  }
0x23c: {  	[tilespmem:s30+$0x8C20] =	vst v11;
	v11 =	vadd.f32 v17, v13;
	v10 =	vadd.f32 v20, v10  }
.Ltmp16:
0x23d: {  	s31 =	sadd.s32 $0x80, s31;
	[tilespmem:s30+$0x8C30] =	vst v12;
	(pc) =	sbr.rel @p0 .LBB2_35-.Ltmp16, $4  }
0x23e: {  	s4 =	sand.u32 $0x7000, s0;
	s18 =	sand.u32 $0x380, s31;
	[tilespmem:s30+$0x8C40] =	vst v8  }
0x23f: {  	s18 =	sor.u32 s18, s4;
	[tilespmem:s30+$0x8C50] =	vst v9  }
0x240: {  	v8 =	vld [tilespmem:s18+$0xC00];
	[tilespmem:s30+$0x8C60] =	vst v11  }
0x241: {  	s4 =	sshra.s32 s0, $0x2;
	s0 =	sadd.s32 $0x200, s0;
	v9 =	vld [tilespmem:s18+$0xC10];
	[tilespmem:s30+$0x8C70] =	vst v10;
	s30 =	smov.u32 s18  }
0x242: {  	v10 =	vld [tilespmem:s4+$0x10400];
	_ =	sdelay $0x3  }
0x243: {  	v11 =	vld [tilespmem:s30+$0xC20]  }
0x244: {  	v12 =	vld [tilespmem:s30+$0xC30];
	v7 =	vmul.f32 v10, v7  }
0x245: {  	v13 =	vld [tilespmem:s30+$0xC40];
	v6 =	vmul.f32 v10, v6  }
0x246: {  	v14 =	vld [tilespmem:s30+$0xC50];
	v5 =	vmul.f32 v10, v5;
	v7 =	vadd.f32 v7, v8  }
0x247: {  	v15 =	vld [tilespmem:s30+$0xC60];
	v4 =	vmul.f32 v10, v4;
	v6 =	vadd.f32 v9, v6  }
0x248: {  	v63 =	vld [tilespmem:s30+$0xC70];
	v3 =	vmul.f32 v10, v3;
	v5 =	vadd.f32 v11, v5;
	[tilespmem:s30+$0x8C00] =	vst v7  }
0x249: {  	v1 =	vmul.f32 v10, v1;
	v4 =	vadd.f32 v12, v4;
	[tilespmem:s30+$0x8C10] =	vst v6  }
0x24a: {  	v0 =	vmul.f32 v10, v0;
	v3 =	vadd.f32 v13, v3;
	[tilespmem:s30+$0x8C20] =	vst v5  }
0x24b: {  	v2 =	vmul.f32 v10, v2;
	v1 =	vadd.f32 v14, v1;
	[tilespmem:s30+$0x8C30] =	vst v4  }
0x24c: {  	v0 =	vadd.f32 v15, v0;
	[tilespmem:s30+$0x8C40] =	vst v3  }
0x24d: {  	s28 =	sadd.s32 $0x1, s28;
	v2 =	vadd.f32 v63, v2;
	[tilespmem:s30+$0x8C50] =	vst v1  }
0x24e: {  	s0 =	sshll.u32 s29, $0xE;
	p0 =	sne.s32 s28, $0x20;
	[tilespmem:s30+$0x8C60] =	vst v0  }
.Ltmp17:
0x24f: {  	s0 =	sadd.s32 s0, s13;
	[tilespmem:s30+$0x8C70] =	vst v2;
	(pc) =	sbr.rel @p0 .LBB2_26-.Ltmp17, $4  }
0x250: {  	[hbm4b:s0+s20] =	stream.strided.scatter [tilespmem:s25], [sflag:$0x1], $0x8000, s21, s20, $0x38;
	[tilespmem:$0x12400] =	vst v63  }
0x251: {  	_ =	swait.ge [sflag:s19], $0x8000  }
0x252: {  	[sflag:s19] =	ssyncset.done $0x0  }
0x253: {  	[sflag:s19] =	ssyncadd.s32 $0xFFFF8000  }
0x254: {  	s28 =	simm.s32 $0x0  }
0x255: {  	[tilespmem:s28], [sflag:$0x1] =	stream.strided.gather [hbm4b:s14+s20], $0x8000, s21, s20, $0x38;
	[tilespmem:$0x12400] =	vst v63  }
0x256: {  	_ =	swait.ge [sflag:s19], $0x8000  }
0x257: {  	[sflag:s19] =	ssyncset.done $0x0  }
0x258: {  	[sflag:s19] =	ssyncadd.s32 $0xFFFF8000  }
.LBB2_38:
0x259: {  	s29 =	sor.u32 s7, s28  }
0x25a: {  	s4 =	sshll.u32 s28, $0x4;
	s0 =	sshll.u32 s29, $0x8  }
0x25b: {  	s4 =	sand.u32 $0x70, s4;
	s0 =	sand.u32 $0x3F800, s0  }
0x25c: {  	s0 =	sor.u32 s0, s4  }
0x25d: {  	s0 =	sadd.s32 s0, s15  }
0x25e: {  	[tilespmem:s24], [sflag:$0x1] =	stream.strided.gather [hbm4b:s0+s22], $0x200, s23, s22, $0x38;
	[tilespmem:$0x12400] =	vst v63  }
0x25f: {  	_ =	swait.ge [sflag:s19], $0x200  }
0x260: {  	[sflag:s19] =	ssyncset.done $0x0  }
0x261: {  	s0 =	simm.s32 $0x0;
	[sflag:s19] =	ssyncadd.s32 $0xFFFFFE00  }
0x262: {  	v0 =	vld [tilespmem:s0+$0x10000]  }
0x263: {  	s30 =	simm.s32 $0x40  }
.LBB2_39:
0x264: {  	p0 =	sne.s32 s30, $0x7C0  }
.Ltmp18:
0x265: {  	_ = 	snop;
	(pc) =	sbr.rel @p0 .LBB2_39-.Ltmp18, $4  }
0x266: {  	_ = 	snop  }
0x267: {  	s4 =	sshra.s32 s30, $0x2;
	s30 =	sadd.s32 $0x40, s30;
	v1 =	vcvt.s32.f32 v0  }
0x268: {  	v0 =	vld [tilespmem:s4+$0x10000]  }
0x269: {  	[tilespmem:s0+$0x10200] =	vst v1;
	s0 =	smov.u32 s4  }
0x26a: {  	_ =	sdelay $0x2  }
0x26b: {  	v0 =	vcvt.s32.f32 v0;
	_ =	sdelay $0x1  }
0x26c: {  	[tilespmem:s0+$0x10200] =	vst v0  }
0x26d: {  	v7 =	vld [tilespmem:$0x10200]  }
0x26e: {  	v6 =	vld [tilespmem:$0x10210]  }
0x26f: {  	v5 =	vld [tilespmem:$0x10220]  }
0x270: {  	v4 =	vld [tilespmem:$0x10230]  }
0x271: {  	v3 =	vld [tilespmem:$0x10240]  }
0x272: {  	s31 =	simm.s32 $0x0;
	v1 =	vld [tilespmem:$0x10250]  }
0x273: {  	s18 =	sand.u32 $0x7000, s31;
	s4 =	sand.u32 $0x380, s31;
	v0 =	vld [tilespmem:$0x10260]  }
0x274: {  	s30 =	sor.u32 s4, s18;
	v2 =	vld [tilespmem:$0x10270]  }
0x275: {  	v8 =	vld [tilespmem:s30+$0x0]  }
0x276: {  	s4 =	simm.s32 $0x0;
	s0 =	simm.s32 $0x200;
	v9 =	vld [tilespmem:s30+$0x10]  }
.LBB2_41:
0x277: {  	p0 =	sne.s32 s0, $0x7E00;
	v10 =	vld [tilespmem:s4+$0x10400]  }
0x278: {  	v11 =	vld [tilespmem:s30+$0x20]  }
0x279: {  	v12 =	vld [tilespmem:s30+$0x30]  }
0x27a: {  	v13 =	vld [tilespmem:s30+$0x40]  }
0x27b: {  	v14 =	vld [tilespmem:s30+$0x50]  }
0x27c: {  	v15 =	vmul.f32 v10, v7;
	v16 =	vmul.f32 v10, v6;
	v17 =	vld [tilespmem:s30+$0x60]  }
0x27d: {  	v18 =	vmul.f32 v10, v5;
	v19 =	vmul.f32 v10, v4;
	v20 =	vld [tilespmem:s30+$0x70]  }
0x27e: {  	v8 =	vadd.f32 v15, v8;
	v9 =	vadd.f32 v9, v16;
	v15 =	vmul.f32 v10, v3  }
0x27f: {  	v11 =	vadd.f32 v11, v18;
	v12 =	vadd.f32 v12, v19;
	v16 =	vmul.f32 v10, v1  }
0x280: {  	[tilespmem:s30+$0x8000] =	vst v8;
	v8 =	vadd.f32 v13, v15;
	v13 =	vmul.f32 v10, v0;
	v10 =	vmul.f32 v10, v2  }
0x281: {  	[tilespmem:s30+$0x8010] =	vst v9;
	v9 =	vadd.f32 v14, v16  }
0x282: {  	[tilespmem:s30+$0x8020] =	vst v11;
	v11 =	vadd.f32 v17, v13;
	v10 =	vadd.f32 v20, v10  }
.Ltmp19:
0x283: {  	s31 =	sadd.s32 $0x80, s31;
	[tilespmem:s30+$0x8030] =	vst v12;
	(pc) =	sbr.rel @p0 .LBB2_41-.Ltmp19, $4  }
0x284: {  	s4 =	sand.u32 $0x7000, s0;
	s18 =	sand.u32 $0x380, s31;
	[tilespmem:s30+$0x8040] =	vst v8  }
0x285: {  	s18 =	sor.u32 s18, s4;
	[tilespmem:s30+$0x8050] =	vst v9  }
0x286: {  	v8 =	vld [tilespmem:s18+$0x0];
	[tilespmem:s30+$0x8060] =	vst v11  }
0x287: {  	s4 =	sshra.s32 s0, $0x2;
	s0 =	sadd.s32 $0x200, s0;
	v9 =	vld [tilespmem:s18+$0x10];
	[tilespmem:s30+$0x8070] =	vst v10;
	s30 =	smov.u32 s18  }
0x288: {  	v10 =	vld [tilespmem:s4+$0x10400];
	_ =	sdelay $0x3  }
0x289: {  	v11 =	vld [tilespmem:s30+$0x20]  }
0x28a: {  	v12 =	vld [tilespmem:s30+$0x30];
	v7 =	vmul.f32 v10, v7  }
0x28b: {  	v13 =	vld [tilespmem:s30+$0x40];
	v6 =	vmul.f32 v10, v6  }
0x28c: {  	v14 =	vld [tilespmem:s30+$0x50];
	v5 =	vmul.f32 v10, v5;
	v7 =	vadd.f32 v7, v8  }
0x28d: {  	v15 =	vld [tilespmem:s30+$0x60];
	v4 =	vmul.f32 v10, v4;
	v6 =	vadd.f32 v9, v6  }
0x28e: {  	v3 =	vmul.f32 v10, v3;
	v8 =	vld [tilespmem:s30+$0x70];
	v5 =	vadd.f32 v11, v5;
	[tilespmem:s30+$0x8000] =	vst v7  }
0x28f: {  	v1 =	vmul.f32 v10, v1;
	v4 =	vadd.f32 v12, v4;
	[tilespmem:s30+$0x8010] =	vst v6  }
0x290: {  	v0 =	vmul.f32 v10, v0;
	v3 =	vadd.f32 v13, v3;
	[tilespmem:s30+$0x8020] =	vst v5  }
0x291: {  	v2 =	vmul.f32 v10, v2;
	v1 =	vadd.f32 v14, v1;
	[tilespmem:s30+$0x8030] =	vst v4  }
0x292: {  	v0 =	vadd.f32 v15, v0;
	[tilespmem:s30+$0x8040] =	vst v3  }
0x293: {  	[tilespmem:s30+$0x8050] =	vst v1;
	v2 =	vadd.f32 v8, v2  }
0x294: {  	[tilespmem:s30+$0x8060] =	vst v0  }
0x295: {  	[tilespmem:s30+$0x8070] =	vst v2  }
0x296: {  	v7 =	vld [tilespmem:$0x10280]  }
0x297: {  	v6 =	vld [tilespmem:$0x10290]  }
0x298: {  	v5 =	vld [tilespmem:$0x102A0]  }
0x299: {  	v4 =	vld [tilespmem:$0x102B0]  }
0x29a: {  	v3 =	vld [tilespmem:$0x102C0]  }
0x29b: {  	s31 =	simm.s32 $0x0;
	v1 =	vld [tilespmem:$0x102D0]  }
0x29c: {  	s0 =	sand.u32 $0x7000, s31;
	s18 =	sand.u32 $0x380, s31;
	v0 =	vld [tilespmem:$0x102E0]  }
0x29d: {  	s30 =	sor.u32 s18, s0;
	v2 =	vld [tilespmem:$0x102F0]  }
0x29e: {  	v8 =	vld [tilespmem:s30+$0x400]  }
0x29f: {  	s4 =	simm.s32 $0x0;
	s0 =	simm.s32 $0x200;
	v9 =	vld [tilespmem:s30+$0x410]  }
.LBB2_43:
0x2a0: {  	p0 =	sne.s32 s0, $0x7E00;
	v10 =	vld [tilespmem:s4+$0x10400]  }
0x2a1: {  	v11 =	vld [tilespmem:s30+$0x420]  }
0x2a2: {  	v12 =	vld [tilespmem:s30+$0x430]  }
0x2a3: {  	v13 =	vld [tilespmem:s30+$0x440]  }
0x2a4: {  	v14 =	vld [tilespmem:s30+$0x450]  }
0x2a5: {  	v15 =	vmul.f32 v10, v7;
	v16 =	vmul.f32 v10, v6;
	v17 =	vld [tilespmem:s30+$0x460]  }
0x2a6: {  	v18 =	vmul.f32 v10, v5;
	v19 =	vmul.f32 v10, v4;
	v20 =	vld [tilespmem:s30+$0x470]  }
0x2a7: {  	v8 =	vadd.f32 v15, v8;
	v9 =	vadd.f32 v9, v16;
	v15 =	vmul.f32 v10, v3  }
0x2a8: {  	v11 =	vadd.f32 v11, v18;
	v12 =	vadd.f32 v12, v19;
	v16 =	vmul.f32 v10, v1  }
0x2a9: {  	[tilespmem:s30+$0x8400] =	vst v8;
	v8 =	vadd.f32 v13, v15;
	v13 =	vmul.f32 v10, v0;
	v10 =	vmul.f32 v10, v2  }
0x2aa: {  	[tilespmem:s30+$0x8410] =	vst v9;
	v9 =	vadd.f32 v14, v16  }
0x2ab: {  	[tilespmem:s30+$0x8420] =	vst v11;
	v11 =	vadd.f32 v17, v13;
	v10 =	vadd.f32 v20, v10  }
.Ltmp20:
0x2ac: {  	s31 =	sadd.s32 $0x80, s31;
	[tilespmem:s30+$0x8430] =	vst v12;
	(pc) =	sbr.rel @p0 .LBB2_43-.Ltmp20, $4  }
0x2ad: {  	s4 =	sand.u32 $0x7000, s0;
	s18 =	sand.u32 $0x380, s31;
	[tilespmem:s30+$0x8440] =	vst v8  }
0x2ae: {  	s18 =	sor.u32 s18, s4;
	[tilespmem:s30+$0x8450] =	vst v9  }
0x2af: {  	v8 =	vld [tilespmem:s18+$0x400];
	[tilespmem:s30+$0x8460] =	vst v11  }
0x2b0: {  	s4 =	sshra.s32 s0, $0x2;
	s0 =	sadd.s32 $0x200, s0;
	v9 =	vld [tilespmem:s18+$0x410];
	[tilespmem:s30+$0x8470] =	vst v10;
	s30 =	smov.u32 s18  }
0x2b1: {  	v10 =	vld [tilespmem:s4+$0x10400];
	_ =	sdelay $0x3  }
0x2b2: {  	v11 =	vld [tilespmem:s30+$0x420]  }
0x2b3: {  	v12 =	vld [tilespmem:s30+$0x430];
	v7 =	vmul.f32 v10, v7  }
0x2b4: {  	v13 =	vld [tilespmem:s30+$0x440];
	v6 =	vmul.f32 v10, v6  }
0x2b5: {  	v14 =	vld [tilespmem:s30+$0x450];
	v5 =	vmul.f32 v10, v5;
	v7 =	vadd.f32 v7, v8  }
0x2b6: {  	v15 =	vld [tilespmem:s30+$0x460];
	v4 =	vmul.f32 v10, v4;
	v6 =	vadd.f32 v9, v6  }
0x2b7: {  	v3 =	vmul.f32 v10, v3;
	v8 =	vld [tilespmem:s30+$0x470];
	v5 =	vadd.f32 v11, v5;
	[tilespmem:s30+$0x8400] =	vst v7  }
0x2b8: {  	v1 =	vmul.f32 v10, v1;
	v4 =	vadd.f32 v12, v4;
	[tilespmem:s30+$0x8410] =	vst v6  }
0x2b9: {  	v0 =	vmul.f32 v10, v0;
	v3 =	vadd.f32 v13, v3;
	[tilespmem:s30+$0x8420] =	vst v5  }
0x2ba: {  	v2 =	vmul.f32 v10, v2;
	v1 =	vadd.f32 v14, v1;
	[tilespmem:s30+$0x8430] =	vst v4  }
0x2bb: {  	v0 =	vadd.f32 v15, v0;
	[tilespmem:s30+$0x8440] =	vst v3  }
0x2bc: {  	[tilespmem:s30+$0x8450] =	vst v1;
	v2 =	vadd.f32 v8, v2  }
0x2bd: {  	[tilespmem:s30+$0x8460] =	vst v0  }
0x2be: {  	[tilespmem:s30+$0x8470] =	vst v2  }
0x2bf: {  	v7 =	vld [tilespmem:$0x10300]  }
0x2c0: {  	v6 =	vld [tilespmem:$0x10310]  }
0x2c1: {  	v5 =	vld [tilespmem:$0x10320]  }
0x2c2: {  	v4 =	vld [tilespmem:$0x10330]  }
0x2c3: {  	v3 =	vld [tilespmem:$0x10340]  }
0x2c4: {  	s31 =	simm.s32 $0x0;
	v1 =	vld [tilespmem:$0x10350]  }
0x2c5: {  	s0 =	sand.u32 $0x7000, s31;
	s18 =	sand.u32 $0x380, s31;
	v0 =	vld [tilespmem:$0x10360]  }
0x2c6: {  	s30 =	sor.u32 s18, s0;
	v2 =	vld [tilespmem:$0x10370]  }
0x2c7: {  	v8 =	vld [tilespmem:s30+$0x800]  }
0x2c8: {  	s4 =	simm.s32 $0x0;
	s0 =	simm.s32 $0x200;
	v9 =	vld [tilespmem:s30+$0x810]  }
.LBB2_45:
0x2c9: {  	p0 =	sne.s32 s0, $0x7E00;
	v10 =	vld [tilespmem:s4+$0x10400]  }
0x2ca: {  	v11 =	vld [tilespmem:s30+$0x820]  }
0x2cb: {  	v12 =	vld [tilespmem:s30+$0x830]  }
0x2cc: {  	v13 =	vld [tilespmem:s30+$0x840]  }
0x2cd: {  	v14 =	vld [tilespmem:s30+$0x850]  }
0x2ce: {  	v15 =	vmul.f32 v10, v7;
	v16 =	vmul.f32 v10, v6;
	v17 =	vld [tilespmem:s30+$0x860]  }
0x2cf: {  	v18 =	vmul.f32 v10, v5;
	v19 =	vmul.f32 v10, v4;
	v20 =	vld [tilespmem:s30+$0x870]  }
0x2d0: {  	v8 =	vadd.f32 v15, v8;
	v9 =	vadd.f32 v9, v16;
	v15 =	vmul.f32 v10, v3  }
0x2d1: {  	v11 =	vadd.f32 v11, v18;
	v12 =	vadd.f32 v12, v19;
	v16 =	vmul.f32 v10, v1  }
0x2d2: {  	[tilespmem:s30+$0x8800] =	vst v8;
	v8 =	vadd.f32 v13, v15;
	v13 =	vmul.f32 v10, v0;
	v10 =	vmul.f32 v10, v2  }
0x2d3: {  	[tilespmem:s30+$0x8810] =	vst v9;
	v9 =	vadd.f32 v14, v16  }
0x2d4: {  	[tilespmem:s30+$0x8820] =	vst v11;
	v11 =	vadd.f32 v17, v13;
	v10 =	vadd.f32 v20, v10  }
.Ltmp21:
0x2d5: {  	s31 =	sadd.s32 $0x80, s31;
	[tilespmem:s30+$0x8830] =	vst v12;
	(pc) =	sbr.rel @p0 .LBB2_45-.Ltmp21, $4  }
0x2d6: {  	s4 =	sand.u32 $0x7000, s0;
	s18 =	sand.u32 $0x380, s31;
	[tilespmem:s30+$0x8840] =	vst v8  }
0x2d7: {  	s18 =	sor.u32 s18, s4;
	[tilespmem:s30+$0x8850] =	vst v9  }
0x2d8: {  	v8 =	vld [tilespmem:s18+$0x800];
	[tilespmem:s30+$0x8860] =	vst v11  }
0x2d9: {  	s4 =	sshra.s32 s0, $0x2;
	s0 =	sadd.s32 $0x200, s0;
	v9 =	vld [tilespmem:s18+$0x810];
	[tilespmem:s30+$0x8870] =	vst v10;
	s30 =	smov.u32 s18  }
0x2da: {  	v10 =	vld [tilespmem:s4+$0x10400];
	_ =	sdelay $0x3  }
0x2db: {  	v11 =	vld [tilespmem:s30+$0x820]  }
0x2dc: {  	v12 =	vld [tilespmem:s30+$0x830];
	v7 =	vmul.f32 v10, v7  }
0x2dd: {  	v13 =	vld [tilespmem:s30+$0x840];
	v6 =	vmul.f32 v10, v6  }
0x2de: {  	v14 =	vld [tilespmem:s30+$0x850];
	v5 =	vmul.f32 v10, v5;
	v7 =	vadd.f32 v7, v8  }
0x2df: {  	v15 =	vld [tilespmem:s30+$0x860];
	v4 =	vmul.f32 v10, v4;
	v6 =	vadd.f32 v9, v6  }
0x2e0: {  	v3 =	vmul.f32 v10, v3;
	v8 =	vld [tilespmem:s30+$0x870];
	v5 =	vadd.f32 v11, v5;
	[tilespmem:s30+$0x8800] =	vst v7  }
0x2e1: {  	v1 =	vmul.f32 v10, v1;
	v4 =	vadd.f32 v12, v4;
	[tilespmem:s30+$0x8810] =	vst v6  }
0x2e2: {  	v0 =	vmul.f32 v10, v0;
	v3 =	vadd.f32 v13, v3;
	[tilespmem:s30+$0x8820] =	vst v5  }
0x2e3: {  	v2 =	vmul.f32 v10, v2;
	v1 =	vadd.f32 v14, v1;
	[tilespmem:s30+$0x8830] =	vst v4  }
0x2e4: {  	v0 =	vadd.f32 v15, v0;
	[tilespmem:s30+$0x8840] =	vst v3  }
0x2e5: {  	[tilespmem:s30+$0x8850] =	vst v1;
	v2 =	vadd.f32 v8, v2  }
0x2e6: {  	[tilespmem:s30+$0x8860] =	vst v0  }
0x2e7: {  	[tilespmem:s30+$0x8870] =	vst v2  }
0x2e8: {  	v7 =	vld [tilespmem:$0x10380]  }
0x2e9: {  	v6 =	vld [tilespmem:$0x10390]  }
0x2ea: {  	v5 =	vld [tilespmem:$0x103A0]  }
0x2eb: {  	v4 =	vld [tilespmem:$0x103B0]  }
0x2ec: {  	v3 =	vld [tilespmem:$0x103C0]  }
0x2ed: {  	s31 =	simm.s32 $0x0;
	v1 =	vld [tilespmem:$0x103D0]  }
0x2ee: {  	s0 =	sand.u32 $0x7000, s31;
	s18 =	sand.u32 $0x380, s31;
	v0 =	vld [tilespmem:$0x103E0]  }
0x2ef: {  	s30 =	sor.u32 s18, s0;
	v2 =	vld [tilespmem:$0x103F0]  }
0x2f0: {  	v8 =	vld [tilespmem:s30+$0xC00]  }
0x2f1: {  	s4 =	simm.s32 $0x0;
	s0 =	simm.s32 $0x200;
	v9 =	vld [tilespmem:s30+$0xC10]  }
.LBB2_47:
0x2f2: {  	p0 =	sne.s32 s0, $0x7E00;
	v10 =	vld [tilespmem:s4+$0x10400]  }
0x2f3: {  	v11 =	vld [tilespmem:s30+$0xC20]  }
0x2f4: {  	v12 =	vld [tilespmem:s30+$0xC30]  }
0x2f5: {  	v13 =	vld [tilespmem:s30+$0xC40]  }
0x2f6: {  	v14 =	vld [tilespmem:s30+$0xC50]  }
0x2f7: {  	v15 =	vmul.f32 v10, v7;
	v16 =	vmul.f32 v10, v6;
	v17 =	vld [tilespmem:s30+$0xC60]  }
0x2f8: {  	v18 =	vmul.f32 v10, v5;
	v19 =	vmul.f32 v10, v4;
	v20 =	vld [tilespmem:s30+$0xC70]  }
0x2f9: {  	v8 =	vadd.f32 v15, v8;
	v9 =	vadd.f32 v9, v16;
	v15 =	vmul.f32 v10, v3  }
0x2fa: {  	v11 =	vadd.f32 v11, v18;
	v12 =	vadd.f32 v12, v19;
	v16 =	vmul.f32 v10, v1  }
0x2fb: {  	[tilespmem:s30+$0x8C00] =	vst v8;
	v8 =	vadd.f32 v13, v15;
	v13 =	vmul.f32 v10, v0;
	v10 =	vmul.f32 v10, v2  }
0x2fc: {  	[tilespmem:s30+$0x8C10] =	vst v9;
	v9 =	vadd.f32 v14, v16  }
0x2fd: {  	[tilespmem:s30+$0x8C20] =	vst v11;
	v11 =	vadd.f32 v17, v13;
	v10 =	vadd.f32 v20, v10  }
.Ltmp22:
0x2fe: {  	s31 =	sadd.s32 $0x80, s31;
	[tilespmem:s30+$0x8C30] =	vst v12;
	(pc) =	sbr.rel @p0 .LBB2_47-.Ltmp22, $4  }
0x2ff: {  	s4 =	sand.u32 $0x7000, s0;
	s18 =	sand.u32 $0x380, s31;
	[tilespmem:s30+$0x8C40] =	vst v8  }
0x300: {  	s18 =	sor.u32 s18, s4;
	[tilespmem:s30+$0x8C50] =	vst v9  }
0x301: {  	v8 =	vld [tilespmem:s18+$0xC00];
	[tilespmem:s30+$0x8C60] =	vst v11  }
0x302: {  	s4 =	sshra.s32 s0, $0x2;
	s0 =	sadd.s32 $0x200, s0;
	v9 =	vld [tilespmem:s18+$0xC10];
	[tilespmem:s30+$0x8C70] =	vst v10;
	s30 =	smov.u32 s18  }
0x303: {  	v10 =	vld [tilespmem:s4+$0x10400];
	_ =	sdelay $0x3  }
0x304: {  	v11 =	vld [tilespmem:s30+$0xC20]  }
0x305: {  	v12 =	vld [tilespmem:s30+$0xC30];
	v7 =	vmul.f32 v10, v7  }
0x306: {  	v13 =	vld [tilespmem:s30+$0xC40];
	v6 =	vmul.f32 v10, v6  }
0x307: {  	v14 =	vld [tilespmem:s30+$0xC50];
	v5 =	vmul.f32 v10, v5;
	v7 =	vadd.f32 v7, v8  }
0x308: {  	v15 =	vld [tilespmem:s30+$0xC60];
	v4 =	vmul.f32 v10, v4;
	v6 =	vadd.f32 v9, v6  }
0x309: {  	v63 =	vld [tilespmem:s30+$0xC70];
	v3 =	vmul.f32 v10, v3;
	v5 =	vadd.f32 v11, v5;
	[tilespmem:s30+$0x8C00] =	vst v7  }
0x30a: {  	v1 =	vmul.f32 v10, v1;
	v4 =	vadd.f32 v12, v4;
	[tilespmem:s30+$0x8C10] =	vst v6  }
0x30b: {  	v0 =	vmul.f32 v10, v0;
	v3 =	vadd.f32 v13, v3;
	[tilespmem:s30+$0x8C20] =	vst v5  }
0x30c: {  	v2 =	vmul.f32 v10, v2;
	v1 =	vadd.f32 v14, v1;
	[tilespmem:s30+$0x8C30] =	vst v4  }
0x30d: {  	v0 =	vadd.f32 v15, v0;
	[tilespmem:s30+$0x8C40] =	vst v3  }
0x30e: {  	s28 =	sadd.s32 $0x1, s28;
	v2 =	vadd.f32 v63, v2;
	[tilespmem:s30+$0x8C50] =	vst v1  }
0x30f: {  	s0 =	sshll.u32 s29, $0xE;
	p0 =	sne.s32 s28, $0x20;
	[tilespmem:s30+$0x8C60] =	vst v0  }
.Ltmp23:
0x310: {  	s0 =	sadd.s32 s0, s16;
	[tilespmem:s30+$0x8C70] =	vst v2;
	(pc) =	sbr.rel @p0 .LBB2_38-.Ltmp23, $4  }
0x311: {  	[hbm4b:s0+s20] =	stream.strided.scatter [tilespmem:s25], [sflag:$0x1], $0x8000, s21, s20, $0x38;
	[tilespmem:$0x12400] =	vst v63  }
0x312: {  	_ =	swait.ge [sflag:s19], $0x8000  }
0x313: {  	[sflag:s19] =	ssyncset.done $0x0  }
0x314: {  	[sflag:s19] =	ssyncadd.s32 $0xFFFF8000  }
0x315: {  	s26 =	sadd.s32 $0x1, s26  }
0x316: {  	p0 =	sne.s32 s26, s17  }
.Ltmp24:
0x317: {  	_ = 	snop;
	(pc) =	sbr.rel @p0 .LBB2_1-.Ltmp24, $1  }
0x318: {  	_ =	sdelay $0x3  }
0x319: {  	_ =	sfence.sel $0x180000  }
0x31a: {  	[bflag:$0x0] =	sbarrier.arrive $0xFFFF  }
0x31b: {  	_ =	strace $0x90000047  }
0x31c: {  	s0 =	stileid.u32;
	[bflag:$0x2] =	sbarrier.arrive $0xFFFF  }
0x31d: {  	p0 =	sne.s32 s0, $0x0;
	s0 =	rddreg [dreg:$0x3]  }
0x31e: {  	s0 =	sadd.s32 @!p0 $0x100000, s0  }
0x31f: {  	[sflag:s0] =	ssyncadd.tile.s32 @!p0 $0x1;
	_ =	shalt  }
.Lfunc_end2:
_tile_overlayer_lowered:
.L_overlay_start_2:
0x320: {  	(tag) =	ssettag $0x2  }
0x321: {  	s0 =	rddreg [dreg:$0x0];
	s2 =	stileid.u32  }
0x322: {  	s1 =	rddreg [dreg:$0x1];
	p0 =	sne.s32 s2, $0x0  }
0x323: {  	s3 =	rddreg [dreg:$0x2];
	[bflag:$0x3] =	sbarrier.arrive $0xFFFF;
	s2 =	simm.s32 @!p0 $0x1C01  }
0x324: {  	[timem:s3], [sflag:s2] =	dma.local @!p0 [hbm:s0], s1  }
0x325: {  	s0 =	simm.s32 @!p0 $0x1  }
0x326: {  	_ =	swait.ge @!p0 [sflag:s0], s1  }
0x327: {  	s1 =	ssub.s32 @!p0 $0x0, s1;
	[sflag:s0] =	ssyncset.done @!p0 $0x0  }
0x328: {  	[sflag:s0] =	ssyncadd.s32 @!p0 s1  }
0x329: {  	[bflag:$0x3] =	sbarrier.arrive $0xFFFF  }
0x32a: {  	_ =	shalt  }

</sc_bundles>
